<compile_context>
chip_gen: v7x
topology: tpu7x:2x2x1
jax: 0.10.2.dev20260603
libtpu: 0.0.44.dev20260713+nightly
codegen_flags: <defaults>
</compile_context>

<pallas_src>
import functools

import jax
import jax.numpy as jnp
from jax.experimental import pallas as pl
from jax.experimental.pallas import tpu as pltpu

NGRAPH = 128
L = 3
BR = 1000


def _edge_segment_sum(h, src, dst, n):
    return jax.ops.segment_sum(h[src], dst, num_segments=n)



def _gin3_layer_body(h_ref, agg_ref, w1_ref, b1_ref, w2_ref, b2_ref,
                     eps_ref, o_ref):
    k = pl.program_id(1)
    z = (1.0 + eps_ref[k]) * h_ref[...] + agg_ref[...]
    h2 = jnp.maximum(_mm(z, w1_ref[0]) + b1_ref[0, 0], 0.0)
    o_ref[...] = jnp.maximum(_mm(h2, w2_ref[0]) + b2_ref[0, 0], 0.0)


def _gin3_layer(h, agg, eps3, w13, b13, w23, b23, shared_in):
    n = h.shape[0]
    d = w13.shape[1]
    hh = w13.shape[2]
    nb = n // BR
    if shared_in:
        hmap = lambda i, k: (i, 0)
    else:
        hmap = lambda i, k: (i, k)
    return pl.pallas_call(
        _gin3_layer_body,
        grid=(nb, 3),
        in_specs=[
            pl.BlockSpec((BR, d), hmap),
            pl.BlockSpec((BR, d), hmap),
            pl.BlockSpec((1, d, hh), lambda i, k: (k, 0, 0)),
            pl.BlockSpec((1, 1, hh), lambda i, k: (k, 0, 0)),
            pl.BlockSpec((1, hh, hh), lambda i, k: (k, 0, 0)),
            pl.BlockSpec((1, 1, hh), lambda i, k: (k, 0, 0)),
            pl.BlockSpec(memory_space=pltpu.SMEM),
        ],
        out_specs=pl.BlockSpec((BR, hh), lambda i, k: (i, k)),
        out_shape=jax.ShapeDtypeStruct((n, 3 * hh), jnp.float32),
    )(h, agg, w13, b13.reshape(3, 1, hh), w23, b23.reshape(3, 1, hh), eps3)



def _pool_body(h_ref, b3_ref, s_ref, c_ref):
    i = pl.program_id(0)
    bvec = b3_ref[0, 0, :]
    onehot = (bvec[:, None] == jax.lax.broadcasted_iota(
        jnp.int32, (1, NGRAPH), 1)).astype(jnp.float32)

    @pl.when(i == 0)
    def _():
        s_ref[...] = jnp.zeros_like(s_ref)
        c_ref[...] = jnp.zeros_like(c_ref)

    s_ref[...] += jax.lax.dot_general(
        onehot, h_ref[...], (((0,), (0,)), ((), ())),
        preferred_element_type=jnp.float32,
        precision=jax.lax.Precision.HIGHEST)
    c_ref[...] += jax.lax.dot_general(
        onehot, jnp.ones((onehot.shape[0], 1), jnp.float32),
        (((0,), (0,)), ((), ())), preferred_element_type=jnp.float32,
        precision=jax.lax.Precision.HIGHEST)


def _pool_sums(h, batch3):
    n, d = h.shape
    nb = n // BR
    return pl.pallas_call(
        _pool_body,
        grid=(nb,),
        in_specs=[
            pl.BlockSpec((BR, d), lambda i: (i, 0)),
            pl.BlockSpec((1, 1, BR), lambda i: (i, 0, 0)),
        ],
        out_specs=[
            pl.BlockSpec((NGRAPH, d), lambda i: (0, 0)),
            pl.BlockSpec((NGRAPH, 1), lambda i: (0, 0)),
        ],
        out_shape=[
            jax.ShapeDtypeStruct((NGRAPH, d), jnp.float32),
            jax.ShapeDtypeStruct((NGRAPH, 1), jnp.float32),
        ],
    )(h, batch3)



def _bn_relu(h, g, be):
    m = jnp.mean(h, axis=0, keepdims=True)
    v = jnp.mean((h - m) * (h - m), axis=0, keepdims=True)
    return jnp.maximum(g * (h - m) / jnp.sqrt(v + 1e-5) + be, 0.0)


def _mm(a, w):
    return jnp.dot(a, w, preferred_element_type=jnp.float32)


def _mm_exact(a, w):
    return jnp.dot(a, w, preferred_element_type=jnp.float32,
                   precision=jax.lax.Precision.HIGHEST)


def _outmlp_body(s_ref, c_ref, w1, b1, g1, be1, w2, b2, g2, be2, w3, b3,
                 y_ref):
    gfg = s_ref[...] / jnp.maximum(c_ref[...], 1.0)
    h = _bn_relu(_mm(gfg, w1[...]) + b1[...], g1[...], be1[...])
    h = _bn_relu(_mm(h, w2[...]) + b2[...], g2[...], be2[...])
    logits = _mm(h, w3[...]) + b3[...]
    m = jnp.max(logits, axis=-1, keepdims=True)
    e = jnp.exp(logits - m)
    y_ref[...] = e / jnp.sum(e, axis=-1, keepdims=True)


def _outmlp(s, c, p):
    args = (s, c,
            p['outmlp_W1'], p['outmlp_b1'].reshape(1, -1),
            p['outmlp_g1'].reshape(1, -1), p['outmlp_be1'].reshape(1, -1),
            p['outmlp_W2'], p['outmlp_b2'].reshape(1, -1),
            p['outmlp_g2'].reshape(1, -1), p['outmlp_be2'].reshape(1, -1),
            p['outmlp_W3'], p['outmlp_b3'].reshape(1, -1))
    return pl.pallas_call(
        _outmlp_body,
        out_shape=jax.ShapeDtypeStruct((NGRAPH, p['outmlp_W3'].shape[1]),
                                       jnp.float32),
    )(*args)


def _heads_body(s_ref, c_ref, y_ref, w1a, w1b, b1, g1, be1, w2, b2,
                ew1, eb1, eg1, ebe1, ew2, eb2, gr_ref, env_ref):
    geg = s_ref[...] / jnp.maximum(c_ref[...], 1.0)
    h = _mm(geg, w1a[...]) + _mm(y_ref[...], w1b[...]) + b1[...]
    h = _bn_relu(h, g1[...], be1[...])
    gr = jax.nn.sigmoid(_mm(h, w2[...]) + b2[...])
    gr_ref[...] = gr
    he = _bn_relu(_mm(gr, ew1[...]) + eb1[...], eg1[...], ebe1[...])
    env_ref[...] = _mm(he, ew2[...]) + eb2[...]


def _graph_heads(s, c, y, p):
    hdim = p['lfenv_W2'].shape[1]
    w1 = p['lfenv_W1']
    args = (s, c, y,
            w1[:hdim], w1[hdim:], p['lfenv_b1'].reshape(1, -1),
            p['lfenv_g1'].reshape(1, -1), p['lfenv_be1'].reshape(1, -1),
            p['lfenv_W2'], p['lfenv_b2'].reshape(1, -1),
            p['envp_W1'], p['envp_b1'].reshape(1, -1),
            p['envp_g1'].reshape(1, -1), p['envp_be1'].reshape(1, -1),
            p['envp_W2'], p['envp_b2'].reshape(1, -1))
    return pl.pallas_call(
        _heads_body,
        out_shape=[
            jax.ShapeDtypeStruct((NGRAPH, hdim), jnp.float32),
            jax.ShapeDtypeStruct((NGRAPH, p['envp_W2'].shape[1]),
                                 jnp.float32),
        ],
    )(*args)


def _lfinv_a_body(h_ref, b3_ref, y_ref, w1a, w1b, b1, h1_ref, ss_ref,
                  sq_ref):
    i = pl.program_id(0)
    bvec = b3_ref[0, 0, :]
    onehot = (bvec[:, None] == jax.lax.broadcasted_iota(
        jnp.int32, (1, NGRAPH), 1)).astype(jnp.float32)
    yb = _mm_exact(onehot, y_ref[...])
    h1 = _mm(h_ref[...], w1a[...]) + _mm(yb, w1b[...]) + b1[...]
    h1_ref[...] = h1

    @pl.when(i == 0)
    def _():
        ss_ref[...] = jnp.zeros_like(ss_ref)
        sq_ref[...] = jnp.zeros_like(sq_ref)

    ss_ref[...] += jnp.sum(h1, axis=0, keepdims=True)
    sq_ref[...] += jnp.sum(h1 * h1, axis=0, keepdims=True)


def _lfinv_a(h, col, batch3, y, p):
    n = h.shape[0]
    w1 = p['lfinv_W1']
    d = w1.shape[0] - y.shape[1]
    hh = w1.shape[1]
    nb = n // BR
    return pl.pallas_call(
        _lfinv_a_body,
        grid=(nb,),
        in_specs=[
            pl.BlockSpec((BR, d), lambda i: (i, col)),
            pl.BlockSpec((1, 1, BR), lambda i: (i, 0, 0)),
            pl.BlockSpec((NGRAPH, y.shape[1]), lambda i: (0, 0)),
            pl.BlockSpec((d, hh), lambda i: (0, 0)),
            pl.BlockSpec((y.shape[1], hh), lambda i: (0, 0)),
            pl.BlockSpec((1, hh), lambda i: (0, 0)),
        ],
        out_specs=[
            pl.BlockSpec((BR, hh), lambda i: (i, 0)),
            pl.BlockSpec((1, hh), lambda i: (0, 0)),
            pl.BlockSpec((1, hh), lambda i: (0, 0)),
        ],
        out_shape=[
            jax.ShapeDtypeStruct((n, hh), jnp.float32),
            jax.ShapeDtypeStruct((1, hh), jnp.float32),
            jax.ShapeDtypeStruct((1, hh), jnp.float32),
        ],
    )(h, batch3, y, w1[:d], w1[d:], p['lfinv_b1'].reshape(1, hh))


def _lfinv_b_body(h1_ref, ss_ref, sq_ref, g1, be1, w2, b2, o_ref, *,
                  n_rows):
    m = ss_ref[...] / n_rows
    v = sq_ref[...] / n_rows - m * m
    hn = jnp.maximum(g1[...] * (h1_ref[...] - m) / jnp.sqrt(v + 1e-5)
                     + be1[...], 0.0)
    o_ref[...] = jax.nn.sigmoid(_mm(hn, w2[...]) + b2[...])


def _lfinv_b(h1, ss, sq, p):
    n, hh = h1.shape
    w2 = p['lfinv_W2']
    dout = w2.shape[1]
    nb = n // BR
    return pl.pallas_call(
        functools.partial(_lfinv_b_body, n_rows=float(n)),
        grid=(nb,),
        in_specs=[
            pl.BlockSpec((BR, hh), lambda i: (i, 0)),
            pl.BlockSpec((1, hh), lambda i: (0, 0)),
            pl.BlockSpec((1, hh), lambda i: (0, 0)),
            pl.BlockSpec((1, hh), lambda i: (0, 0)),
            pl.BlockSpec((1, hh), lambda i: (0, 0)),
            pl.BlockSpec((hh, dout), lambda i: (0, 0)),
            pl.BlockSpec((1, dout), lambda i: (0, 0)),
        ],
        out_specs=pl.BlockSpec((BR, dout), lambda i: (i, 0)),
        out_shape=jax.ShapeDtypeStruct((n, dout), jnp.float32),
    )(h1, ss, sq, p['lfinv_g1'].reshape(1, hh), p['lfinv_be1'].reshape(1, hh),
      w2, p['lfinv_b2'].reshape(1, dout))



_EXTS = ('fg', 'eg', 'ig')


def _stacked(params, fmt):
    return jnp.stack([params[fmt % ext] for ext in _EXTS])


def _gin3(params, x, src, dst, n):
    h = x
    for l in range(L):
        agg = _edge_segment_sum(h, src, dst, n)
        eps3 = jnp.stack([params['%s_eps_%d' % (ext, l)] for ext in _EXTS])
        h = _gin3_layer(h, agg, eps3.astype(jnp.float32),
                        _stacked(params, '%%s_W1_%d' % l),
                        _stacked(params, '%%s_b1_%d' % l),
                        _stacked(params, '%%s_W2_%d' % l),
                        _stacked(params, '%%s_b2_%d' % l),
                        shared_in=(l == 0))
    return h


def kernel(x, edge_index, batch, params):
    n = x.shape[0]
    src = edge_index[0]
    dst = edge_index[1]
    batch3 = batch.astype(jnp.int32).reshape(n // BR, 1, BR)

    h3 = _gin3(params, x, src, dst, n)
    hh = h3.shape[1] // 3

    s3, c = _pool_sums(h3, batch3)
    y = _outmlp(s3[:, :hh], c, params)
    graph_repr, env_pred = _graph_heads(s3[:, hh:2 * hh], c, y, params)

    h1, ss, sq = _lfinv_a(h3, 2, batch3, y, params)
    node_score = _lfinv_b(h1, ss, sq, params)

    return (y, y, graph_repr, node_score, env_pred)

# --- scband reference (transcript-rebuilt; emitter-appended) ---
"""Pipeline reference for scband-deroggnn-86904368268085 (READ-ONLY COPY).

The authoritative reference and input builder live on the scoring server;
editing this copy changes nothing except your own understanding.
"""

import jax, jax.numpy as jnp
import numpy as np

N_NODES = 10000
N_EDGES = 160000
IN = 256
H = 512
OUT = 10
NENV = 10
NGRAPH = 128
L = 3


def _lin(rng, din, dout):
    W = jnp.asarray((rng.randn(din, dout) * (1.0 / np.sqrt(din))).astype(np.float32))
    b = jnp.zeros((dout,), jnp.float32)
    return W, b


def _mlp_params(params, rng, name, chs):
    for j in range(1, len(chs)):
        W, b = _lin(rng, chs[j - 1], chs[j])
        params[name + '_W%d' % j] = W
        params[name + '_b%d' % j] = b
        if j < len(chs) - 1:
            params[name + '_g%d' % j] = jnp.ones((chs[j],), jnp.float32)
            params[name + '_be%d' % j] = jnp.zeros((chs[j],), jnp.float32)


def setup_inputs(seed: int = 0):
    key = jax.random.key(seed)
    k1, k2, k3 = jax.random.split(key, 3)
    x = jax.random.normal(k1, (N_NODES, IN), dtype=jnp.float32)
    edge_index = jax.random.randint(k2, (2, N_EDGES), 0, N_NODES)
    batch = jnp.sort(jax.random.randint(k3, (N_NODES,), 0, NGRAPH))
    rng = np.random.RandomState(0)
    params = {}
    for ext in ['fg', 'eg', 'ig']:
        d = IN
        for l in range(L):
            W1, b1 = _lin(rng, d, H)
            W2, b2 = _lin(rng, H, H)
            params[ext + '_W1_%d' % l] = W1
            params[ext + '_b1_%d' % l] = b1
            params[ext + '_W2_%d' % l] = W2
            params[ext + '_b2_%d' % l] = b2
            params[ext + '_eps_%d' % l] = jnp.zeros((), jnp.float32)
            d = H
    _mlp_params(params, rng, 'outmlp', [H, 2 * H, H, OUT])
    _mlp_params(params, rng, 'lfenv', [H + OUT, 2 * H, H])
    _mlp_params(params, rng, 'lfinv', [H + OUT, 2 * H, H])
    _mlp_params(params, rng, 'envp', [H, 2 * H, NENV])
    return {'x': x, 'edge_index': edge_index, 'batch': batch, 'params': params}


def _bn(h, g, b):
    m = h.mean(0)
    v = h.var(0)
    return g * (h - m) / jnp.sqrt(v + 1e-5) + b


def _mlp(params, name, h, nch):
    for j in range(1, nch):
        h = h @ params[name + '_W%d' % j] + params[name + '_b%d' % j]
        if j < nch - 1:
            h = _bn(h, params[name + '_g%d' % j], params[name + '_be%d' % j])
            h = jax.nn.relu(h)
    return h


def _gin(params, ext, x, src, dst, n):
    h = x
    for l in range(L):
        agg = jax.ops.segment_sum(h[src], dst, num_segments=n)
        h2 = (1.0 + params[ext + '_eps_%d' % l]) * h + agg
        h2 = jax.nn.relu(h2 @ params[ext + '_W1_%d' % l] + params[ext + '_b1_%d' % l])
        h = jax.nn.relu(h2 @ params[ext + '_W2_%d' % l] + params[ext + '_b2_%d' % l])
    return h


def _mean_pool(h, batch, g):
    s = jax.ops.segment_sum(h, batch, num_segments=g)
    c = jax.ops.segment_sum(jnp.ones((h.shape[0],), h.dtype), batch, num_segments=g)
    return s / jnp.maximum(c, 1.0)[:, None]


def _forward(x, edge_index, batch, params):
    src = edge_index[0]
    dst = edge_index[1]
    # PseudoLabelClassifier: GIN feat extractor -> graph readout -> out_mlp -> softmax
    hfg = _gin(params, 'fg', x, src, dst, N_NODES)
    gfg = _mean_pool(hfg, batch, NGRAPH)
    logits = _mlp(params, 'outmlp', gfg, 4)
    y_prob = jax.nn.softmax(logits, axis=-1)
    y_pred = y_prob
    # EnvGenerator (grl_env=False): GIN extractor -> readout -> label_fuser -> sigmoid
    heg = _gin(params, 'eg', x, src, dst, N_NODES)
    geg = _mean_pool(heg, batch, NGRAPH)
    graph_repr = jax.nn.sigmoid(_mlp(params, 'lfenv', jnp.concatenate([geg, y_pred], axis=-1), 3))
    # GraphRationaleExtractor (grl_inv=False): node repr + broadcast y_pred -> label_fuser -> sigmoid
    hig = _gin(params, 'ig', x, src, dst, N_NODES)
    node_in = jnp.concatenate([hig, y_pred[batch]], axis=-1)
    node_score = jax.nn.sigmoid(_mlp(params, 'lfinv', node_in, 3))
    # env_align head
    env_pred = _mlp(params, 'envp', graph_repr, 3)
    return (y_pred, y_prob, graph_repr, node_score, env_pred)


def reference(x, edge_index, batch, params):
    return _forward(x, edge_index, batch, params)

if __name__ == "__main__":
    import jax
    _d = setup_inputs()
    print(jax.jit(kernel)(*tuple(_d.values())))

</pallas_src>

<mosaic_0001>
module attributes {stable_mosaic.version = 14 : i64} {
  func.func @_gin3_layer_body(%arg0: i32, %arg1: i32, %arg2: memref<1000x256xf32, #tpu.memory_space<vmem>>, %arg3: memref<1000x256xf32, #tpu.memory_space<vmem>>, %arg4: memref<1x256x512xf32, #tpu.memory_space<vmem>>, %arg5: memref<1x1x512xf32, #tpu.memory_space<vmem>>, %arg6: memref<1x512x512xf32, #tpu.memory_space<vmem>>, %arg7: memref<1x1x512xf32, #tpu.memory_space<vmem>>, %arg8: memref<3xf32, #tpu.memory_space<smem>>, %arg9: memref<1000x512xf32, #tpu.memory_space<vmem>>) attributes {dimension_semantics = [#tpu.dimension_semantics<arbitrary>, #tpu.dimension_semantics<arbitrary>], iteration_bounds = array<i64: 10, 3>, scalar_prefetch = 0 : i64, scratch_operands = 0 : i64, tpu.core_type = #tpu.core_type<tc>, window_params = [{transform_indices = @transform_0, window_bounds = array<i64: 1000, 256>}, {transform_indices = @transform_1, window_bounds = array<i64: 1000, 256>}, {transform_indices = @transform_2, window_bounds = array<i64: 1, 256, 512>}, {transform_indices = @transform_3, window_bounds = array<i64: 1, 1, 512>}, {transform_indices = @transform_4, window_bounds = array<i64: 1, 512, 512>}, {transform_indices = @transform_5, window_bounds = array<i64: 1, 1, 512>}, {transform_indices = @transform_6, window_bounds = array<i64: 3>}, {transform_indices = @transform_7, window_bounds = array<i64: 1000, 512>}]} {
    %get3A = arith.index_cast %arg1 : i32 to index
    %get3A_0 = memref.load %arg8[%get3A] : memref<3xf32, #tpu.memory_space<smem>>
    %add3A = arith.constant 1.000000e+00 : f32
    %add3A_1 = arith.addf %add3A, %get3A_0 : f32
    %get3A_2 = arith.constant 0 : index
    %get3A_3 = arith.constant 0 : index
    %get3A_4 = vector.load %arg2[%get3A_2, %get3A_3] : memref<1000x256xf32, #tpu.memory_space<vmem>>, vector<1000x256xf32>
    %mul3A = vector.broadcast %add3A_1 : f32 to vector<1000x256xf32>
    %mul3A_5 = arith.mulf %mul3A, %get3A_4 : vector<1000x256xf32>
    %get3A_6 = arith.constant 0 : index
    %get3A_7 = arith.constant 0 : index
    %get3A_8 = vector.load %arg3[%get3A_6, %get3A_7] : memref<1000x256xf32, #tpu.memory_space<vmem>>, vector<1000x256xf32>
    %add3A_9 = arith.addf %mul3A_5, %get3A_8 : vector<1000x256xf32>
    %get3A_10 = arith.constant 0 : index
    %get3A_11 = arith.constant 0 : index
    %get3A_12 = arith.constant 0 : index
    %get3A_13 = vector.load %arg4[%get3A_10, %get3A_11, %get3A_12] : memref<1x256x512xf32, #tpu.memory_space<vmem>>, vector<1x256x512xf32>
    %get3A_14 = vector.shape_cast %get3A_13 : vector<1x256x512xf32> to vector<256x512xf32>
    %dot_general3A = arith.constant dense<0.000000e+00> : vector<1000x512xf32>
    %dot_general3A_15 = tpu.matmul %add3A_9, %get3A_14, %dot_general3A {dimension_numbers = #tpu.dot_dimension_numbers<[1], [0], [0], [1], [0, 0, 1, 1], [], []>, transpose_lhs_hint = false} : vector<1000x256xf32>, vector<256x512xf32>, vector<1000x512xf32> -> vector<1000x512xf32>
    %get3A_16 = arith.constant 0 : index
    %get3A_17 = arith.constant 0 : index
    %get3A_18 = arith.constant 0 : index
    %get3A_19 = vector.load %arg5[%get3A_16, %get3A_17, %get3A_18] : memref<1x1x512xf32, #tpu.memory_space<vmem>>, vector<1x1x512xf32>
    %get3A_20 = vector.shape_cast %get3A_19 : vector<1x1x512xf32> to vector<512xf32>
    %broadcast_in_dim3A = vector.shape_cast %get3A_20 : vector<512xf32> to vector<1x512xf32>
    %add3A_21 = vector.broadcast %broadcast_in_dim3A : vector<1x512xf32> to vector<1000x512xf32>
    %add3A_22 = arith.addf %dot_general3A_15, %add3A_21 : vector<1000x512xf32>
    %max3A = arith.constant 0.000000e+00 : f32
    %max3A_23 = vector.broadcast %max3A : f32 to vector<1000x512xf32>
    %max3A_24 = arith.maximumf %add3A_22, %max3A_23 : vector<1000x512xf32>
    %get3A_25 = arith.constant 0 : index
    %get3A_26 = arith.constant 0 : index
    %get3A_27 = arith.constant 0 : index
    %get3A_28 = vector.load %arg6[%get3A_25, %get3A_26, %get3A_27] : memref<1x512x512xf32, #tpu.memory_space<vmem>>, vector<1x512x512xf32>
    %get3A_29 = vector.shape_cast %get3A_28 : vector<1x512x512xf32> to vector<512x512xf32>
    %dot_general3A_30 = arith.constant dense<0.000000e+00> : vector<1000x512xf32>
    %dot_general3A_31 = tpu.matmul %max3A_24, %get3A_29, %dot_general3A_30 {dimension_numbers = #tpu.dot_dimension_numbers<[1], [0], [0], [1], [0, 0, 1, 1], [], []>, transpose_lhs_hint = false} : vector<1000x512xf32>, vector<512x512xf32>, vector<1000x512xf32> -> vector<1000x512xf32>
    %get3A_32 = arith.constant 0 : index
    %get3A_33 = arith.constant 0 : index
    %get3A_34 = arith.constant 0 : index
    %get3A_35 = vector.load %arg7[%get3A_32, %get3A_33, %get3A_34] : memref<1x1x512xf32, #tpu.memory_space<vmem>>, vector<1x1x512xf32>
    %get3A_36 = vector.shape_cast %get3A_35 : vector<1x1x512xf32> to vector<512xf32>
    %broadcast_in_dim3A_37 = vector.shape_cast %get3A_36 : vector<512xf32> to vector<1x512xf32>
    %add3A_38 = vector.broadcast %broadcast_in_dim3A_37 : vector<1x512xf32> to vector<1000x512xf32>
    %add3A_39 = arith.addf %dot_general3A_31, %add3A_38 : vector<1000x512xf32>
    %max3A_40 = arith.constant 0.000000e+00 : f32
    %max3A_41 = vector.broadcast %max3A_40 : f32 to vector<1000x512xf32>
    %max3A_42 = arith.maximumf %add3A_39, %max3A_41 : vector<1000x512xf32>
    %swap3A = arith.constant 0 : index
    %swap3A_43 = arith.constant 0 : index
    %swap3A_44 = vector.load %arg9[%swap3A, %swap3A_43] : memref<1000x512xf32, #tpu.memory_space<vmem>>, vector<1000x512xf32>
    tpu.vector_store %arg9[%swap3A, %swap3A_43], %max3A_42 {strides = array<i32>} : memref<1000x512xf32, #tpu.memory_space<vmem>>, vector<1000x512xf32>,
    return
  }
  func.func @transform_0(%arg0: i32, %arg1: i32) -> (i32, i32) {
    %c0_i32 = arith.constant 0 : i32
    %c0_i32_0 = arith.constant 0 : i32
    return %arg0, %c0_i32 : i32, i32
  }
  func.func @transform_1(%arg0: i32, %arg1: i32) -> (i32, i32) {
    %c0_i32 = arith.constant 0 : i32
    %c0_i32_0 = arith.constant 0 : i32
    return %arg0, %c0_i32 : i32, i32
  }
  func.func @transform_2(%arg0: i32, %arg1: i32) -> (i32, i32, i32) {
    %c0_i32 = arith.constant 0 : i32
    %c0_i32_0 = arith.constant 0 : i32
    %c0_i32_1 = arith.constant 0 : i32
    return %arg1, %c0_i32, %c0_i32_0 : i32, i32, i32
  }
  func.func @transform_3(%arg0: i32, %arg1: i32) -> (i32, i32, i32) {
    %c0_i32 = arith.constant 0 : i32
    %c0_i32_0 = arith.constant 0 : i32
    %c0_i32_1 = arith.constant 0 : i32
    return %arg1, %c0_i32, %c0_i32_0 : i32, i32, i32
  }
  func.func @transform_4(%arg0: i32, %arg1: i32) -> (i32, i32, i32) {
    %c0_i32 = arith.constant 0 : i32
    %c0_i32_0 = arith.constant 0 : i32
    %c0_i32_1 = arith.constant 0 : i32
    return %arg1, %c0_i32, %c0_i32_0 : i32, i32, i32
  }
  func.func @transform_5(%arg0: i32, %arg1: i32) -> (i32, i32, i32) {
    %c0_i32 = arith.constant 0 : i32
    %c0_i32_0 = arith.constant 0 : i32
    %c0_i32_1 = arith.constant 0 : i32
    return %arg1, %c0_i32, %c0_i32_0 : i32, i32, i32
  }
  func.func @transform_6(%arg0: i32, %arg1: i32) -> i32 {
    %c0_i32 = arith.constant 0 : i32
    %c0_i32_0 = arith.constant 0 : i32
    return %c0_i32 : i32
  }
  func.func @transform_7(%arg0: i32, %arg1: i32) -> (i32, i32) {
    %c0_i32 = arith.constant 0 : i32
    return %arg0, %arg1 : i32, i32
  }
}

module attributes {stable_mosaic.version = 14 : i64} {
  func.func @_gin3_layer_body(%arg0: i32, %arg1: i32, %arg2: memref<1000x512xf32, #tpu.memory_space<vmem>>, %arg3: memref<1000x512xf32, #tpu.memory_space<vmem>>, %arg4: memref<1x512x512xf32, #tpu.memory_space<vmem>>, %arg5: memref<1x1x512xf32, #tpu.memory_space<vmem>>, %arg6: memref<1x512x512xf32, #tpu.memory_space<vmem>>, %arg7: memref<1x1x512xf32, #tpu.memory_space<vmem>>, %arg8: memref<3xf32, #tpu.memory_space<smem>>, %arg9: memref<1000x512xf32, #tpu.memory_space<vmem>>) attributes {dimension_semantics = [#tpu.dimension_semantics<arbitrary>, #tpu.dimension_semantics<arbitrary>], iteration_bounds = array<i64: 10, 3>, scalar_prefetch = 0 : i64, scratch_operands = 0 : i64, tpu.core_type = #tpu.core_type<tc>, window_params = [{transform_indices = @transform_0, window_bounds = array<i64: 1000, 512>}, {transform_indices = @transform_1, window_bounds = array<i64: 1000, 512>}, {transform_indices = @transform_2, window_bounds = array<i64: 1, 512, 512>}, {transform_indices = @transform_3, window_bounds = array<i64: 1, 1, 512>}, {transform_indices = @transform_4, window_bounds = array<i64: 1, 512, 512>}, {transform_indices = @transform_5, window_bounds = array<i64: 1, 1, 512>}, {transform_indices = @transform_6, window_bounds = array<i64: 3>}, {transform_indices = @transform_7, window_bounds = array<i64: 1000, 512>}]} {
    %get3A = arith.index_cast %arg1 : i32 to index
    %get3A_0 = memref.load %arg8[%get3A] : memref<3xf32, #tpu.memory_space<smem>>
    %add3A = arith.constant 1.000000e+00 : f32
    %add3A_1 = arith.addf %add3A, %get3A_0 : f32
    %get3A_2 = arith.constant 0 : index
    %get3A_3 = arith.constant 0 : index
    %get3A_4 = vector.load %arg2[%get3A_2, %get3A_3] : memref<1000x512xf32, #tpu.memory_space<vmem>>, vector<1000x512xf32>
    %mul3A = vector.broadcast %add3A_1 : f32 to vector<1000x512xf32>
    %mul3A_5 = arith.mulf %mul3A, %get3A_4 : vector<1000x512xf32>
    %get3A_6 = arith.constant 0 : index
    %get3A_7 = arith.constant 0 : index
    %get3A_8 = vector.load %arg3[%get3A_6, %get3A_7] : memref<1000x512xf32, #tpu.memory_space<vmem>>, vector<1000x512xf32>
    %add3A_9 = arith.addf %mul3A_5, %get3A_8 : vector<1000x512xf32>
    %get3A_10 = arith.constant 0 : index
    %get3A_11 = arith.constant 0 : index
    %get3A_12 = arith.constant 0 : index
    %get3A_13 = vector.load %arg4[%get3A_10, %get3A_11, %get3A_12] : memref<1x512x512xf32, #tpu.memory_space<vmem>>, vector<1x512x512xf32>
    %get3A_14 = vector.shape_cast %get3A_13 : vector<1x512x512xf32> to vector<512x512xf32>
    %dot_general3A = arith.constant dense<0.000000e+00> : vector<1000x512xf32>
    %dot_general3A_15 = tpu.matmul %add3A_9, %get3A_14, %dot_general3A {dimension_numbers = #tpu.dot_dimension_numbers<[1], [0], [0], [1], [0, 0, 1, 1], [], []>, transpose_lhs_hint = false} : vector<1000x512xf32>, vector<512x512xf32>, vector<1000x512xf32> -> vector<1000x512xf32>
    %get3A_16 = arith.constant 0 : index
    %get3A_17 = arith.constant 0 : index
    %get3A_18 = arith.constant 0 : index
    %get3A_19 = vector.load %arg5[%get3A_16, %get3A_17, %get3A_18] : memref<1x1x512xf32, #tpu.memory_space<vmem>>, vector<1x1x512xf32>
    %get3A_20 = vector.shape_cast %get3A_19 : vector<1x1x512xf32> to vector<512xf32>
    %broadcast_in_dim3A = vector.shape_cast %get3A_20 : vector<512xf32> to vector<1x512xf32>
    %add3A_21 = vector.broadcast %broadcast_in_dim3A : vector<1x512xf32> to vector<1000x512xf32>
    %add3A_22 = arith.addf %dot_general3A_15, %add3A_21 : vector<1000x512xf32>
    %max3A = arith.constant 0.000000e+00 : f32
    %max3A_23 = vector.broadcast %max3A : f32 to vector<1000x512xf32>
    %max3A_24 = arith.maximumf %add3A_22, %max3A_23 : vector<1000x512xf32>
    %get3A_25 = arith.constant 0 : index
    %get3A_26 = arith.constant 0 : index
    %get3A_27 = arith.constant 0 : index
    %get3A_28 = vector.load %arg6[%get3A_25, %get3A_26, %get3A_27] : memref<1x512x512xf32, #tpu.memory_space<vmem>>, vector<1x512x512xf32>
    %get3A_29 = vector.shape_cast %get3A_28 : vector<1x512x512xf32> to vector<512x512xf32>
    %dot_general3A_30 = arith.constant dense<0.000000e+00> : vector<1000x512xf32>
    %dot_general3A_31 = tpu.matmul %max3A_24, %get3A_29, %dot_general3A_30 {dimension_numbers = #tpu.dot_dimension_numbers<[1], [0], [0], [1], [0, 0, 1, 1], [], []>, transpose_lhs_hint = false} : vector<1000x512xf32>, vector<512x512xf32>, vector<1000x512xf32> -> vector<1000x512xf32>
    %get3A_32 = arith.constant 0 : index
    %get3A_33 = arith.constant 0 : index
    %get3A_34 = arith.constant 0 : index
    %get3A_35 = vector.load %arg7[%get3A_32, %get3A_33, %get3A_34] : memref<1x1x512xf32, #tpu.memory_space<vmem>>, vector<1x1x512xf32>
    %get3A_36 = vector.shape_cast %get3A_35 : vector<1x1x512xf32> to vector<512xf32>
    %broadcast_in_dim3A_37 = vector.shape_cast %get3A_36 : vector<512xf32> to vector<1x512xf32>
    %add3A_38 = vector.broadcast %broadcast_in_dim3A_37 : vector<1x512xf32> to vector<1000x512xf32>
    %add3A_39 = arith.addf %dot_general3A_31, %add3A_38 : vector<1000x512xf32>
    %max3A_40 = arith.constant 0.000000e+00 : f32
    %max3A_41 = vector.broadcast %max3A_40 : f32 to vector<1000x512xf32>
    %max3A_42 = arith.maximumf %add3A_39, %max3A_41 : vector<1000x512xf32>
    %swap3A = arith.constant 0 : index
    %swap3A_43 = arith.constant 0 : index
    %swap3A_44 = vector.load %arg9[%swap3A, %swap3A_43] : memref<1000x512xf32, #tpu.memory_space<vmem>>, vector<1000x512xf32>
    tpu.vector_store %arg9[%swap3A, %swap3A_43], %max3A_42 {strides = array<i32>} : memref<1000x512xf32, #tpu.memory_space<vmem>>, vector<1000x512xf32>,
    return
  }
  func.func @transform_0(%arg0: i32, %arg1: i32) -> (i32, i32) {
    %c0_i32 = arith.constant 0 : i32
    return %arg0, %arg1 : i32, i32
  }
  func.func @transform_1(%arg0: i32, %arg1: i32) -> (i32, i32) {
    %c0_i32 = arith.constant 0 : i32
    return %arg0, %arg1 : i32, i32
  }
  func.func @transform_2(%arg0: i32, %arg1: i32) -> (i32, i32, i32) {
    %c0_i32 = arith.constant 0 : i32
    %c0_i32_0 = arith.constant 0 : i32
    %c0_i32_1 = arith.constant 0 : i32
    return %arg1, %c0_i32, %c0_i32_0 : i32, i32, i32
  }
  func.func @transform_3(%arg0: i32, %arg1: i32) -> (i32, i32, i32) {
    %c0_i32 = arith.constant 0 : i32
    %c0_i32_0 = arith.constant 0 : i32
    %c0_i32_1 = arith.constant 0 : i32
    return %arg1, %c0_i32, %c0_i32_0 : i32, i32, i32
  }
  func.func @transform_4(%arg0: i32, %arg1: i32) -> (i32, i32, i32) {
    %c0_i32 = arith.constant 0 : i32
    %c0_i32_0 = arith.constant 0 : i32
    %c0_i32_1 = arith.constant 0 : i32
    return %arg1, %c0_i32, %c0_i32_0 : i32, i32, i32
  }
  func.func @transform_5(%arg0: i32, %arg1: i32) -> (i32, i32, i32) {
    %c0_i32 = arith.constant 0 : i32
    %c0_i32_0 = arith.constant 0 : i32
    %c0_i32_1 = arith.constant 0 : i32
    return %arg1, %c0_i32, %c0_i32_0 : i32, i32, i32
  }
  func.func @transform_6(%arg0: i32, %arg1: i32) -> i32 {
    %c0_i32 = arith.constant 0 : i32
    %c0_i32_0 = arith.constant 0 : i32
    return %c0_i32 : i32
  }
  func.func @transform_7(%arg0: i32, %arg1: i32) -> (i32, i32) {
    %c0_i32 = arith.constant 0 : i32
    return %arg0, %arg1 : i32, i32
  }
}

module attributes {stable_mosaic.version = 14 : i64} {
  func.func @_pool_body(%arg0: i32, %arg1: memref<1000x1536xf32, #tpu.memory_space<vmem>>, %arg2: memref<1x1x1000xi32, #tpu.memory_space<vmem>>, %arg3: memref<128x1536xf32, #tpu.memory_space<vmem>>, %arg4: memref<128x1xf32, #tpu.memory_space<vmem>>) attributes {dimension_semantics = [#tpu.dimension_semantics<arbitrary>], iteration_bounds = array<i64: 10>, scalar_prefetch = 0 : i64, scratch_operands = 0 : i64, tpu.core_type = #tpu.core_type<tc>, window_params = [{transform_indices = @transform_0, window_bounds = array<i64: 1000, 1536>}, {transform_indices = @transform_1, window_bounds = array<i64: 1, 1, 1000>}, {pipeline_mode = #tpu.pipeline_mode<synchronous>, transform_indices = @transform_2, window_bounds = array<i64: 128, 1536>}, {pipeline_mode = #tpu.pipeline_mode<synchronous>, transform_indices = @transform_3, window_bounds = array<i64: 128, 1>}]} {
    %get3A = arith.constant 0 : index
    %get3A_0 = arith.constant 0 : index
    %get3A_1 = arith.constant 0 : index
    %get3A_2 = vector.load %arg2[%get3A, %get3A_0, %get3A_1] : memref<1x1x1000xi32, #tpu.memory_space<vmem>>, vector<1x1x1000xi32>
    %get3A_3 = vector.shape_cast %get3A_2 : vector<1x1x1000xi32> to vector<1000xi32>
    %broadcast_in_dim3A = vector.shape_cast %get3A_3 : vector<1000xi32> to vector<1000x1xi32>
    %iota3A = tpu.iota {dimensions = array<i32: 1>} : vector<1x128xi32>
    %eq3A = vector.broadcast %broadcast_in_dim3A : vector<1000x1xi32> to vector<1000x128xi32>
    %eq3A_4 = vector.broadcast %iota3A : vector<1x128xi32> to vector<1000x128xi32>
    %eq3A_5 = arith.cmpi eq, %eq3A, %eq3A_4 : vector<1000x128xi32>
    %convert_element_type3A = arith.extui %eq3A_5 : vector<1000x128xi1> to vector<1000x128xi32>
    %convert_element_type3A_6 = arith.sitofp %convert_element_type3A : vector<1000x128xi32> to vector<1000x128xf32>
    %eq3A_7 = arith.constant 0 : i32
    %eq3A_8 = arith.cmpi eq, %arg0, %eq3A_7 : i32
    %convert_element_type3A_9 = arith.extui %eq3A_8 : i1 to i32
    %cond3A = arith.constant 0 : i32
    %cond3A_10 = arith.cmpi ne, %convert_element_type3A_9, %cond3A : i32
    scf.if %cond3A_10 {
      %broadcast_in_dim3A_31 = arith.constant 0.000000e+00 : f32
      %broadcast_in_dim3A_32 = vector.broadcast %broadcast_in_dim3A_31 : f32 to vector<128x1536xf32>
      %swap3A_33 = arith.constant 0 : index
      %swap3A_34 = arith.constant 0 : index
      %swap3A_35 = vector.load %arg3[%swap3A_33, %swap3A_34] : memref<128x1536xf32, #tpu.memory_space<vmem>>, vector<128x1536xf32>
      tpu.vector_store %arg3[%swap3A_33, %swap3A_34], %broadcast_in_dim3A_32 {strides = array<i32>} : memref<128x1536xf32, #tpu.memory_space<vmem>>, vector<128x1536xf32>,
      %broadcast_in_dim3A_36 = arith.constant 0.000000e+00 : f32
      %broadcast_in_dim3A_37 = vector.broadcast %broadcast_in_dim3A_36 : f32 to vector<128x1xf32>
      %swap3A_38 = arith.constant 0 : index
      %swap3A_39 = arith.constant 0 : index
      %swap3A_40 = vector.load %arg4[%swap3A_38, %swap3A_39] : memref<128x1xf32, #tpu.memory_space<vmem>>, vector<128x1xf32>
      tpu.vector_store %arg4[%swap3A_38, %swap3A_39], %broadcast_in_dim3A_37 {strides = array<i32>} : memref<128x1xf32, #tpu.memory_space<vmem>>, vector<128x1xf32>,
    } else {
    }
    %get3A_11 = arith.constant 0 : index
    %get3A_12 = arith.constant 0 : index
    %get3A_13 = vector.load %arg3[%get3A_11, %get3A_12] : memref<128x1536xf32, #tpu.memory_space<vmem>>, vector<128x1536xf32>
    %get3A_14 = arith.constant 0 : index
    %get3A_15 = arith.constant 0 : index
    %get3A_16 = vector.load %arg1[%get3A_14, %get3A_15] : memref<1000x1536xf32, #tpu.memory_space<vmem>>, vector<1000x1536xf32>
    %dot_general3A = arith.constant dense<0.000000e+00> : vector<128x1536xf32>
    %dot_general3A_17 = tpu.matmul %convert_element_type3A_6, %get3A_16, %dot_general3A {dimension_numbers = #tpu.dot_dimension_numbers<[0], [0], [1], [1], [0, 1, 1, 1], [], []>, precision = #tpu.contract_precision<fp32>, transpose_lhs_hint = false} : vector<1000x128xf32>, vector<1000x1536xf32>, vector<128x1536xf32> -> vector<128x1536xf32>
    %add3A = arith.addf %get3A_13, %dot_general3A_17 : vector<128x1536xf32>
    %swap3A = arith.constant 0 : index
    %swap3A_18 = arith.constant 0 : index
    %swap3A_19 = vector.load %arg3[%swap3A, %swap3A_18] : memref<128x1536xf32, #tpu.memory_space<vmem>>, vector<128x1536xf32>
    tpu.vector_store %arg3[%swap3A, %swap3A_18], %add3A {strides = array<i32>} : memref<128x1536xf32, #tpu.memory_space<vmem>>, vector<128x1536xf32>,
    %get3A_20 = arith.constant 0 : index
    %get3A_21 = arith.constant 0 : index
    %get3A_22 = vector.load %arg4[%get3A_20, %get3A_21] : memref<128x1xf32, #tpu.memory_space<vmem>>, vector<128x1xf32>
    %broadcast_in_dim3A_23 = arith.constant 1.000000e+00 : f32
    %broadcast_in_dim3A_24 = vector.broadcast %broadcast_in_dim3A_23 : f32 to vector<1000x1xf32>
    %dot_general3A_25 = arith.constant dense<0.000000e+00> : vector<128x1xf32>
    %dot_general3A_26 = tpu.matmul %convert_element_type3A_6, %broadcast_in_dim3A_24, %dot_general3A_25 {dimension_numbers = #tpu.dot_dimension_numbers<[0], [0], [1], [1], [0, 1, 1, 1], [], []>, precision = #tpu.contract_precision<fp32>, transpose_lhs_hint = false} : vector<1000x128xf32>, vector<1000x1xf32>, vector<128x1xf32> -> vector<128x1xf32>
    %add3A_27 = arith.addf %get3A_22, %dot_general3A_26 : vector<128x1xf32>
    %swap3A_28 = arith.constant 0 : index
    %swap3A_29 = arith.constant 0 : index
    %swap3A_30 = vector.load %arg4[%swap3A_28, %swap3A_29] : memref<128x1xf32, #tpu.memory_space<vmem>>, vector<128x1xf32>
    tpu.vector_store %arg4[%swap3A_28, %swap3A_29], %add3A_27 {strides = array<i32>} : memref<128x1xf32, #tpu.memory_space<vmem>>, vector<128x1xf32>,
    return
  }
  func.func @transform_0(%arg0: i32) -> (i32, i32) {
    %c0_i32 = arith.constant 0 : i32
    %c0_i32_0 = arith.constant 0 : i32
    return %arg0, %c0_i32 : i32, i32
  }
  func.func @transform_1(%arg0: i32) -> (i32, i32, i32) {
    %c0_i32 = arith.constant 0 : i32
    %c0_i32_0 = arith.constant 0 : i32
    %c0_i32_1 = arith.constant 0 : i32
    return %arg0, %c0_i32, %c0_i32_0 : i32, i32, i32
  }
  func.func @transform_2(%arg0: i32) -> (i32, i32) {
    %c0_i32 = arith.constant 0 : i32
    %c0_i32_0 = arith.constant 0 : i32
    %c0_i32_1 = arith.constant 0 : i32
    return %c0_i32, %c0_i32_0 : i32, i32
  }
  func.func @transform_3(%arg0: i32) -> (i32, i32) {
    %c0_i32 = arith.constant 0 : i32
    %c0_i32_0 = arith.constant 0 : i32
    %c0_i32_1 = arith.constant 0 : i32
    return %c0_i32, %c0_i32_0 : i32, i32
  }
}

module attributes {stable_mosaic.version = 14 : i64} {
  func.func @_outmlp_body(%arg0: memref<128x512xf32, #tpu.memory_space<vmem>>, %arg1: memref<128x1xf32, #tpu.memory_space<vmem>>, %arg2: memref<512x1024xf32, #tpu.memory_space<vmem>>, %arg3: memref<1x1024xf32, #tpu.memory_space<vmem>>, %arg4: memref<1x1024xf32, #tpu.memory_space<vmem>>, %arg5: memref<1x1024xf32, #tpu.memory_space<vmem>>, %arg6: memref<1024x512xf32, #tpu.memory_space<vmem>>, %arg7: memref<1x512xf32, #tpu.memory_space<vmem>>, %arg8: memref<1x512xf32, #tpu.memory_space<vmem>>, %arg9: memref<1x512xf32, #tpu.memory_space<vmem>>, %arg10: memref<512x10xf32, #tpu.memory_space<vmem>>, %arg11: memref<1x10xf32, #tpu.memory_space<vmem>>, %arg12: memref<128x10xf32, #tpu.memory_space<vmem>>) attributes {dimension_semantics = [], scalar_prefetch = 0 : i64, scratch_operands = 0 : i64, tpu.core_type = #tpu.core_type<tc>} {
    %get3A = arith.constant 0 : index
    %get3A_0 = arith.constant 0 : index
    %get3A_1 = vector.load %arg0[%get3A, %get3A_0] : memref<128x512xf32, #tpu.memory_space<vmem>>, vector<128x512xf32>
    %get3A_2 = arith.constant 0 : index
    %get3A_3 = arith.constant 0 : index
    %get3A_4 = vector.load %arg1[%get3A_2, %get3A_3] : memref<128x1xf32, #tpu.memory_space<vmem>>, vector<128x1xf32>
    %max3A = arith.constant 1.000000e+00 : f32
    %max3A_5 = vector.broadcast %max3A : f32 to vector<128x1xf32>
    %max3A_6 = arith.maximumf %get3A_4, %max3A_5 : vector<128x1xf32>
    %div3A = vector.broadcast %max3A_6 : vector<128x1xf32> to vector<128x512xf32>
    %div3A_7 = arith.divf %get3A_1, %div3A : vector<128x512xf32>
    %get3A_8 = arith.constant 0 : index
    %get3A_9 = arith.constant 0 : index
    %get3A_10 = vector.load %arg2[%get3A_8, %get3A_9] : memref<512x1024xf32, #tpu.memory_space<vmem>>, vector<512x1024xf32>
    %dot_general3A = arith.constant dense<0.000000e+00> : vector<128x1024xf32>
    %dot_general3A_11 = tpu.matmul %div3A_7, %get3A_10, %dot_general3A {dimension_numbers = #tpu.dot_dimension_numbers<[1], [0], [0], [1], [0, 0, 1, 1], [], []>, transpose_lhs_hint = false} : vector<128x512xf32>, vector<512x1024xf32>, vector<128x1024xf32> -> vector<128x1024xf32>
    %get3A_12 = arith.constant 0 : index
    %get3A_13 = arith.constant 0 : index
    %get3A_14 = vector.load %arg3[%get3A_12, %get3A_13] : memref<1x1024xf32, #tpu.memory_space<vmem>>, vector<1x1024xf32>
    %add3A = vector.broadcast %get3A_14 : vector<1x1024xf32> to vector<128x1024xf32>
    %add3A_15 = arith.addf %dot_general3A_11, %add3A : vector<128x1024xf32>
    %get3A_16 = arith.constant 0 : index
    %get3A_17 = arith.constant 0 : index
    %get3A_18 = vector.load %arg4[%get3A_16, %get3A_17] : memref<1x1024xf32, #tpu.memory_space<vmem>>, vector<1x1024xf32>
    %get3A_19 = arith.constant 0 : index
    %get3A_20 = arith.constant 0 : index
    %get3A_21 = vector.load %arg5[%get3A_19, %get3A_20] : memref<1x1024xf32, #tpu.memory_space<vmem>>, vector<1x1024xf32>
    %reduce_sum3A = arith.constant dense<0.000000e+00> : vector<1024xf32>
    %reduce_sum3A_22 = vector.multi_reduction <add>, %add3A_15, %reduce_sum3A [0] : vector<128x1024xf32> to vector<1024xf32>
    %broadcast_in_dim3A = vector.shape_cast %reduce_sum3A_22 : vector<1024xf32> to vector<1x1024xf32>
    %div3A_23 = arith.constant 1.280000e+02 : f32
    %div3A_24 = vector.broadcast %div3A_23 : f32 to vector<1x1024xf32>
    %div3A_25 = arith.divf %broadcast_in_dim3A, %div3A_24 : vector<1x1024xf32>
    %sub3A = vector.broadcast %div3A_25 : vector<1x1024xf32> to vector<128x1024xf32>
    %sub3A_26 = arith.subf %add3A_15, %sub3A : vector<128x1024xf32>
    %sub3A_27 = vector.broadcast %div3A_25 : vector<1x1024xf32> to vector<128x1024xf32>
    %sub3A_28 = arith.subf %add3A_15, %sub3A_27 : vector<128x1024xf32>
    %mul3A = arith.mulf %sub3A_26, %sub3A_28 : vector<128x1024xf32>
    %reduce_sum3A_29 = arith.constant dense<0.000000e+00> : vector<1024xf32>
    %reduce_sum3A_30 = vector.multi_reduction <add>, %mul3A, %reduce_sum3A_29 [0] : vector<128x1024xf32> to vector<1024xf32>
    %broadcast_in_dim3A_31 = vector.shape_cast %reduce_sum3A_30 : vector<1024xf32> to vector<1x1024xf32>
    %div3A_32 = arith.constant 1.280000e+02 : f32
    %div3A_33 = vector.broadcast %div3A_32 : f32 to vector<1x1024xf32>
    %div3A_34 = arith.divf %broadcast_in_dim3A_31, %div3A_33 : vector<1x1024xf32>
    %sub3A_35 = vector.broadcast %div3A_25 : vector<1x1024xf32> to vector<128x1024xf32>
    %sub3A_36 = arith.subf %add3A_15, %sub3A_35 : vector<128x1024xf32>
    %mul3A_37 = vector.broadcast %get3A_18 : vector<1x1024xf32> to vector<128x1024xf32>
    %mul3A_38 = arith.mulf %mul3A_37, %sub3A_36 : vector<128x1024xf32>
    %add3A_39 = arith.constant 9.99999974E-6 : f32
    %add3A_40 = vector.broadcast %add3A_39 : f32 to vector<1x1024xf32>
    %add3A_41 = arith.addf %div3A_34, %add3A_40 : vector<1x1024xf32>
    %sqrt3A = math.sqrt %add3A_41 : vector<1x1024xf32>
    %div3A_42 = vector.broadcast %sqrt3A : vector<1x1024xf32> to vector<128x1024xf32>
    %div3A_43 = arith.divf %mul3A_38, %div3A_42 : vector<128x1024xf32>
    %add3A_44 = vector.broadcast %get3A_21 : vector<1x1024xf32> to vector<128x1024xf32>
    %add3A_45 = arith.addf %div3A_43, %add3A_44 : vector<128x1024xf32>
    %max3A_46 = arith.constant 0.000000e+00 : f32
    %max3A_47 = vector.broadcast %max3A_46 : f32 to vector<128x1024xf32>
    %max3A_48 = arith.maximumf %add3A_45, %max3A_47 : vector<128x1024xf32>
    %get3A_49 = arith.constant 0 : index
    %get3A_50 = arith.constant 0 : index
    %get3A_51 = vector.load %arg6[%get3A_49, %get3A_50] : memref<1024x512xf32, #tpu.memory_space<vmem>>, vector<1024x512xf32>
    %dot_general3A_52 = arith.constant dense<0.000000e+00> : vector<128x512xf32>
    %dot_general3A_53 = tpu.matmul %max3A_48, %get3A_51, %dot_general3A_52 {dimension_numbers = #tpu.dot_dimension_numbers<[1], [0], [0], [1], [0, 0, 1, 1], [], []>, transpose_lhs_hint = false} : vector<128x1024xf32>, vector<1024x512xf32>, vector<128x512xf32> -> vector<128x512xf32>
    %get3A_54 = arith.constant 0 : index
    %get3A_55 = arith.constant 0 : index
    %get3A_56 = vector.load %arg7[%get3A_54, %get3A_55] : memref<1x512xf32, #tpu.memory_space<vmem>>, vector<1x512xf32>
    %add3A_57 = vector.broadcast %get3A_56 : vector<1x512xf32> to vector<128x512xf32>
    %add3A_58 = arith.addf %dot_general3A_53, %add3A_57 : vector<128x512xf32>
    %get3A_59 = arith.constant 0 : index
    %get3A_60 = arith.constant 0 : index
    %get3A_61 = vector.load %arg8[%get3A_59, %get3A_60] : memref<1x512xf32, #tpu.memory_space<vmem>>, vector<1x512xf32>
    %get3A_62 = arith.constant 0 : index
    %get3A_63 = arith.constant 0 : index
    %get3A_64 = vector.load %arg9[%get3A_62, %get3A_63] : memref<1x512xf32, #tpu.memory_space<vmem>>, vector<1x512xf32>
    %reduce_sum3A_65 = arith.constant dense<0.000000e+00> : vector<512xf32>
    %reduce_sum3A_66 = vector.multi_reduction <add>, %add3A_58, %reduce_sum3A_65 [0] : vector<128x512xf32> to vector<512xf32>
    %broadcast_in_dim3A_67 = vector.shape_cast %reduce_sum3A_66 : vector<512xf32> to vector<1x512xf32>
    %div3A_68 = arith.constant 1.280000e+02 : f32
    %div3A_69 = vector.broadcast %div3A_68 : f32 to vector<1x512xf32>
    %div3A_70 = arith.divf %broadcast_in_dim3A_67, %div3A_69 : vector<1x512xf32>
    %sub3A_71 = vector.broadcast %div3A_70 : vector<1x512xf32> to vector<128x512xf32>
    %sub3A_72 = arith.subf %add3A_58, %sub3A_71 : vector<128x512xf32>
    %sub3A_73 = vector.broadcast %div3A_70 : vector<1x512xf32> to vector<128x512xf32>
    %sub3A_74 = arith.subf %add3A_58, %sub3A_73 : vector<128x512xf32>
    %mul3A_75 = arith.mulf %sub3A_72, %sub3A_74 : vector<128x512xf32>
    %reduce_sum3A_76 = arith.constant dense<0.000000e+00> : vector<512xf32>
    %reduce_sum3A_77 = vector.multi_reduction <add>, %mul3A_75, %reduce_sum3A_76 [0] : vector<128x512xf32> to vector<512xf32>
    %broadcast_in_dim3A_78 = vector.shape_cast %reduce_sum3A_77 : vector<512xf32> to vector<1x512xf32>
    %div3A_79 = arith.constant 1.280000e+02 : f32
    %div3A_80 = vector.broadcast %div3A_79 : f32 to vector<1x512xf32>
    %div3A_81 = arith.divf %broadcast_in_dim3A_78, %div3A_80 : vector<1x512xf32>
    %sub3A_82 = vector.broadcast %div3A_70 : vector<1x512xf32> to vector<128x512xf32>
    %sub3A_83 = arith.subf %add3A_58, %sub3A_82 : vector<128x512xf32>
    %mul3A_84 = vector.broadcast %get3A_61 : vector<1x512xf32> to vector<128x512xf32>
    %mul3A_85 = arith.mulf %mul3A_84, %sub3A_83 : vector<128x512xf32>
    %add3A_86 = arith.constant 9.99999974E-6 : f32
    %add3A_87 = vector.broadcast %add3A_86 : f32 to vector<1x512xf32>
    %add3A_88 = arith.addf %div3A_81, %add3A_87 : vector<1x512xf32>
    %sqrt3A_89 = math.sqrt %add3A_88 : vector<1x512xf32>
    %div3A_90 = vector.broadcast %sqrt3A_89 : vector<1x512xf32> to vector<128x512xf32>
    %div3A_91 = arith.divf %mul3A_85, %div3A_90 : vector<128x512xf32>
    %add3A_92 = vector.broadcast %get3A_64 : vector<1x512xf32> to vector<128x512xf32>
    %add3A_93 = arith.addf %div3A_91, %add3A_92 : vector<128x512xf32>
    %max3A_94 = arith.constant 0.000000e+00 : f32
    %max3A_95 = vector.broadcast %max3A_94 : f32 to vector<128x512xf32>
    %max3A_96 = arith.maximumf %add3A_93, %max3A_95 : vector<128x512xf32>
    %get3A_97 = arith.constant 0 : index
    %get3A_98 = arith.constant 0 : index
    %get3A_99 = vector.load %arg10[%get3A_97, %get3A_98] : memref<512x10xf32, #tpu.memory_space<vmem>>, vector<512x10xf32>
    %dot_general3A_100 = arith.constant dense<0.000000e+00> : vector<128x10xf32>
    %dot_general3A_101 = tpu.matmul %max3A_96, %get3A_99, %dot_general3A_100 {dimension_numbers = #tpu.dot_dimension_numbers<[1], [0], [0], [1], [0, 0, 1, 1], [], []>, transpose_lhs_hint = false} : vector<128x512xf32>, vector<512x10xf32>, vector<128x10xf32> -> vector<128x10xf32>
    %get3A_102 = arith.constant 0 : index
    %get3A_103 = arith.constant 0 : index
    %get3A_104 = vector.load %arg11[%get3A_102, %get3A_103] : memref<1x10xf32, #tpu.memory_space<vmem>>, vector<1x10xf32>
    %add3A_105 = vector.broadcast %get3A_104 : vector<1x10xf32> to vector<128x10xf32>
    %add3A_106 = arith.addf %dot_general3A_101, %add3A_105 : vector<128x10xf32>
    %reduce_max3A = arith.constant dense<0xFF800000> : vector<128xf32>
    %reduce_max3A_107 = vector.multi_reduction <maximumf>, %add3A_106, %reduce_max3A [1] : vector<128x10xf32> to vector<128xf32>
    %broadcast_in_dim3A_108 = vector.shape_cast %reduce_max3A_107 : vector<128xf32> to vector<128x1xf32>
    %sub3A_109 = vector.broadcast %broadcast_in_dim3A_108 : vector<128x1xf32> to vector<128x10xf32>
    %sub3A_110 = arith.subf %add3A_106, %sub3A_109 : vector<128x10xf32>
    %exp3A = math.exp %sub3A_110 : vector<128x10xf32>
    %reduce_sum3A_111 = arith.constant dense<0.000000e+00> : vector<128xf32>
    %reduce_sum3A_112 = vector.multi_reduction <add>, %exp3A, %reduce_sum3A_111 [1] : vector<128x10xf32> to vector<128xf32>
    %broadcast_in_dim3A_113 = vector.shape_cast %reduce_sum3A_112 : vector<128xf32> to vector<128x1xf32>
    %div3A_114 = vector.broadcast %broadcast_in_dim3A_113 : vector<128x1xf32> to vector<128x10xf32>
    %div3A_115 = arith.divf %exp3A, %div3A_114 : vector<128x10xf32>
    %swap3A = arith.constant 0 : index
    %swap3A_116 = arith.constant 0 : index
    %swap3A_117 = vector.load %arg12[%swap3A, %swap3A_116] : memref<128x10xf32, #tpu.memory_space<vmem>>, vector<128x10xf32>
    tpu.vector_store %arg12[%swap3A, %swap3A_116], %div3A_115 {strides = array<i32>} : memref<128x10xf32, #tpu.memory_space<vmem>>, vector<128x10xf32>,
    return
  }
}

module attributes {stable_mosaic.version = 14 : i64} {
  func.func @_heads_body(%arg0: memref<128x512xf32, #tpu.memory_space<vmem>>, %arg1: memref<128x1xf32, #tpu.memory_space<vmem>>, %arg2: memref<128x10xf32, #tpu.memory_space<vmem>>, %arg3: memref<512x1024xf32, #tpu.memory_space<vmem>>, %arg4: memref<10x1024xf32, #tpu.memory_space<vmem>>, %arg5: memref<1x1024xf32, #tpu.memory_space<vmem>>, %arg6: memref<1x1024xf32, #tpu.memory_space<vmem>>, %arg7: memref<1x1024xf32, #tpu.memory_space<vmem>>, %arg8: memref<1024x512xf32, #tpu.memory_space<vmem>>, %arg9: memref<1x512xf32, #tpu.memory_space<vmem>>, %arg10: memref<512x1024xf32, #tpu.memory_space<vmem>>, %arg11: memref<1x1024xf32, #tpu.memory_space<vmem>>, %arg12: memref<1x1024xf32, #tpu.memory_space<vmem>>, %arg13: memref<1x1024xf32, #tpu.memory_space<vmem>>, %arg14: memref<1024x10xf32, #tpu.memory_space<vmem>>, %arg15: memref<1x10xf32, #tpu.memory_space<vmem>>, %arg16: memref<128x512xf32, #tpu.memory_space<vmem>>, %arg17: memref<128x10xf32, #tpu.memory_space<vmem>>) attributes {dimension_semantics = [], scalar_prefetch = 0 : i64, scratch_operands = 0 : i64, tpu.core_type = #tpu.core_type<tc>} {
    %get3A = arith.constant 0 : index
    %get3A_0 = arith.constant 0 : index
    %get3A_1 = vector.load %arg0[%get3A, %get3A_0] : memref<128x512xf32, #tpu.memory_space<vmem>>, vector<128x512xf32>
    %get3A_2 = arith.constant 0 : index
    %get3A_3 = arith.constant 0 : index
    %get3A_4 = vector.load %arg1[%get3A_2, %get3A_3] : memref<128x1xf32, #tpu.memory_space<vmem>>, vector<128x1xf32>
    %max3A = arith.constant 1.000000e+00 : f32
    %max3A_5 = vector.broadcast %max3A : f32 to vector<128x1xf32>
    %max3A_6 = arith.maximumf %get3A_4, %max3A_5 : vector<128x1xf32>
    %div3A = vector.broadcast %max3A_6 : vector<128x1xf32> to vector<128x512xf32>
    %div3A_7 = arith.divf %get3A_1, %div3A : vector<128x512xf32>
    %get3A_8 = arith.constant 0 : index
    %get3A_9 = arith.constant 0 : index
    %get3A_10 = vector.load %arg3[%get3A_8, %get3A_9] : memref<512x1024xf32, #tpu.memory_space<vmem>>, vector<512x1024xf32>
    %dot_general3A = arith.constant dense<0.000000e+00> : vector<128x1024xf32>
    %dot_general3A_11 = tpu.matmul %div3A_7, %get3A_10, %dot_general3A {dimension_numbers = #tpu.dot_dimension_numbers<[1], [0], [0], [1], [0, 0, 1, 1], [], []>, transpose_lhs_hint = false} : vector<128x512xf32>, vector<512x1024xf32>, vector<128x1024xf32> -> vector<128x1024xf32>
    %get3A_12 = arith.constant 0 : index
    %get3A_13 = arith.constant 0 : index
    %get3A_14 = vector.load %arg2[%get3A_12, %get3A_13] : memref<128x10xf32, #tpu.memory_space<vmem>>, vector<128x10xf32>
    %get3A_15 = arith.constant 0 : index
    %get3A_16 = arith.constant 0 : index
    %get3A_17 = vector.load %arg4[%get3A_15, %get3A_16] : memref<10x1024xf32, #tpu.memory_space<vmem>>, vector<10x1024xf32>
    %dot_general3A_18 = arith.constant dense<0.000000e+00> : vector<128x1024xf32>
    %dot_general3A_19 = tpu.matmul %get3A_14, %get3A_17, %dot_general3A_18 {dimension_numbers = #tpu.dot_dimension_numbers<[1], [0], [0], [1], [0, 0, 1, 1], [], []>, transpose_lhs_hint = false} : vector<128x10xf32>, vector<10x1024xf32>, vector<128x1024xf32> -> vector<128x1024xf32>
    %add3A = arith.addf %dot_general3A_11, %dot_general3A_19 : vector<128x1024xf32>
    %get3A_20 = arith.constant 0 : index
    %get3A_21 = arith.constant 0 : index
    %get3A_22 = vector.load %arg5[%get3A_20, %get3A_21] : memref<1x1024xf32, #tpu.memory_space<vmem>>, vector<1x1024xf32>
    %add3A_23 = vector.broadcast %get3A_22 : vector<1x1024xf32> to vector<128x1024xf32>
    %add3A_24 = arith.addf %add3A, %add3A_23 : vector<128x1024xf32>
    %get3A_25 = arith.constant 0 : index
    %get3A_26 = arith.constant 0 : index
    %get3A_27 = vector.load %arg6[%get3A_25, %get3A_26] : memref<1x1024xf32, #tpu.memory_space<vmem>>, vector<1x1024xf32>
    %get3A_28 = arith.constant 0 : index
    %get3A_29 = arith.constant 0 : index
    %get3A_30 = vector.load %arg7[%get3A_28, %get3A_29] : memref<1x1024xf32, #tpu.memory_space<vmem>>, vector<1x1024xf32>
    %reduce_sum3A = arith.constant dense<0.000000e+00> : vector<1024xf32>
    %reduce_sum3A_31 = vector.multi_reduction <add>, %add3A_24, %reduce_sum3A [0] : vector<128x1024xf32> to vector<1024xf32>
    %broadcast_in_dim3A = vector.shape_cast %reduce_sum3A_31 : vector<1024xf32> to vector<1x1024xf32>
    %div3A_32 = arith.constant 1.280000e+02 : f32
    %div3A_33 = vector.broadcast %div3A_32 : f32 to vector<1x1024xf32>
    %div3A_34 = arith.divf %broadcast_in_dim3A, %div3A_33 : vector<1x1024xf32>
    %sub3A = vector.broadcast %div3A_34 : vector<1x1024xf32> to vector<128x1024xf32>
    %sub3A_35 = arith.subf %add3A_24, %sub3A : vector<128x1024xf32>
    %sub3A_36 = vector.broadcast %div3A_34 : vector<1x1024xf32> to vector<128x1024xf32>
    %sub3A_37 = arith.subf %add3A_24, %sub3A_36 : vector<128x1024xf32>
    %mul3A = arith.mulf %sub3A_35, %sub3A_37 : vector<128x1024xf32>
    %reduce_sum3A_38 = arith.constant dense<0.000000e+00> : vector<1024xf32>
    %reduce_sum3A_39 = vector.multi_reduction <add>, %mul3A, %reduce_sum3A_38 [0] : vector<128x1024xf32> to vector<1024xf32>
    %broadcast_in_dim3A_40 = vector.shape_cast %reduce_sum3A_39 : vector<1024xf32> to vector<1x1024xf32>
    %div3A_41 = arith.constant 1.280000e+02 : f32
    %div3A_42 = vector.broadcast %div3A_41 : f32 to vector<1x1024xf32>
    %div3A_43 = arith.divf %broadcast_in_dim3A_40, %div3A_42 : vector<1x1024xf32>
    %sub3A_44 = vector.broadcast %div3A_34 : vector<1x1024xf32> to vector<128x1024xf32>
    %sub3A_45 = arith.subf %add3A_24, %sub3A_44 : vector<128x1024xf32>
    %mul3A_46 = vector.broadcast %get3A_27 : vector<1x1024xf32> to vector<128x1024xf32>
    %mul3A_47 = arith.mulf %mul3A_46, %sub3A_45 : vector<128x1024xf32>
    %add3A_48 = arith.constant 9.99999974E-6 : f32
    %add3A_49 = vector.broadcast %add3A_48 : f32 to vector<1x1024xf32>
    %add3A_50 = arith.addf %div3A_43, %add3A_49 : vector<1x1024xf32>
    %sqrt3A = math.sqrt %add3A_50 : vector<1x1024xf32>
    %div3A_51 = vector.broadcast %sqrt3A : vector<1x1024xf32> to vector<128x1024xf32>
    %div3A_52 = arith.divf %mul3A_47, %div3A_51 : vector<128x1024xf32>
    %add3A_53 = vector.broadcast %get3A_30 : vector<1x1024xf32> to vector<128x1024xf32>
    %add3A_54 = arith.addf %div3A_52, %add3A_53 : vector<128x1024xf32>
    %max3A_55 = arith.constant 0.000000e+00 : f32
    %max3A_56 = vector.broadcast %max3A_55 : f32 to vector<128x1024xf32>
    %max3A_57 = arith.maximumf %add3A_54, %max3A_56 : vector<128x1024xf32>
    %get3A_58 = arith.constant 0 : index
    %get3A_59 = arith.constant 0 : index
    %get3A_60 = vector.load %arg8[%get3A_58, %get3A_59] : memref<1024x512xf32, #tpu.memory_space<vmem>>, vector<1024x512xf32>
    %dot_general3A_61 = arith.constant dense<0.000000e+00> : vector<128x512xf32>
    %dot_general3A_62 = tpu.matmul %max3A_57, %get3A_60, %dot_general3A_61 {dimension_numbers = #tpu.dot_dimension_numbers<[1], [0], [0], [1], [0, 0, 1, 1], [], []>, transpose_lhs_hint = false} : vector<128x1024xf32>, vector<1024x512xf32>, vector<128x512xf32> -> vector<128x512xf32>
    %get3A_63 = arith.constant 0 : index
    %get3A_64 = arith.constant 0 : index
    %get3A_65 = vector.load %arg9[%get3A_63, %get3A_64] : memref<1x512xf32, #tpu.memory_space<vmem>>, vector<1x512xf32>
    %add3A_66 = vector.broadcast %get3A_65 : vector<1x512xf32> to vector<128x512xf32>
    %add3A_67 = arith.addf %dot_general3A_62, %add3A_66 : vector<128x512xf32>
    %logistic3A = arith.negf %add3A_67 : vector<128x512xf32>
    %logistic3A_68 = math.exp %logistic3A : vector<128x512xf32>
    %logistic3A_69 = arith.constant 1.000000e+00 : f32
    %logistic3A_70 = vector.broadcast %logistic3A_69 : f32 to vector<128x512xf32>
    %logistic3A_71 = arith.addf %logistic3A_70, %logistic3A_68 : vector<128x512xf32>
    %logistic3A_72 = arith.divf %logistic3A_70, %logistic3A_71 : vector<128x512xf32>
    %swap3A = arith.constant 0 : index
    %swap3A_73 = arith.constant 0 : index
    %swap3A_74 = vector.load %arg16[%swap3A, %swap3A_73] : memref<128x512xf32, #tpu.memory_space<vmem>>, vector<128x512xf32>
    tpu.vector_store %arg16[%swap3A, %swap3A_73], %logistic3A_72 {strides = array<i32>} : memref<128x512xf32, #tpu.memory_space<vmem>>, vector<128x512xf32>,
    %get3A_75 = arith.constant 0 : index
    %get3A_76 = arith.constant 0 : index
    %get3A_77 = vector.load %arg10[%get3A_75, %get3A_76] : memref<512x1024xf32, #tpu.memory_space<vmem>>, vector<512x1024xf32>
    %dot_general3A_78 = arith.constant dense<0.000000e+00> : vector<128x1024xf32>
    %dot_general3A_79 = tpu.matmul %logistic3A_72, %get3A_77, %dot_general3A_78 {dimension_numbers = #tpu.dot_dimension_numbers<[1], [0], [0], [1], [0, 0, 1, 1], [], []>, transpose_lhs_hint = false} : vector<128x512xf32>, vector<512x1024xf32>, vector<128x1024xf32> -> vector<128x1024xf32>
    %get3A_80 = arith.constant 0 : index
    %get3A_81 = arith.constant 0 : index
    %get3A_82 = vector.load %arg11[%get3A_80, %get3A_81] : memref<1x1024xf32, #tpu.memory_space<vmem>>, vector<1x1024xf32>
    %add3A_83 = vector.broadcast %get3A_82 : vector<1x1024xf32> to vector<128x1024xf32>
    %add3A_84 = arith.addf %dot_general3A_79, %add3A_83 : vector<128x1024xf32>
    %get3A_85 = arith.constant 0 : index
    %get3A_86 = arith.constant 0 : index
    %get3A_87 = vector.load %arg12[%get3A_85, %get3A_86] : memref<1x1024xf32, #tpu.memory_space<vmem>>, vector<1x1024xf32>
    %get3A_88 = arith.constant 0 : index
    %get3A_89 = arith.constant 0 : index
    %get3A_90 = vector.load %arg13[%get3A_88, %get3A_89] : memref<1x1024xf32, #tpu.memory_space<vmem>>, vector<1x1024xf32>
    %reduce_sum3A_91 = arith.constant dense<0.000000e+00> : vector<1024xf32>
    %reduce_sum3A_92 = vector.multi_reduction <add>, %add3A_84, %reduce_sum3A_91 [0] : vector<128x1024xf32> to vector<1024xf32>
    %broadcast_in_dim3A_93 = vector.shape_cast %reduce_sum3A_92 : vector<1024xf32> to vector<1x1024xf32>
    %div3A_94 = arith.constant 1.280000e+02 : f32
    %div3A_95 = vector.broadcast %div3A_94 : f32 to vector<1x1024xf32>
    %div3A_96 = arith.divf %broadcast_in_dim3A_93, %div3A_95 : vector<1x1024xf32>
    %sub3A_97 = vector.broadcast %div3A_96 : vector<1x1024xf32> to vector<128x1024xf32>
    %sub3A_98 = arith.subf %add3A_84, %sub3A_97 : vector<128x1024xf32>
    %sub3A_99 = vector.broadcast %div3A_96 : vector<1x1024xf32> to vector<128x1024xf32>
    %sub3A_100 = arith.subf %add3A_84, %sub3A_99 : vector<128x1024xf32>
    %mul3A_101 = arith.mulf %sub3A_98, %sub3A_100 : vector<128x1024xf32>
    %reduce_sum3A_102 = arith.constant dense<0.000000e+00> : vector<1024xf32>
    %reduce_sum3A_103 = vector.multi_reduction <add>, %mul3A_101, %reduce_sum3A_102 [0] : vector<128x1024xf32> to vector<1024xf32>
    %broadcast_in_dim3A_104 = vector.shape_cast %reduce_sum3A_103 : vector<1024xf32> to vector<1x1024xf32>
    %div3A_105 = arith.constant 1.280000e+02 : f32
    %div3A_106 = vector.broadcast %div3A_105 : f32 to vector<1x1024xf32>
    %div3A_107 = arith.divf %broadcast_in_dim3A_104, %div3A_106 : vector<1x1024xf32>
    %sub3A_108 = vector.broadcast %div3A_96 : vector<1x1024xf32> to vector<128x1024xf32>
    %sub3A_109 = arith.subf %add3A_84, %sub3A_108 : vector<128x1024xf32>
    %mul3A_110 = vector.broadcast %get3A_87 : vector<1x1024xf32> to vector<128x1024xf32>
    %mul3A_111 = arith.mulf %mul3A_110, %sub3A_109 : vector<128x1024xf32>
    %add3A_112 = arith.constant 9.99999974E-6 : f32
    %add3A_113 = vector.broadcast %add3A_112 : f32 to vector<1x1024xf32>
    %add3A_114 = arith.addf %div3A_107, %add3A_113 : vector<1x1024xf32>
    %sqrt3A_115 = math.sqrt %add3A_114 : vector<1x1024xf32>
    %div3A_116 = vector.broadcast %sqrt3A_115 : vector<1x1024xf32> to vector<128x1024xf32>
    %div3A_117 = arith.divf %mul3A_111, %div3A_116 : vector<128x1024xf32>
    %add3A_118 = vector.broadcast %get3A_90 : vector<1x1024xf32> to vector<128x1024xf32>
    %add3A_119 = arith.addf %div3A_117, %add3A_118 : vector<128x1024xf32>
    %max3A_120 = arith.constant 0.000000e+00 : f32
    %max3A_121 = vector.broadcast %max3A_120 : f32 to vector<128x1024xf32>
    %max3A_122 = arith.maximumf %add3A_119, %max3A_121 : vector<128x1024xf32>
    %get3A_123 = arith.constant 0 : index
    %get3A_124 = arith.constant 0 : index
    %get3A_125 = vector.load %arg14[%get3A_123, %get3A_124] : memref<1024x10xf32, #tpu.memory_space<vmem>>, vector<1024x10xf32>
    %dot_general3A_126 = arith.constant dense<0.000000e+00> : vector<128x10xf32>
    %dot_general3A_127 = tpu.matmul %max3A_122, %get3A_125, %dot_general3A_126 {dimension_numbers = #tpu.dot_dimension_numbers<[1], [0], [0], [1], [0, 0, 1, 1], [], []>, transpose_lhs_hint = false} : vector<128x1024xf32>, vector<1024x10xf32>, vector<128x10xf32> -> vector<128x10xf32>
    %get3A_128 = arith.constant 0 : index
    %get3A_129 = arith.constant 0 : index
    %get3A_130 = vector.load %arg15[%get3A_128, %get3A_129] : memref<1x10xf32, #tpu.memory_space<vmem>>, vector<1x10xf32>
    %add3A_131 = vector.broadcast %get3A_130 : vector<1x10xf32> to vector<128x10xf32>
    %add3A_132 = arith.addf %dot_general3A_127, %add3A_131 : vector<128x10xf32>
    %swap3A_133 = arith.constant 0 : index
    %swap3A_134 = arith.constant 0 : index
    %swap3A_135 = vector.load %arg17[%swap3A_133, %swap3A_134] : memref<128x10xf32, #tpu.memory_space<vmem>>, vector<128x10xf32>
    tpu.vector_store %arg17[%swap3A_133, %swap3A_134], %add3A_132 {strides = array<i32>} : memref<128x10xf32, #tpu.memory_space<vmem>>, vector<128x10xf32>,
    return
  }
}

module attributes {stable_mosaic.version = 14 : i64} {
  func.func @_lfinv_a_body(%arg0: i32, %arg1: memref<1000x512xf32, #tpu.memory_space<vmem>>, %arg2: memref<1x1x1000xi32, #tpu.memory_space<vmem>>, %arg3: memref<128x10xf32, #tpu.memory_space<vmem>>, %arg4: memref<512x1024xf32, #tpu.memory_space<vmem>>, %arg5: memref<10x1024xf32, #tpu.memory_space<vmem>>, %arg6: memref<1x1024xf32, #tpu.memory_space<vmem>>, %arg7: memref<1000x1024xf32, #tpu.memory_space<vmem>>, %arg8: memref<1x1024xf32, #tpu.memory_space<vmem>>, %arg9: memref<1x1024xf32, #tpu.memory_space<vmem>>) attributes {dimension_semantics = [#tpu.dimension_semantics<arbitrary>], iteration_bounds = array<i64: 10>, scalar_prefetch = 0 : i64, scratch_operands = 0 : i64, tpu.core_type = #tpu.core_type<tc>, window_params = [{transform_indices = @transform_0, window_bounds = array<i64: 1000, 512>}, {transform_indices = @transform_1, window_bounds = array<i64: 1, 1, 1000>}, {pipeline_mode = #tpu.pipeline_mode<synchronous>, transform_indices = @transform_2, window_bounds = array<i64: 128, 10>}, {pipeline_mode = #tpu.pipeline_mode<synchronous>, transform_indices = @transform_3, window_bounds = array<i64: 512, 1024>}, {pipeline_mode = #tpu.pipeline_mode<synchronous>, transform_indices = @transform_4, window_bounds = array<i64: 10, 1024>}, {pipeline_mode = #tpu.pipeline_mode<synchronous>, transform_indices = @transform_5, window_bounds = array<i64: 1, 1024>}, {transform_indices = @transform_6, window_bounds = array<i64: 1000, 1024>}, {pipeline_mode = #tpu.pipeline_mode<synchronous>, transform_indices = @transform_7, window_bounds = array<i64: 1, 1024>}, {pipeline_mode = #tpu.pipeline_mode<synchronous>, transform_indices = @transform_8, window_bounds = array<i64: 1, 1024>}]} {
    %get3A = arith.constant 0 : index
    %get3A_0 = arith.constant 0 : index
    %get3A_1 = arith.constant 0 : index
    %get3A_2 = vector.load %arg2[%get3A, %get3A_0, %get3A_1] : memref<1x1x1000xi32, #tpu.memory_space<vmem>>, vector<1x1x1000xi32>
    %get3A_3 = vector.shape_cast %get3A_2 : vector<1x1x1000xi32> to vector<1000xi32>
    %broadcast_in_dim3A = vector.shape_cast %get3A_3 : vector<1000xi32> to vector<1000x1xi32>
    %iota3A = tpu.iota {dimensions = array<i32: 1>} : vector<1x128xi32>
    %eq3A = vector.broadcast %broadcast_in_dim3A : vector<1000x1xi32> to vector<1000x128xi32>
    %eq3A_4 = vector.broadcast %iota3A : vector<1x128xi32> to vector<1000x128xi32>
    %eq3A_5 = arith.cmpi eq, %eq3A, %eq3A_4 : vector<1000x128xi32>
    %convert_element_type3A = arith.extui %eq3A_5 : vector<1000x128xi1> to vector<1000x128xi32>
    %convert_element_type3A_6 = arith.sitofp %convert_element_type3A : vector<1000x128xi32> to vector<1000x128xf32>
    %get3A_7 = arith.constant 0 : index
    %get3A_8 = arith.constant 0 : index
    %get3A_9 = vector.load %arg3[%get3A_7, %get3A_8] : memref<128x10xf32, #tpu.memory_space<vmem>>, vector<128x10xf32>
    %dot_general3A = arith.constant dense<0.000000e+00> : vector<1000x10xf32>
    %dot_general3A_10 = tpu.matmul %convert_element_type3A_6, %get3A_9, %dot_general3A {dimension_numbers = #tpu.dot_dimension_numbers<[1], [0], [0], [1], [0, 0, 1, 1], [], []>, precision = #tpu.contract_precision<fp32>, transpose_lhs_hint = false} : vector<1000x128xf32>, vector<128x10xf32>, vector<1000x10xf32> -> vector<1000x10xf32>
    %get3A_11 = arith.constant 0 : index
    %get3A_12 = arith.constant 0 : index
    %get3A_13 = vector.load %arg1[%get3A_11, %get3A_12] : memref<1000x512xf32, #tpu.memory_space<vmem>>, vector<1000x512xf32>
    %get3A_14 = arith.constant 0 : index
    %get3A_15 = arith.constant 0 : index
    %get3A_16 = vector.load %arg4[%get3A_14, %get3A_15] : memref<512x1024xf32, #tpu.memory_space<vmem>>, vector<512x1024xf32>
    %dot_general3A_17 = arith.constant dense<0.000000e+00> : vector<1000x1024xf32>
    %dot_general3A_18 = tpu.matmul %get3A_13, %get3A_16, %dot_general3A_17 {dimension_numbers = #tpu.dot_dimension_numbers<[1], [0], [0], [1], [0, 0, 1, 1], [], []>, transpose_lhs_hint = false} : vector<1000x512xf32>, vector<512x1024xf32>, vector<1000x1024xf32> -> vector<1000x1024xf32>
    %get3A_19 = arith.constant 0 : index
    %get3A_20 = arith.constant 0 : index
    %get3A_21 = vector.load %arg5[%get3A_19, %get3A_20] : memref<10x1024xf32, #tpu.memory_space<vmem>>, vector<10x1024xf32>
    %dot_general3A_22 = arith.constant dense<0.000000e+00> : vector<1000x1024xf32>
    %dot_general3A_23 = tpu.matmul %dot_general3A_10, %get3A_21, %dot_general3A_22 {dimension_numbers = #tpu.dot_dimension_numbers<[1], [0], [0], [1], [0, 0, 1, 1], [], []>, transpose_lhs_hint = false} : vector<1000x10xf32>, vector<10x1024xf32>, vector<1000x1024xf32> -> vector<1000x1024xf32>
    %add3A = arith.addf %dot_general3A_18, %dot_general3A_23 : vector<1000x1024xf32>
    %get3A_24 = arith.constant 0 : index
    %get3A_25 = arith.constant 0 : index
    %get3A_26 = vector.load %arg6[%get3A_24, %get3A_25] : memref<1x1024xf32, #tpu.memory_space<vmem>>, vector<1x1024xf32>
    %add3A_27 = vector.broadcast %get3A_26 : vector<1x1024xf32> to vector<1000x1024xf32>
    %add3A_28 = arith.addf %add3A, %add3A_27 : vector<1000x1024xf32>
    %swap3A = arith.constant 0 : index
    %swap3A_29 = arith.constant 0 : index
    %swap3A_30 = vector.load %arg7[%swap3A, %swap3A_29] : memref<1000x1024xf32, #tpu.memory_space<vmem>>, vector<1000x1024xf32>
    tpu.vector_store %arg7[%swap3A, %swap3A_29], %add3A_28 {strides = array<i32>} : memref<1000x1024xf32, #tpu.memory_space<vmem>>, vector<1000x1024xf32>,
    %eq3A_31 = arith.constant 0 : i32
    %eq3A_32 = arith.cmpi eq, %arg0, %eq3A_31 : i32
    %convert_element_type3A_33 = arith.extui %eq3A_32 : i1 to i32
    %cond3A = arith.constant 0 : i32
    %cond3A_34 = arith.cmpi ne, %convert_element_type3A_33, %cond3A : i32
    scf.if %cond3A_34 {
      %broadcast_in_dim3A_54 = arith.constant 0.000000e+00 : f32
      %broadcast_in_dim3A_55 = vector.broadcast %broadcast_in_dim3A_54 : f32 to vector<1x1024xf32>
      %swap3A_56 = arith.constant 0 : index
      %swap3A_57 = arith.constant 0 : index
      %swap3A_58 = vector.load %arg8[%swap3A_56, %swap3A_57] : memref<1x1024xf32, #tpu.memory_space<vmem>>, vector<1x1024xf32>
      tpu.vector_store %arg8[%swap3A_56, %swap3A_57], %broadcast_in_dim3A_55 {strides = array<i32>} : memref<1x1024xf32, #tpu.memory_space<vmem>>, vector<1x1024xf32>,
      %broadcast_in_dim3A_59 = arith.constant 0.000000e+00 : f32
      %broadcast_in_dim3A_60 = vector.broadcast %broadcast_in_dim3A_59 : f32 to vector<1x1024xf32>
      %swap3A_61 = arith.constant 0 : index
      %swap3A_62 = arith.constant 0 : index
      %swap3A_63 = vector.load %arg9[%swap3A_61, %swap3A_62] : memref<1x1024xf32, #tpu.memory_space<vmem>>, vector<1x1024xf32>
      tpu.vector_store %arg9[%swap3A_61, %swap3A_62], %broadcast_in_dim3A_60 {strides = array<i32>} : memref<1x1024xf32, #tpu.memory_space<vmem>>, vector<1x1024xf32>,
    } else {
    }
    %get3A_35 = arith.constant 0 : index
    %get3A_36 = arith.constant 0 : index
    %get3A_37 = vector.load %arg8[%get3A_35, %get3A_36] : memref<1x1024xf32, #tpu.memory_space<vmem>>, vector<1x1024xf32>
    %reduce_sum3A = arith.constant dense<0.000000e+00> : vector<1024xf32>
    %reduce_sum3A_38 = vector.multi_reduction <add>, %add3A_28, %reduce_sum3A [0] : vector<1000x1024xf32> to vector<1024xf32>
    %broadcast_in_dim3A_39 = vector.shape_cast %reduce_sum3A_38 : vector<1024xf32> to vector<1x1024xf32>
    %add3A_40 = arith.addf %get3A_37, %broadcast_in_dim3A_39 : vector<1x1024xf32>
    %swap3A_41 = arith.constant 0 : index
    %swap3A_42 = arith.constant 0 : index
    %swap3A_43 = vector.load %arg8[%swap3A_41, %swap3A_42] : memref<1x1024xf32, #tpu.memory_space<vmem>>, vector<1x1024xf32>
    tpu.vector_store %arg8[%swap3A_41, %swap3A_42], %add3A_40 {strides = array<i32>} : memref<1x1024xf32, #tpu.memory_space<vmem>>, vector<1x1024xf32>,
    %get3A_44 = arith.constant 0 : index
    %get3A_45 = arith.constant 0 : index
    %get3A_46 = vector.load %arg9[%get3A_44, %get3A_45] : memref<1x1024xf32, #tpu.memory_space<vmem>>, vector<1x1024xf32>
    %mul3A = arith.mulf %add3A_28, %add3A_28 : vector<1000x1024xf32>
    %reduce_sum3A_47 = arith.constant dense<0.000000e+00> : vector<1024xf32>
    %reduce_sum3A_48 = vector.multi_reduction <add>, %mul3A, %reduce_sum3A_47 [0] : vector<1000x1024xf32> to vector<1024xf32>
    %broadcast_in_dim3A_49 = vector.shape_cast %reduce_sum3A_48 : vector<1024xf32> to vector<1x1024xf32>
    %add3A_50 = arith.addf %get3A_46, %broadcast_in_dim3A_49 : vector<1x1024xf32>
    %swap3A_51 = arith.constant 0 : index
    %swap3A_52 = arith.constant 0 : index
    %swap3A_53 = vector.load %arg9[%swap3A_51, %swap3A_52] : memref<1x1024xf32, #tpu.memory_space<vmem>>, vector<1x1024xf32>
    tpu.vector_store %arg9[%swap3A_51, %swap3A_52], %add3A_50 {strides = array<i32>} : memref<1x1024xf32, #tpu.memory_space<vmem>>, vector<1x1024xf32>,
    return
  }
  func.func @transform_0(%arg0: i32) -> (i32, i32) {
    %c2_i32 = arith.constant 2 : i32
    %c0_i32 = arith.constant 0 : i32
    return %arg0, %c2_i32 : i32, i32
  }
  func.func @transform_1(%arg0: i32) -> (i32, i32, i32) {
    %c0_i32 = arith.constant 0 : i32
    %c0_i32_0 = arith.constant 0 : i32
    %c0_i32_1 = arith.constant 0 : i32
    return %arg0, %c0_i32, %c0_i32_0 : i32, i32, i32
  }
  func.func @transform_2(%arg0: i32) -> (i32, i32) {
    %c0_i32 = arith.constant 0 : i32
    %c0_i32_0 = arith.constant 0 : i32
    %c0_i32_1 = arith.constant 0 : i32
    return %c0_i32, %c0_i32_0 : i32, i32
  }
  func.func @transform_3(%arg0: i32) -> (i32, i32) {
    %c0_i32 = arith.constant 0 : i32
    %c0_i32_0 = arith.constant 0 : i32
    %c0_i32_1 = arith.constant 0 : i32
    return %c0_i32, %c0_i32_0 : i32, i32
  }
  func.func @transform_4(%arg0: i32) -> (i32, i32) {
    %c0_i32 = arith.constant 0 : i32
    %c0_i32_0 = arith.constant 0 : i32
    %c0_i32_1 = arith.constant 0 : i32
    return %c0_i32, %c0_i32_0 : i32, i32
  }
  func.func @transform_5(%arg0: i32) -> (i32, i32) {
    %c0_i32 = arith.constant 0 : i32
    %c0_i32_0 = arith.constant 0 : i32
    %c0_i32_1 = arith.constant 0 : i32
    return %c0_i32, %c0_i32_0 : i32, i32
  }
  func.func @transform_6(%arg0: i32) -> (i32, i32) {
    %c0_i32 = arith.constant 0 : i32
    %c0_i32_0 = arith.constant 0 : i32
    return %arg0, %c0_i32 : i32, i32
  }
  func.func @transform_7(%arg0: i32) -> (i32, i32) {
    %c0_i32 = arith.constant 0 : i32
    %c0_i32_0 = arith.constant 0 : i32
    %c0_i32_1 = arith.constant 0 : i32
    return %c0_i32, %c0_i32_0 : i32, i32
  }
  func.func @transform_8(%arg0: i32) -> (i32, i32) {
    %c0_i32 = arith.constant 0 : i32
    %c0_i32_0 = arith.constant 0 : i32
    %c0_i32_1 = arith.constant 0 : i32
    return %c0_i32, %c0_i32_0 : i32, i32
  }
}

module attributes {stable_mosaic.version = 14 : i64} {
  func.func @_lfinv_b_body(%arg0: i32, %arg1: memref<1000x1024xf32, #tpu.memory_space<vmem>>, %arg2: memref<1x1024xf32, #tpu.memory_space<vmem>>, %arg3: memref<1x1024xf32, #tpu.memory_space<vmem>>, %arg4: memref<1x1024xf32, #tpu.memory_space<vmem>>, %arg5: memref<1x1024xf32, #tpu.memory_space<vmem>>, %arg6: memref<1024x512xf32, #tpu.memory_space<vmem>>, %arg7: memref<1x512xf32, #tpu.memory_space<vmem>>, %arg8: memref<1000x512xf32, #tpu.memory_space<vmem>>) attributes {dimension_semantics = [#tpu.dimension_semantics<arbitrary>], iteration_bounds = array<i64: 10>, scalar_prefetch = 0 : i64, scratch_operands = 0 : i64, tpu.core_type = #tpu.core_type<tc>, window_params = [{transform_indices = @transform_0, window_bounds = array<i64: 1000, 1024>}, {pipeline_mode = #tpu.pipeline_mode<synchronous>, transform_indices = @transform_1, window_bounds = array<i64: 1, 1024>}, {pipeline_mode = #tpu.pipeline_mode<synchronous>, transform_indices = @transform_2, window_bounds = array<i64: 1, 1024>}, {pipeline_mode = #tpu.pipeline_mode<synchronous>, transform_indices = @transform_3, window_bounds = array<i64: 1, 1024>}, {pipeline_mode = #tpu.pipeline_mode<synchronous>, transform_indices = @transform_4, window_bounds = array<i64: 1, 1024>}, {pipeline_mode = #tpu.pipeline_mode<synchronous>, transform_indices = @transform_5, window_bounds = array<i64: 1024, 512>}, {pipeline_mode = #tpu.pipeline_mode<synchronous>, transform_indices = @transform_6, window_bounds = array<i64: 1, 512>}, {transform_indices = @transform_7, window_bounds = array<i64: 1000, 512>}]} {
    %get3A = arith.constant 0 : index
    %get3A_0 = arith.constant 0 : index
    %get3A_1 = vector.load %arg2[%get3A, %get3A_0] : memref<1x1024xf32, #tpu.memory_space<vmem>>, vector<1x1024xf32>
    %div3A = arith.constant 1.000000e+04 : f32
    %div3A_2 = vector.broadcast %div3A : f32 to vector<1x1024xf32>
    %div3A_3 = arith.divf %get3A_1, %div3A_2 : vector<1x1024xf32>
    %get3A_4 = arith.constant 0 : index
    %get3A_5 = arith.constant 0 : index
    %get3A_6 = vector.load %arg3[%get3A_4, %get3A_5] : memref<1x1024xf32, #tpu.memory_space<vmem>>, vector<1x1024xf32>
    %div3A_7 = arith.constant 1.000000e+04 : f32
    %div3A_8 = vector.broadcast %div3A_7 : f32 to vector<1x1024xf32>
    %div3A_9 = arith.divf %get3A_6, %div3A_8 : vector<1x1024xf32>
    %mul3A = arith.mulf %div3A_3, %div3A_3 : vector<1x1024xf32>
    %sub3A = arith.subf %div3A_9, %mul3A : vector<1x1024xf32>
    %get3A_10 = arith.constant 0 : index
    %get3A_11 = arith.constant 0 : index
    %get3A_12 = vector.load %arg4[%get3A_10, %get3A_11] : memref<1x1024xf32, #tpu.memory_space<vmem>>, vector<1x1024xf32>
    %get3A_13 = arith.constant 0 : index
    %get3A_14 = arith.constant 0 : index
    %get3A_15 = vector.load %arg1[%get3A_13, %get3A_14] : memref<1000x1024xf32, #tpu.memory_space<vmem>>, vector<1000x1024xf32>
    %sub3A_16 = vector.broadcast %div3A_3 : vector<1x1024xf32> to vector<1000x1024xf32>
    %sub3A_17 = arith.subf %get3A_15, %sub3A_16 : vector<1000x1024xf32>
    %mul3A_18 = vector.broadcast %get3A_12 : vector<1x1024xf32> to vector<1000x1024xf32>
    %mul3A_19 = arith.mulf %mul3A_18, %sub3A_17 : vector<1000x1024xf32>
    %add3A = arith.constant 9.99999974E-6 : f32
    %add3A_20 = vector.broadcast %add3A : f32 to vector<1x1024xf32>
    %add3A_21 = arith.addf %sub3A, %add3A_20 : vector<1x1024xf32>
    %sqrt3A = math.sqrt %add3A_21 : vector<1x1024xf32>
    %div3A_22 = vector.broadcast %sqrt3A : vector<1x1024xf32> to vector<1000x1024xf32>
    %div3A_23 = arith.divf %mul3A_19, %div3A_22 : vector<1000x1024xf32>
    %get3A_24 = arith.constant 0 : index
    %get3A_25 = arith.constant 0 : index
    %get3A_26 = vector.load %arg5[%get3A_24, %get3A_25] : memref<1x1024xf32, #tpu.memory_space<vmem>>, vector<1x1024xf32>
    %add3A_27 = vector.broadcast %get3A_26 : vector<1x1024xf32> to vector<1000x1024xf32>
    %add3A_28 = arith.addf %div3A_23, %add3A_27 : vector<1000x1024xf32>
    %max3A = arith.constant 0.000000e+00 : f32
    %max3A_29 = vector.broadcast %max3A : f32 to vector<1000x1024xf32>
    %max3A_30 = arith.maximumf %add3A_28, %max3A_29 : vector<1000x1024xf32>
    %get3A_31 = arith.constant 0 : index
    %get3A_32 = arith.constant 0 : index
    %get3A_33 = vector.load %arg6[%get3A_31, %get3A_32] : memref<1024x512xf32, #tpu.memory_space<vmem>>, vector<1024x512xf32>
    %dot_general3A = arith.constant dense<0.000000e+00> : vector<1000x512xf32>
    %dot_general3A_34 = tpu.matmul %max3A_30, %get3A_33, %dot_general3A {dimension_numbers = #tpu.dot_dimension_numbers<[1], [0], [0], [1], [0, 0, 1, 1], [], []>, transpose_lhs_hint = false} : vector<1000x1024xf32>, vector<1024x512xf32>, vector<1000x512xf32> -> vector<1000x512xf32>
    %get3A_35 = arith.constant 0 : index
    %get3A_36 = arith.constant 0 : index
    %get3A_37 = vector.load %arg7[%get3A_35, %get3A_36] : memref<1x512xf32, #tpu.memory_space<vmem>>, vector<1x512xf32>
    %add3A_38 = vector.broadcast %get3A_37 : vector<1x512xf32> to vector<1000x512xf32>
    %add3A_39 = arith.addf %dot_general3A_34, %add3A_38 : vector<1000x512xf32>
    %logistic3A = arith.negf %add3A_39 : vector<1000x512xf32>
    %logistic3A_40 = math.exp %logistic3A : vector<1000x512xf32>
    %logistic3A_41 = arith.constant 1.000000e+00 : f32
    %logistic3A_42 = vector.broadcast %logistic3A_41 : f32 to vector<1000x512xf32>
    %logistic3A_43 = arith.addf %logistic3A_42, %logistic3A_40 : vector<1000x512xf32>
    %logistic3A_44 = arith.divf %logistic3A_42, %logistic3A_43 : vector<1000x512xf32>
    %swap3A = arith.constant 0 : index
    %swap3A_45 = arith.constant 0 : index
    %swap3A_46 = vector.load %arg8[%swap3A, %swap3A_45] : memref<1000x512xf32, #tpu.memory_space<vmem>>, vector<1000x512xf32>
    tpu.vector_store %arg8[%swap3A, %swap3A_45], %logistic3A_44 {strides = array<i32>} : memref<1000x512xf32, #tpu.memory_space<vmem>>, vector<1000x512xf32>,
    return
  }
  func.func @transform_0(%arg0: i32) -> (i32, i32) {
    %c0_i32 = arith.constant 0 : i32
    %c0_i32_0 = arith.constant 0 : i32
    return %arg0, %c0_i32 : i32, i32
  }
  func.func @transform_1(%arg0: i32) -> (i32, i32) {
    %c0_i32 = arith.constant 0 : i32
    %c0_i32_0 = arith.constant 0 : i32
    %c0_i32_1 = arith.constant 0 : i32
    return %c0_i32, %c0_i32_0 : i32, i32
  }
  func.func @transform_2(%arg0: i32) -> (i32, i32) {
    %c0_i32 = arith.constant 0 : i32
    %c0_i32_0 = arith.constant 0 : i32
    %c0_i32_1 = arith.constant 0 : i32
    return %c0_i32, %c0_i32_0 : i32, i32
  }
  func.func @transform_3(%arg0: i32) -> (i32, i32) {
    %c0_i32 = arith.constant 0 : i32
    %c0_i32_0 = arith.constant 0 : i32
    %c0_i32_1 = arith.constant 0 : i32
    return %c0_i32, %c0_i32_0 : i32, i32
  }
  func.func @transform_4(%arg0: i32) -> (i32, i32) {
    %c0_i32 = arith.constant 0 : i32
    %c0_i32_0 = arith.constant 0 : i32
    %c0_i32_1 = arith.constant 0 : i32
    return %c0_i32, %c0_i32_0 : i32, i32
  }
  func.func @transform_5(%arg0: i32) -> (i32, i32) {
    %c0_i32 = arith.constant 0 : i32
    %c0_i32_0 = arith.constant 0 : i32
    %c0_i32_1 = arith.constant 0 : i32
    return %c0_i32, %c0_i32_0 : i32, i32
  }
  func.func @transform_6(%arg0: i32) -> (i32, i32) {
    %c0_i32 = arith.constant 0 : i32
    %c0_i32_0 = arith.constant 0 : i32
    %c0_i32_1 = arith.constant 0 : i32
    return %c0_i32, %c0_i32_0 : i32, i32
  }
  func.func @transform_7(%arg0: i32) -> (i32, i32) {
    %c0_i32 = arith.constant 0 : i32
    %c0_i32_0 = arith.constant 0 : i32
    return %arg0, %c0_i32 : i32, i32
  }
}

</mosaic_0001>

<sc_bundles>
// kernel: gather_offload_async_start.1
scs
__scs_entry_jumppad:
0x0: {  	(pc) =	sbr.rel $0x88, $3  }
0x1: {  	(tag) =	ssettag $0x0;
	lr =	simm.s32 $0x1  }
0x2: {  	[smem:$0x3F55] =	sst lr;
	_ =	strace $0xD0000000  }
0x3: {  	_ = 	snop  }
0x4: {  	_ = 	snop  }
0x5: {  	_ = 	snop  }
0x6: {  	_ = 	snop  }
0x7: {  	_ = 	snop  }
__scs_overlays_trampoline_lowered:
0x8: {  	[smem:$0x3F64] =	sst s0  }
0x9: {  	[smem:$0x3F65] =	sst s1  }
0xa: {  	[smem:$0x3F66] =	sst s2  }
0xb: {  	[smem:$0x3F67] =	sst s3  }
0xc: {  	[smem:$0x3F68] =	sst s4  }
0xd: {  	[smem:$0x3F69] =	sst s5  }
0xe: {  	[smem:$0x3F6A] =	sst s6  }
0xf: {  	[smem:$0x3F6B] =	sst s7  }
0x10: {  	[smem:$0x3F6C] =	sst s8  }
0x11: {  	[smem:$0x3F6D] =	sst s9;
	s0 =	simm.s32 @!p0 $0x0  }
0x12: {  	s1 =	sld [smem:$0x3F53];
	s0 =	simm.s32 @p0 $0x1  }
0x13: {  	[smem:$0x3F6E] =	sst s0;
	s0 =	simm.s32 @!p1 $0x0  }
0x14: {  	s2 =	sld [smem:$0x3F52];
	s0 =	simm.s32 @p1 $0x1  }
0x15: {  	[smem:$0x3F6F] =	sst s0;
	s0 =	simm.s32 @!p2 $0x0  }
0x16: {  	s3 =	sld [smem:$0x3FDB];
	s0 =	simm.s32 @p2 $0x1  }
0x17: {  	s4 =	simm.s32 $0x1BF5;
	[smem:$0x3F71] =	sst s0  }
0x18: {  	s0 =	sld [smem:$0x3F54];
	_ =	swait.ge [sflag:s4], $0x0  }
0x19: {  	s7 =	sld [smem:$0x3F55]  }
0x1a: {  	s8 =	sadd.s32 $0xFFFFE003, lr  }
0x1b: {  	s9 =	sadd.s32 $0xFFFFFEF7, lr;
	s5 =	simm.s32 $0xFFFFFFFF;
	p2 =	slt.u32 s8, $0xFFFFF086  }
0x1c: {  	p1 =	slt.u32 s9, $0xF7A;
	s5 =	simm.s32 @!p2 $0x0  }
0x1d: {  	s5 =	simm.s32 @p1 $0x1;
	p0 =	seq.s32 s7, s2  }
0x1e: {  	s7 =	smul.u32 @!p0 $0xF7A, s2;
	p2 =	seq.s32 @!p0 s5, $0x0  }
0x1f: {  	s9 =	smul.u32 $0xF7A, s1;
	s8 =	simm.s32 @!p0 $0x1BF5;
	p2 =	por !p2, p0  }
0x20: {  	[sflag:s8] =	ssyncset.s32 @!p0 $0xFFFFF086;
	s6 =	sadd.s32 @!p0 s3, s7;
	s7 =	simm.s32 @!p0 $0x108  }
0x21: {  	s3 =	sadd.s32 s3, s9;
	s6 =	sadd.s32 @!p0 $0x88, s6;
	s7 =	simm.s32 @p2 $0x1082  }
0x22: {  	[simem:s7], [sflag:s8] =	dma.local @!p0 [hbm:s6], $0xF7A  }
0x23: {  	s9 =	sor.u32 $0xD0000000, s2;
	s6 =	simm.s32 $0x108;
	_ =	swait.ge @!p0 [sflag:s8], $0x0  }
0x24: {  	s3 =	sadd.s32 $0x88, s3;
	s6 =	simm.s32 @!p1 $0x1082;
	[sflag:s4] =	ssyncset.s32 $0xFFFFF086  }
0x25: {  	[simem:s6], [sflag:s4] =	dma.local [hbm:s3], $0xF7A  }
0x26: {  	[smem:$0x3F55] =	sst s1;
	(tag) =	ssettag s2;
	_ =	strace s9  }
0x27: {  	s1 =	sld [smem:$0x3F65]  }
0x28: {  	s2 =	sld [smem:$0x3F66]  }
0x29: {  	s4 =	sld [smem:$0x3F68]  }
0x2a: {  	p0 =	seq.s32 s5, $0x0;
	s5 =	sld [smem:$0x3F69]  }
0x2b: {  	s6 =	sld [smem:$0x3F6A]  }
0x2c: {  	s7 =	sld [smem:$0x3F6B]  }
0x2d: {  	s3 =	simm.s32 $0x108;
	s8 =	sld [smem:$0x3F6C]  }
0x2e: {  	s3 =	simm.s32 @!p0 $0x1082;
	s9 =	sld [smem:$0x3F6D]  }
0x2f: {  	lr =	sadd.s32 s0, s3;
	s0 =	sld [smem:$0x3F64]  }
0x30: {  	s3 =	sld [smem:$0x3F67]  }
0x31: {  	[smem:$0x3F70] =	sst s10  }
0x32: {  	s10 =	sld [smem:$0x3F6E];
	_ =	sdelay $0x3  }
0x33: {  	p0 =	seq.s32 s10, $0x1;
	s10 =	sld [smem:$0x3F70];
	_ =	sdelay $0x3  }
0x34: {  	[smem:$0x3F70] =	sst s10  }
0x35: {  	s10 =	sld [smem:$0x3F6F];
	_ =	sdelay $0x3  }
0x36: {  	p1 =	seq.s32 s10, $0x1;
	s10 =	sld [smem:$0x3F70];
	_ =	sdelay $0x3  }
0x37: {  	[smem:$0x3F70] =	sst s10  }
0x38: {  	s10 =	sld [smem:$0x3F71]  }
0x39: {  	_ = 	snop;
	(pc) =	sbr.ind lr, $3  }
0x3a: {  	_ = 	snop  }
0x3b: {  	_ = 	snop  }
0x3c: {  	p2 =	seq.s32 s10, $0x1;
	s10 =	sld [smem:$0x3F70]  }
0x3d: {  	_ =	shalt  }
0x3e: {  	_ =	shalt  }
0x3f: {  	_ =	shalt  }
0x40: {  	_ =	shalt  }
0x41: {  	_ =	shalt  }
0x42: {  	_ =	shalt  }
0x43: {  	_ =	shalt  }
0x44: {  	_ =	shalt  }
0x45: {  	_ =	shalt  }
0x46: {  	_ =	shalt  }
0x47: {  	_ =	shalt  }
0x48: {  	_ =	shalt  }
0x49: {  	_ =	shalt  }
0x4a: {  	_ =	shalt  }
0x4b: {  	_ =	shalt  }
0x4c: {  	_ =	shalt  }
0x4d: {  	_ =	shalt  }
0x4e: {  	_ =	shalt  }
0x4f: {  	_ =	shalt  }
0x50: {  	_ =	shalt  }
0x51: {  	_ =	shalt  }
0x52: {  	_ =	shalt  }
0x53: {  	_ =	shalt  }
0x54: {  	_ =	shalt  }
0x55: {  	_ =	shalt  }
0x56: {  	_ =	shalt  }
0x57: {  	_ =	shalt  }
0x58: {  	_ =	shalt  }
0x59: {  	_ =	shalt  }
0x5a: {  	_ =	shalt  }
0x5b: {  	_ =	shalt  }
0x5c: {  	_ =	shalt  }
0x5d: {  	_ =	shalt  }
0x5e: {  	_ =	shalt  }
0x5f: {  	_ =	shalt  }
0x60: {  	_ =	shalt  }
0x61: {  	_ =	shalt  }
0x62: {  	_ =	shalt  }
0x63: {  	_ =	shalt  }
0x64: {  	_ =	shalt  }
0x65: {  	_ =	shalt  }
0x66: {  	_ =	shalt  }
0x67: {  	_ =	shalt  }
0x68: {  	_ =	shalt  }
0x69: {  	_ =	shalt  }
0x6a: {  	_ =	shalt  }
0x6b: {  	_ =	shalt  }
0x6c: {  	_ =	shalt  }
0x6d: {  	_ =	shalt  }
0x6e: {  	_ =	shalt  }
0x6f: {  	_ =	shalt  }
0x70: {  	_ =	shalt  }
0x71: {  	_ =	shalt  }
0x72: {  	_ =	shalt  }
0x73: {  	_ =	shalt  }
0x74: {  	_ =	shalt  }
0x75: {  	_ =	shalt  }
0x76: {  	_ =	shalt  }
0x77: {  	_ =	shalt  }
0x78: {  	_ =	shalt  }
0x79: {  	_ =	shalt  }
0x7a: {  	_ =	shalt  }
0x7b: {  	_ =	shalt  }
0x7c: {  	_ =	shalt  }
0x7d: {  	_ =	shalt  }
0x7e: {  	_ =	shalt  }
0x7f: {  	_ =	shalt  }
0x80: {  	_ =	shalt  }
0x81: {  	_ =	shalt  }
0x82: {  	_ =	shalt  }
0x83: {  	_ =	shalt  }
0x84: {  	_ =	shalt  }
0x85: {  	_ =	shalt  }
0x86: {  	_ =	shalt  }
0x87: {  	_ =	shalt  }
.Lfunc_end0:
.L_simem_size_0:
called_computation.2_lowered:
.L_overlay_start_0:
0x88: {  	s2 =	sld [smem:$0x3FD9]  }
0x89: {  	s3 =	sld [smem:$0x3FFE];
	_ =	sdelay $0x1  }
0x8a: {  	s1 =	srdreg.scid  }
0x8b: {  	s0 =	sand.u32 $0x1, s1  }
0x8c: {  	s14 =	sshll.u32 s0, $0xA;
	s2 =	sadd.s32 s3, s2  }
0x8d: {  	s2 =	sadd.s32 s2, s14  }
0x8e: {  	[smem:$0x3F7C] =	sst s2  }
0x8f: {  	_ = 	snop  }
0x90: {  	s2 =	sld [smem:$0x3FD0];
	_ =	sdelay $0x2  }
0x91: {  	s15 =	simm.s32 $0xA;
	s4 =	simm.s32 $0x10  }
0x92: {  	[smem:s4], [sflag:s15] =	dma.local [hbm:s2], $0x1  }
0x93: {  	_ =	swait.eq [sflag:s15], $0x1  }
0x94: {  	[sflag:s15] =	ssyncset.done $0x0  }
0x95: {  	[sflag:s15] =	ssyncadd.s32 $0xFFFFFFFF  }
0x96: {  	s16 =	sld [smem:$0x13];
	(tm) =	ssettm $0x1  }
0x97: {  	s17 =	sld [smem:$0x3FFB];
	_ =	sdelay $0x3  }
0x98: {  	_ =	strace s17  }
0x99: {  	s3 =	sld [smem:$0x3FFC];
	_ =	sdelay $0x3  }
0x9a: {  	_ =	strace s3  }
0x9b: {  	s3 =	sld [smem:$0x3FFD];
	_ =	sdelay $0x3  }
0x9c: {  	_ =	strace s3  }
0x9d: {  	_ =	strace $0x8FFFFFFF  }
0x9e: {  	s18 =	sld [smem:$0x3FDB];
	_ =	sdelay $0x1  }
0x9f: {  	s19 =	simm.s32 $_scs_section_size  }
0xa0: {  	s5 =	simm.s32 $_size__tile_overlayer_lowered;
	s6 =	simm.s32 $_tile_overlayer_lowered  }
0xa1: {  	s22 =	simm.s32 $0x1BFF;
	s21 =	sshll.u32 s6, $0x1;
	s3 =	sadd.s32 s19, s18  }
0xa2: {  	s7 =	simm.s32 $0x0;
	s20 =	sshll.u32 s5, $0x1;
	s5 =	sadd.s32 s21, s3  }
0xa3: {  	[timem:s7], [sflag:s22] =	dma.local [hbm:s5], s20  }
0xa4: {  	_ =	swait.ge [sflag:s22], s20  }
0xa5: {  	s4 =	ssub.s32 $0x0, s20;
	[sflag:s22] =	ssyncset.done $0x0  }
0xa6: {  	[sflag:s22] =	ssyncadd.s32 s4;
	_ =	sdelay $0x1  }
0xa7: {  	s23 =	simm.s32 $0x1B8B  }
0xa8: {  	_ =	swait.ge [sflag:s23], $0x1  }
0xa9: {  	[sflag:s23] =	ssyncset.done $0x0  }
0xaa: {  	s25 =	simm.s32 $0x1B8E;
	s24 =	sld [smem:$0x3FFE];
	[sflag:s23] =	ssyncadd.s32 $0xFFFFFFFF  }
0xab: {  	s26 =	simm.s32 $execute0_lowered;
	[smem:$0x3FD2] =	sst s25  }
0xac: {  	s5 =	sshll.u32 s26, $0x1;
	_ =	strace $0x8000004C;
	[dreg:$0x1] =	wrdreg $0xFFFFFFFF  }
0xad: {  	s28 =	simm.s32 $_size_execute0_lowered;
	s3 =	sadd.s32 s3, s5;
	[dreg:$0x0] =	wrdreg $0x0  }
0xae: {  	s5 =	sshll.u32 s28, $0x1;
	[dreg:$0x2] =	wrdreg s3  }
0xaf: {  	[dreg:$0x3] =	wrdreg s5  }
0xb0: {  	[dreg:$0x4] =	wrdreg $0xC0  }
0xb1: {  	_ =	task [dreg:s7], $0x5FFFF  }
0xb2: {  	[dreg:$0x1] =	wrdreg $0xFFFFFFFF  }
0xb3: {  	[dreg:$0x0] =	wrdreg $0x60  }
0xb4: {  	[dreg:$0x2] =	wrdreg s24  }
0xb5: {  	[dreg:$0x3] =	wrdreg s16  }
0xb6: {  	[dreg:$0x4] =	wrdreg $0x9  }
0xb7: {  	_ =	task.clear_ibuf [dreg:s7], $0x5FFFF;
	_ =	strace $0x9000004C  }
0xb8: {  	s29 =	simm.s32 $0x9;
	_ =	strace $0x8000004E  }
0xb9: {  	_ =	swait.ge [sflag:s29], $0x1  }
0xba: {  	[sflag:s29] =	ssyncadd.s32 $0xFFFFFFFF  }
0xbb: {  	_ =	strace $0x9000004E  }
0xbc: {  	_ =	sfence  }
0xbd: {  	s30 =	sld [smem:$0x0];
	_ =	sdelay $0x2  }
0xbe: {  	s31 =	sshll.u32 s1, $0xD;
	s1 =	sshrl.u32 s1, $0x2  }
0xbf: {  	s3 =	sand.u32 $0x4000, s31;
	s1 =	sadd.s32 s1, s30  }
0xc0: {  	s0 =	sor.u32 s3, s0;
	s1 =	sshll.u32 s1, $0x11  }
0xc1: {  	s0 =	sor.u32 s1, s0  }
0xc2: {  	s0 =	sadd.s32 $0x8F2B, s0  }
0xc3: {  	[sflag:s0] =	ssyncadd.remote.s32 $0x1  }
0xc4: {  	_ =	sfence.sel $0xFFFF  }
0xc5: {  	[dreg:$0x0] =	wrdreg $0xFFFFFFFF;
	(pc) =	sbr.abs _section_cstart, $3  }
0xc6: {  	[dreg:$0x1] =	wrdreg $0xFFFFFFFF  }
0xc7: {  	_ =	task.clear_ibuf [dreg:s7], $0x2FFFF;
	_ =	strace $0x9FFFFFFF  }
0xc8: {  	(tm) =	ssettm $0x7FFFFFFF  }
0xc9: {  	_ =	shalt  }
tec
execute0_lowered:
.L_overlay_start_1:
0x0: {  	(tag) =	ssettag $0x1  }
0x1: {  	s8 =	rddreg [dreg:$0x0]  }
0x2: {  	s2 =	rddreg [dreg:$0x1]  }
0x3: {  	s1 =	srdreg.scid;
	s0 =	rddreg [dreg:$0x2]  }
0x4: {  	_ =	strace $0x8000004D;
	s4 =	simm.s32 $0x1;
	s6 =	simm.s32 $0x2  }
0x5: {  	s10 =	simm.s32 $0x3;
	p3 =	por $0x0, $0x0;
	s3 =	sshll.u32 s1, $0x4  }
.Ltmp0:
0x6: {  	s1 =	stileid.u32;
	s5 =	sand.u32 $0x10, s3;
	(pc) =	sbr.rel .LBB2_1-.Ltmp0, $4  }
0x7: {  	s11 =	simm.s32 $0x80;
	[sflag:s4] =	ssyncpa.u1 $0x0;
	s5 =	sor.u32 s1, s5  }
0x8: {  	s7 =	sadd.s32 $0x593600, s8;
	[sflag:s6] =	ssyncpa.u1 $0x0;
	s5 =	smul.u32 $0x1388, s5  }
0x9: {  	s3 =	sadd.s32 $0x3BEA00, s8;
	s8 =	sadd.s32 $0x6200, s8;
	[sflag:s10] =	ssyncpa.u1 $0x0  }
0xa: {  	v0 =	vlaneseq.u32;
	s10 =	simm.s32 $0x0;
	s9 =	sadd.s32 $0x1388, s5;
	s12 =	smov.u32 s5  }
.LBB2_6:
0xb: {  	s15 =	sadd.s32 s17, s15  }
0xc: {  	v2 =	vld.msk [tilespmem:s15+$0x0 ss:$0x1], $0x1;
	_ =	sdelay $0x2  }
0xd: {  	(v2sf) =	vpush v1, $0x1  }
0xe: {  	(v2sf) =	vpush v1, $0x0  }
0xf: {  	(v2sf) =	vpush v2, $0x0;
	_ =	sdelay $0xc  }
0x10: {  	p0 =	seq.s32 s19, $0x9C;
	s18 =	simm.s32 $0x1;
	s15 =	spop (v2sf)  }
0x11: {  	s18 =	simm.s32 @!p0 $0x2;
	s15 =	simm.s32 @p1 $0xFFFFFFFF;
	s23 =	spop (v2sf)  }
0x12: {  	p0 =	sne.s32 s23, s15;
	s15 =	simm.s32 $0x1;
	s20 =	spop (v2sf)  }
0x13: {  	v1 =	vmov s18;
	s15 =	simm.s32 @!p0 $0x0;
	s24 =	sshrl.u32 s20, $0x3  }
0x14: {  	vm0 =	vgt.u32 v1, v0;
	s15 =	sadd.s32 s15, s16;
	s26 =	sshll.u32 s20, $0x7;
	s25 =	smul.u32 $0x3000, s24  }
0x15: {  	s15 =	smul.u32 $0x1800, s15;
	s28 =	sand.u32 $0x380, s26  }
0x16: {  	s16 =	sor.u32 s28, s25  }
0x17: {  	s15 =	sshra.s32 s15, $0x2;
	s16 =	sshrl.u32 s16, $0x3  }
0x18: {  	s13 =	sadd.s32 s17, s13;
	s14 =	sadd.s32 s15, s14;
	s29 =	sadd.s32 s7, s16  }
0x19: {  	[hbm:s29] =	stream.strided.scatter [tilespmem:s14], [sflag:$0x3], $0x600, s11, s11, $0x38;
	[tilespmem:$0x1E0A0] =	vst v63  }
0x1a: {  	v1 =	vld.msk [tilespmem:s13+$0x0 ss:$0x1], vm0;
	_ =	sdelay $0x4  }
0x1b: {  	(v2sf) =	vpush v1, $0x1  }
0x1c: {  	(v2sf) =	vpush v1, $0x0;
	_ =	sdelay $0xb  }
0x1d: {  	s13 =	sld [smem:$0x7FB];
	_ =	sdelay $0x1  }
0x1e: {  	s30 =	spop (v2sf)  }
0x1f: {  	p3 =	seq.s32 s13, $0x1;
	s31 =	spop (v2sf)  }
.LBB2_7:
0x20: {  	p0 =	slt.u32 s10, $0x2;
	s10 =	sadd.s32 $0x1, s10  }
0x21: {  	p2 =	sne.s32 s10, $0x7F  }
.Ltmp1:
0x22: {  	_ = 	snop;
	(pc) =	sbr.rel @!p2 .LBB2_8-.Ltmp1, $4  }
0x23: {  	s13 =	simm.s32 @!p0 $0x3  }
0x24: {  	s14 =	sadd.s32 $0x28, s12;
	_ =	swait.ge @!p0 [sflag:s13], $0xF000  }
0x25: {  	s12 =	smov.u32 s5;
	p1 =	slt.s32 s14, s9;
	[sflag:s13] =	ssyncset.done @!p0 $0x0  }
0x26: {  	p3 =	por !p3, !p3;
	s12 =	smov.u32 @p1 s14;
	[sflag:s13] =	ssyncadd.s32 @!p0 $0xFFFF1000  }
.LBB2_1:
0x27: {  	p0 =	sgt.u32 s10, $0x7C  }
0x28: {  	s13 =	sxor.u32 @!p0 $0xFFFFFFFF, s10  }
0x29: {  	s13 =	sand.u32 @!p0 $0x1, s13  }
0x2a: {  	s14 =	sshrl.u32 @!p0 s12, $0x3;
	s13 =	smul.u32 @!p0 $0x28, s13  }
0x2b: {  	s16 =	sand.u32 @!p0 $0x7, s12;
	s15 =	sadd.s32 @!p0 s2, s14  }
0x2c: {  	[tilespmem:s13], [sflag:$0x2] =	stream.linear.gather @!p0 [hbm4b:s15+s16], $0x28, $0x38;
	[tilespmem:$0x1E0A0] =	vst v63  }
0x2d: {  	s31 =	sadd.s32 $0xFFFFFFFF, s10;
	s14 =	sadd.s32 @!p0 s8, s14;
	s13 =	sadd.s32 @!p0 $0x50, s13  }
0x2e: {  	[tilespmem:s13], [sflag:$0x2] =	stream.linear.gather @!p0 [hbm4b:s14+s16], $0x28, $0x38;
	[tilespmem:$0x1E0A0] =	vst v63  }
0x2f: {  	p0 =	sgt.u32 s31, $0x7C  }
.Ltmp2:
0x30: {  	_ = 	snop;
	(pc) =	sbr.rel @p0 .LBB2_7-.Ltmp2, $1  }
0x31: {  	_ =	sdelay $0x3  }
0x32: {  	p2 =	por $0x0, $0x0;
	s13 =	simm.s32 $0x1  }
0x33: {  	s13 =	simm.s32 @!p2 $0x2  }
0x34: {  	v1 =	vmov s13  }
0x35: {  	s14 =	simm.s32 @!p3 $0x0;
	s13 =	simm.s32 $0x1;
	vm0 =	vgt.u32 v1, v0  }
0x36: {  	s14 =	simm.s32 @p3 $0x1;
	s13 =	simm.s32 @!p3 $0x0  }
0x37: {  	[smem:$0x7FB] =	sst s14;
	s13 =	smul.u32 $0xA0, s13  }
0x38: {  	_ =	swait.ge [sflag:s6], $0x50  }
0x39: {  	[sflag:s6] =	ssyncset.done $0x0;
	s13 =	sshrl.u32 s13, $0x2  }
0x3a: {  	[sflag:s6] =	ssyncadd.s32 $0xFFFFFFB0;
	s25 =	sadd.s32 $0x0, s13  }
0x3b: {  	v1 =	vld.msk [tilespmem:s25+$0x0 ss:$0x1], vm0;
	_ =	sdelay $0x4  }
0x3c: {  	(v2sf) =	vpush v1, $0x1  }
0x3d: {  	(v2sf) =	vpush v1, $0x0;
	_ =	sdelay $0x1  }
0x3e: {  	p0 =	por $0x0, $0x0;
	s14 =	simm.s32 $0x1  }
0x3f: {  	s14 =	simm.s32 @!p0 $0x2  }
0x40: {  	v2 =	vmov s14  }
0x41: {  	vm12 =	vgt.u32 v2, v0;
	_ =	sdelay $0x3  }
0x42: {  	p1 =	por $0x0, $0x0;
	s15 =	simm.s32 $0x1  }
0x43: {  	s15 =	simm.s32 @!p1 $0x2;
	s26 =	sadd.s32 $0x1, s13  }
0x44: {  	v3 =	vmov s15;
	v2 =	vld.msk [tilespmem:s26+$0x0 ss:$0x1], vm12  }
0x45: {  	p2 =	por p2, p2;
	vm13 =	vgt.u32 v3, v0  }
0x46: {  	p2 =	por p2, p2  }
0x47: {  	p2 =	por p2, p2;
	s14 =	spop (v2sf)  }
0x48: {  	s14 =	simm.s32 @p2 $0xFFFFFFFF;
	s16 =	spop (v2sf)  }
0x49: {  	(v2sf) =	vpush v2, $0x1;
	p2 =	seq.s32 s16, s14  }
0x4a: {  	s28 =	sadd.s32 $0x2, s13;
	(v2sf) =	vpush v2, $0x0;
	vm0 =	vgt.s32 @!p2 v1, $0x0  }
0x4b: {  	v3 =	vld.msk [tilespmem:s28+$0x0 ss:$0x1], vm13;
	v1 =	vnsel @!p2 vm0, $0x0, v1  }
0x4c: {  	v1 =	vmin.u32 @!p2 v1, $0x270F  }
0x4d: {  	(v2sf) =	vpush @!p2 v1, $0x0  }
0x4e: {  	s29 =	sand.u32 $0x1, s10;
	s20 =	simm.s32 $0x1  }
0x4f: {  	s24 =	simm.s32 $0x1;
	p4 =	por p1, p1;
	p1 =	por $0x0, $0x0  }
0x50: {  	s22 =	simm.s32 $0x18;
	s20 =	simm.s32 @!p1 $0x2;
	p4 =	por p4, p4;
	(v2sf) =	vpush v3, $0x1  }
0x51: {  	p5 =	por p1, p1;
	p1 =	por $0x0, $0x0;
	p0 =	por p0, p0;
	(v2sf) =	vpush v3, $0x0  }
0x52: {  	s24 =	simm.s32 @!p1 $0x2;
	p1 =	por p4, p4;
	p0 =	por p0, p0  }
0x53: {  	p5 =	por p5, p5;
	p4 =	por $0x0, $0x0;
	p3 =	por p0, p0  }
0x54: {  	s15 =	sadd.s32 $0x50, s13;
	s30 =	sadd.s32 $0x3, s13;
	s31 =	sadd.s32 $0x4, s13  }
0x55: {  	s28 =	simm.s32 $0x1;
	s14 =	smul.u32 $0x3C000, s29;
	s16 =	simm.s32 $0x0  }
0x56: {  	s17 =	smul.u32 @!p2 $0x1800, s16;
	s18 =	simm.s32 @!p2 $0x1;
	s19 =	simm.s32 @!p2 $0x80;
	v1 =	vmov s20  }
0x57: {  	p6 =	por p2, p2;
	s14 =	sshrl.u32 s14, $0x2;
	s18 =	smov.u32 @p2 s16;
	vm14 =	vgt.u32 v1, v0  }
0x58: {  	s16 =	spop (v2sf);
	s14 =	sor.u32 $0xA0, s14;
	s17 =	sshra.s32 @!p2 s17, $0x2  }
0x59: {  	s16 =	simm.s32 @p3 $0xFFFFFFFF;
	s21 =	spop (v2sf);
	p3 =	por p4, p4  }
0x5a: {  	v4 =	vmov s24;
	p4 =	por p6, p6;
	p6 =	por $0x0, $0x0;
	s24 =	simm.s32 @!p3 $0x0  }
0x5b: {  	s20 =	simm.s32 $0x14;
	p0 =	seq.s32 s21, s16;
	s24 =	simm.s32 @p3 $0x1  }
0x5c: {  	[smem:$0x7FC] =	sst s24;
	s24 =	spop @!p2 (v2sf);
	p2 =	por p0, p0  }
0x5d: {  	s28 =	simm.s32 @!p6 $0x2;
	s16 =	smul.u32 @!p0 $0x1800, s18;
	vm1 =	vgt.s32 @!p0 v2, $0x0;
	v1 =	vld.msk [tilespmem:s30+$0x0 ss:$0x1], vm14;
	s21 =	simm.s32 @!p2 $0x0  }
0x5e: {  	vm15 =	vgt.u32 v4, v0;
	s23 =	sadd.s32 @!p0 $0x1, s18;
	v2 =	vnsel @!p0 vm1, $0x0, v2;
	s25 =	sshrl.u32 @!p4 s24, $0x3;
	s21 =	simm.s32 @p2 $0x1  }
0x5f: {  	v2 =	vmin.u32 @!p0 v2, $0x270F;
	s24 =	sshll.u32 @!p4 s24, $0x7;
	[smem:$0x7FD] =	sst s21;
	s21 =	spop (v2sf)  }
0x60: {  	(v2sf) =	vpush @!p0 v2, $0x0;
	s25 =	smul.u32 @!p4 $0x3000, s25;
	s21 =	simm.s32 @p1 $0xFFFFFFFF;
	s26 =	spop (v2sf)  }
0x61: {  	s23 =	smov.u32 @p0 s18;
	s24 =	sand.u32 @!p4 $0x380, s24;
	p3 =	seq.s32 s26, s21  }
0x62: {  	s18 =	sshra.s32 @!p0 s16, $0x2;
	(v2sf) =	vpush v1, $0x1;
	s25 =	sor.u32 @!p4 s24, s25;
	vm1 =	vgt.s32 @!p3 v3, $0x0;
	s26 =	smul.u32 @!p3 $0x1800, s23  }
0x63: {  	s16 =	simm.s32 @!p0 $0x80;
	(v2sf) =	vpush v1, $0x0;
	s25 =	sshrl.u32 @!p4 s25, $0x3;
	s21 =	sadd.s32 @!p3 $0x1, s23;
	v4 =	vnsel @!p3 vm1, $0x0, v3  }
0x64: {  	v2 =	vld.msk [tilespmem:s31+$0x0 ss:$0x1], vm15;
	s21 =	smov.u32 @p3 s23;
	v3 =	vmov s28;
	s23 =	simm.s32 @!p3 $0x80;
	v4 =	vmin.u32 @!p3 v4, $0x270F;
	s24 =	sshra.s32 @!p3 s26, $0x2  }
.LBB2_3:
0x65: {  	s26 =	smov.u32 s21;
	p2 =	por p0, p0  }
0x66: {  	p0 =	por p3, p3;
	s21 =	sadd.s32 @!p4 s3, s25;
	s25 =	sadd.s32 @!p4 s17, s14  }
0x67: {  	s28 =	smov.u32 s22;
	s22 =	sadd.s32 $0x4, s22;
	s31 =	sld [smem:$0x7FC]  }
0x68: {  	s17 =	smov.u32 s18;
	s18 =	smov.u32 s24;
	s29 =	sld [smem:$0x7FD]  }
0x69: {  	[tilespmem:s25], [sflag:$0x1] =	stream.strided.gather @!p4 [hbm:s21], $0x600, s19, s19, $0x38;
	[tilespmem:$0x1E0A0] =	vst v63  }
0x6a: {  	(v2sf) =	vpush @!p3 v4, $0x0;
	p3 =	por p5, p5;
	s30 =	sshra.s32 s20, $0x2;
	s19 =	smov.u32 s16  }
0x6b: {  	s16 =	smov.u32 s23;
	s20 =	smov.u32 s28;
	p1 =	seq.s32 s31, $0x1  }
0x6c: {  	p5 =	por p1, p1;
	p1 =	por p6, p6;
	p6 =	seq.s32 s29, $0x1  }
0x6d: {  	s28 =	simm.s32 $0x1;
	s24 =	simm.s32 @!p1 $0x0;
	p4 =	por p6, p6  }
0x6e: {  	vm0 =	vgt.u32 v3, v0;
	p6 =	por p0, p0;
	s24 =	simm.s32 @p1 $0x1;
	p1 =	sne.s32 s22, $0xA0  }
0x6f: {  	s21 =	simm.s32 @!p6 $0x0;
	s23 =	spop @!p2 (v2sf);
	[smem:$0x7FC] =	sst s24  }
0x70: {  	s21 =	simm.s32 @p6 $0x1;
	s25 =	sshrl.u32 @!p4 s23, $0x3;
	s23 =	sshll.u32 @!p4 s23, $0x7  }
0x71: {  	p6 =	seq.s32 s20, $0x9C;
	[smem:$0x7FD] =	sst s21;
	s24 =	spop (v2sf)  }
.Ltmp3:
0x72: {  	s24 =	simm.s32 @p3 $0xFFFFFFFF;
	s31 =	spop (v2sf);
	(pc) =	sbr.rel @p1 .LBB2_3-.Ltmp3, $4  }
0x73: {  	s21 =	sadd.s32 s30, s13;
	p3 =	seq.s32 s31, s24;
	s24 =	smul.u32 @!p4 $0x3000, s25  }
0x74: {  	(v2sf) =	vpush v2, $0x1;
	v3 =	vmov v2;
	s23 =	sand.u32 @!p4 $0x380, s23;
	v2 =	vld.msk [tilespmem:s21+$0x0 ss:$0x1], vm0;
	vm0 =	vgt.s32 @!p3 v1, $0x0;
	s25 =	smul.u32 @!p3 $0x1800, s26;
	s21 =	sadd.s32 @!p3 $0x1, s26  }
0x75: {  	s28 =	simm.s32 @!p6 $0x2;
	v4 =	vnsel @!p3 vm0, $0x0, v1;
	s21 =	smov.u32 @p3 s26;
	s26 =	sor.u32 @!p4 s23, s24  }
0x76: {  	(v2sf) =	vpush v3, $0x0;
	v1 =	vmovc v3;
	v3 =	vmov s28;
	s23 =	simm.s32 @!p3 $0x80;
	v4 =	vmin.u32 @!p3 v4, $0x270F;
	s24 =	sshra.s32 @!p3 s25, $0x2;
	s25 =	sshrl.u32 @!p4 s26, $0x3  }
0x77: {  	_ =	sdelay $0x4  }
0x78: {  	vm0 =	vgt.u32 v3, v0;
	_ =	sdelay $0x1  }
0x79: {  	(v2sf) =	vpush @!p3 v4, $0x0  }
0x7a: {  	(v2sf) =	vpush v2, $0x1  }
0x7b: {  	s20 =	sshra.s32 s20, $0x2;
	s22 =	spop @!p0 (v2sf);
	(v2sf) =	vpush v2, $0x0  }
0x7c: {  	s20 =	sadd.s32 s20, s13  }
0x7d: {  	s17 =	sadd.s32 @!p4 s17, s14;
	v3 =	vld.msk [tilespmem:s20+$0x0 ss:$0x1], vm0;
	s20 =	sadd.s32 @!p4 s3, s25  }
0x7e: {  	[tilespmem:s17], [sflag:$0x1] =	stream.strided.gather @!p4 [hbm:s20], $0x600, s19, s19, $0x38;
	[tilespmem:$0x1E0A0] =	vst v63  }
0x7f: {  	p0 =	por p5, p5;
	s26 =	spop (v2sf)  }
0x80: {  	s26 =	simm.s32 @p0 $0xFFFFFFFF;
	s28 =	spop (v2sf)  }
0x81: {  	s17 =	sld [smem:$0x7FD];
	p0 =	seq.s32 s28, s26  }
0x82: {  	vm0 =	vgt.s32 @!p0 v1, $0x0  }
0x83: {  	s30 =	sld [smem:$0x7FC];
	v1 =	vnsel @!p0 vm0, $0x0, v1  }
0x84: {  	p1 =	seq.s32 s17, $0x1;
	v1 =	vmin.u32 @!p0 v1, $0x270F  }
0x85: {  	p2 =	por p1, p1;
	(v2sf) =	vpush @!p0 v1, $0x0  }
0x86: {  	p4 =	por p3, p3;
	p5 =	seq.s32 s30, $0x1;
	s17 =	sshrl.u32 @!p2 s22, $0x3;
	(v2sf) =	vpush v3, $0x1  }
0x87: {  	p1 =	por p5, p5;
	s19 =	sshll.u32 @!p2 s22, $0x7;
	s17 =	smul.u32 @!p2 $0x3000, s17;
	(v2sf) =	vpush v3, $0x0  }
0x88: {  	p1 =	por p1, p1;
	s19 =	sand.u32 @!p2 $0x380, s19;
	s20 =	spop @!p3 (v2sf)  }
0x89: {  	s18 =	sadd.s32 @!p2 s18, s14;
	s17 =	sor.u32 @!p2 s19, s17;
	s22 =	spop (v2sf)  }
0x8a: {  	s17 =	sshrl.u32 @!p2 s17, $0x3;
	s22 =	simm.s32 @p1 $0xFFFFFFFF;
	s31 =	spop (v2sf)  }
0x8b: {  	p3 =	por p4, p4;
	s17 =	sadd.s32 @!p2 s3, s17;
	p1 =	seq.s32 s31, s22  }
0x8c: {  	[tilespmem:s18], [sflag:$0x1] =	stream.strided.gather @!p2 [hbm:s17], $0x600, s16, s16, $0x38;
	[tilespmem:$0x1E0A0] =	vst v63  }
0x8d: {  	s16 =	sshrl.u32 @!p3 s20, $0x3;
	vm0 =	vgt.s32 @!p1 v2, $0x0  }
0x8e: {  	s17 =	sshll.u32 @!p3 s20, $0x7;
	s16 =	smul.u32 @!p3 $0x3000, s16;
	v1 =	vnsel @!p1 vm0, $0x0, v2  }
0x8f: {  	s17 =	sand.u32 @!p3 $0x380, s17;
	v1 =	vmin.u32 @!p1 v1, $0x270F  }
0x90: {  	s16 =	sor.u32 @!p3 s17, s16;
	(v2sf) =	vpush @!p1 v1, $0x0  }
0x91: {  	s16 =	sshrl.u32 @!p3 s16, $0x3  }
0x92: {  	p5 =	por p6, p6;
	s17 =	sadd.s32 @!p3 s24, s14;
	s16 =	sadd.s32 @!p3 s3, s16  }
0x93: {  	[tilespmem:s17], [sflag:$0x1] =	stream.strided.gather @!p3 [hbm:s16], $0x600, s23, s23, $0x38;
	[tilespmem:$0x1E0A0] =	vst v63  }
0x94: {  	p2 =	por p5, p5;
	s18 =	spop @!p0 (v2sf)  }
0x95: {  	p2 =	por p2, p2;
	s19 =	spop (v2sf)  }
0x96: {  	p6 =	por p0, p0;
	s19 =	simm.s32 @p2 $0xFFFFFFFF;
	s20 =	spop (v2sf)  }
0x97: {  	p3 =	por p6, p6;
	p2 =	seq.s32 s20, s19  }
0x98: {  	s16 =	sshrl.u32 @!p3 s18, $0x3;
	vm0 =	vgt.s32 @!p2 v3, $0x0  }
0x99: {  	s17 =	sshll.u32 @!p3 s18, $0x7;
	s16 =	smul.u32 @!p3 $0x3000, s16;
	v1 =	vnsel @!p2 vm0, $0x0, v3  }
0x9a: {  	s18 =	smul.u32 @!p0 $0x1800, s21;
	s17 =	sand.u32 @!p3 $0x380, s17;
	v1 =	vmin.u32 @!p2 v1, $0x270F  }
0x9b: {  	s16 =	sor.u32 @!p3 s17, s16;
	(v2sf) =	vpush @!p2 v1, $0x0  }
0x9c: {  	p5 =	por p1, p1;
	s17 =	sshra.s32 @!p0 s18, $0x2;
	s16 =	sshrl.u32 @!p3 s16, $0x3  }
0x9d: {  	s18 =	simm.s32 @!p0 $0x80;
	s17 =	sadd.s32 @!p3 s17, s14;
	s16 =	sadd.s32 @!p3 s3, s16  }
0x9e: {  	[tilespmem:s17], [sflag:$0x1] =	stream.strided.gather @!p3 [hbm:s16], $0x600, s18, s18, $0x38;
	[tilespmem:$0x1E0A0] =	vst v63  }
0x9f: {  	p3 =	por p5, p5;
	s16 =	spop @!p1 (v2sf)  }
0xa0: {  	s17 =	sadd.s32 @!p0 $0x1, s21;
	s18 =	sshrl.u32 @!p3 s16, $0x3  }
0xa1: {  	s17 =	smov.u32 @p0 s21;
	s16 =	sshll.u32 @!p3 s16, $0x7;
	s18 =	smul.u32 @!p3 $0x3000, s18  }
0xa2: {  	s19 =	smul.u32 @!p1 $0x1800, s17;
	s16 =	sand.u32 @!p3 $0x380, s16  }
0xa3: {  	s16 =	sor.u32 @!p3 s16, s18  }
0xa4: {  	s18 =	sshra.s32 @!p1 s19, $0x2;
	s16 =	sshrl.u32 @!p3 s16, $0x3  }
0xa5: {  	s19 =	simm.s32 @!p1 $0x80;
	s18 =	sadd.s32 @!p3 s18, s14;
	s16 =	sadd.s32 @!p3 s3, s16  }
0xa6: {  	[tilespmem:s18], [sflag:$0x1] =	stream.strided.gather @!p3 [hbm:s16], $0x600, s19, s19, $0x38;
	[tilespmem:$0x1E0A0] =	vst v63  }
0xa7: {  	s18 =	sadd.s32 @!p1 $0x1, s17  }
0xa8: {  	s18 =	smov.u32 @p1 s17  }
0xa9: {  	p6 =	por p2, p2;
	s20 =	sadd.s32 @!p2 $0x1, s18  }
0xaa: {  	p0 =	por p6, p6;
	s20 =	smov.u32 @p2 s18;
	s16 =	spop @!p2 (v2sf)  }
0xab: {  	s22 =	smul.u32 $0x1800, s20;
	s19 =	sshrl.u32 @!p0 s16, $0x3  }
0xac: {  	s16 =	sshll.u32 @!p0 s16, $0x7;
	s17 =	smul.u32 @!p0 $0x3000, s19  }
0xad: {  	s19 =	smul.u32 @!p2 $0x1800, s18;
	s16 =	sand.u32 @!p0 $0x380, s16  }
0xae: {  	s16 =	sor.u32 @!p0 s16, s17  }
0xaf: {  	s23 =	sshrl.u32 s22, $0x2;
	s17 =	sshra.s32 @!p2 s19, $0x2;
	s16 =	sshrl.u32 @!p0 s16, $0x3  }
0xb0: {  	s18 =	simm.s32 @!p2 $0x80;
	s17 =	sadd.s32 @!p0 s17, s14;
	s16 =	sadd.s32 @!p0 s3, s16  }
0xb1: {  	[tilespmem:s17], [sflag:$0x1] =	stream.strided.gather @!p0 [hbm:s16], $0x600, s18, s18, $0x38;
	[tilespmem:$0x1E0A0] =	vst v63  }
0xb2: {  	_ =	swait.ge [sflag:s4], s23  }
0xb3: {  	s16 =	ssub.s32 $0x0, s23;
	[sflag:s4] =	ssyncset.done $0x0  }
0xb4: {  	s24 =	sadd.s32 $0x0, s15;
	[sflag:s4] =	ssyncadd.s32 s16  }
0xb5: {  	v1 =	vld.msk [tilespmem:s24+$0x0 ss:$0x1], $0x1;
	_ =	sdelay $0x4  }
0xb6: {  	(v2sf) =	vpush v1, $0x0;
	_ =	sdelay $0xd  }
0xb7: {  	p1 =	por $0x0, $0x0;
	s17 =	simm.s32 $0x1  }
0xb8: {  	s17 =	simm.s32 @!p1 $0x2;
	s25 =	spop (v2sf)  }
0xb9: {  	v1 =	vmov s17;
	s26 =	sshrl.u32 s25, $0x3  }
0xba: {  	s16 =	simm.s32 $0x0;
	vm15 =	vgt.u32 v1, v0;
	s18 =	sshll.u32 s25, $0x7;
	s28 =	smul.u32 $0x3000, s26  }
0xbb: {  	s29 =	smul.u32 $0x1800, s16;
	s18 =	sand.u32 $0x380, s18  }
0xbc: {  	s17 =	sor.u32 s18, s28  }
0xbd: {  	s30 =	sshra.s32 s29, $0x2;
	s17 =	sshrl.u32 s17, $0x3  }
0xbe: {  	s31 =	sadd.s32 $0x0, s13;
	s18 =	sadd.s32 s30, s14;
	s17 =	sadd.s32 s7, s17  }
0xbf: {  	[hbm:s17] =	stream.strided.scatter [tilespmem:s18], [sflag:$0x3], $0x600, s11, s11, $0x38;
	[tilespmem:$0x1E0A0] =	vst v63  }
0xc0: {  	s19 =	simm.s32 $0x4;
	s17 =	simm.s32 $0x1;
	s18 =	simm.s32 $0x8;
	v1 =	vld.msk [tilespmem:s31+$0x0 ss:$0x1], vm15  }
.LBB2_5:
0xc1: {  	p0 =	sne.s32 s18, $0x9C;
	s20 =	sadd.s32 s17, s15  }
0xc2: {  	v2 =	vld.msk [tilespmem:s20+$0x0 ss:$0x1], $0x1;
	_ =	sdelay $0x3  }
0xc3: {  	(v2sf) =	vpush v1, $0x1  }
0xc4: {  	(v2sf) =	vpush v1, $0x0  }
0xc5: {  	(v2sf) =	vpush v2, $0x0;
	_ =	sdelay $0xc  }
0xc6: {  	s20 =	spop (v2sf)  }
0xc7: {  	s21 =	simm.s32 $0x1;
	s20 =	simm.s32 @p1 $0xFFFFFFFF;
	p1 =	seq.s32 s19, $0x9C  }
0xc8: {  	s19 =	spop (v2sf);
	s21 =	simm.s32 @!p1 $0x2  }
0xc9: {  	s22 =	spop (v2sf);
	p2 =	sne.s32 s19, s20;
	v1 =	vmov s21;
	s21 =	simm.s32 $0x1  }
0xca: {  	s19 =	smov.u32 s18;
	s20 =	sshrl.u32 s22, $0x3;
	s21 =	simm.s32 @!p2 $0x0  }
0xcb: {  	s22 =	sshll.u32 s22, $0x7;
	s20 =	smul.u32 $0x3000, s20;
	vm0 =	vgt.u32 v1, v0;
	s16 =	sadd.s32 s21, s16  }
0xcc: {  	s21 =	sand.u32 $0x380, s22;
	s22 =	smul.u32 $0x1800, s16  }
.Ltmp4:
0xcd: {  	s20 =	sor.u32 s21, s20;
	(pc) =	sbr.rel @p0 .LBB2_5-.Ltmp4, $4  }
0xce: {  	s20 =	sshrl.u32 s20, $0x3;
	s21 =	sshra.s32 s22, $0x2  }
0xcf: {  	s20 =	sadd.s32 s7, s20;
	s22 =	sadd.s32 s17, s13;
	s21 =	sadd.s32 s21, s14  }
0xd0: {  	[hbm:s20] =	stream.strided.scatter [tilespmem:s21], [sflag:$0x3], $0x600, s11, s11, $0x38;
	[tilespmem:$0x1E0A0] =	vst v63  }
0xd1: {  	s18 =	sadd.s32 $0x4, s18;
	s17 =	sshra.s32 s19, $0x2;
	v1 =	vld.msk [tilespmem:s22+$0x0 ss:$0x1], vm0  }
.Ltmp5:
0xd2: {  	_ = 	snop;
	(pc) =	sbr.rel .LBB2_6-.Ltmp5, $1  }
0xd3: {  	_ =	sdelay $0x3  }
.LBB2_8:
0xd4: {  	_ =	sfence.sel $0x180000  }
0xd5: {  	s2 =	simm.s32 $0x2;
	[bflag:$0x0] =	sbarrier.arrive $0xFFFF  }
0xd6: {  	s30 =	simm.s32 $0x3;
	[sflag:s2] =	ssyncpa.u1 $0x1  }
0xd7: {  	s31 =	simm.s32 $0x1;
	[sflag:s30] =	ssyncpa.u1 $0x1  }
0xd8: {  	[sflag:s31] =	ssyncpa.u1 $0x1  }
0xd9: {  	p0 =	sne.s32 s1, $0x0;
	_ =	strace $0x9000004D  }
0xda: {  	s0 =	sadd.s32 @!p0 $0x100000, s0;
	[bflag:$0x2] =	sbarrier.arrive $0xFFFF  }
0xdb: {  	[sflag:s0] =	ssyncadd.tile.s32 @!p0 $0x1;
	_ =	shalt  }
.Lfunc_end2:
_tile_overlayer_lowered:
.L_overlay_start_2:
0xdc: {  	(tag) =	ssettag $0x2  }
0xdd: {  	s0 =	rddreg [dreg:$0x0];
	s2 =	stileid.u32  }
0xde: {  	s1 =	rddreg [dreg:$0x1];
	p0 =	sne.s32 s2, $0x0  }
0xdf: {  	s3 =	rddreg [dreg:$0x2];
	[bflag:$0x3] =	sbarrier.arrive $0xFFFF;
	s2 =	simm.s32 @!p0 $0x1C01  }
0xe0: {  	[timem:s3], [sflag:s2] =	dma.local @!p0 [hbm:s0], s1  }
0xe1: {  	s0 =	simm.s32 @!p0 $0x1  }
0xe2: {  	_ =	swait.ge @!p0 [sflag:s0], s1  }
0xe3: {  	s1 =	ssub.s32 @!p0 $0x0, s1;
	[sflag:s0] =	ssyncset.done @!p0 $0x0  }
0xe4: {  	[sflag:s0] =	ssyncadd.s32 @!p0 s1  }
0xe5: {  	[bflag:$0x3] =	sbarrier.arrive $0xFFFF  }
0xe6: {  	_ =	shalt  }

// kernel: gather_offload_async_start
scs
__scs_entry_jumppad:
0x0: {  	(pc) =	sbr.rel $0x88, $3  }
0x1: {  	(tag) =	ssettag $0x0;
	lr =	simm.s32 $0x1  }
0x2: {  	[smem:$0x3F55] =	sst lr;
	_ =	strace $0xD0000000  }
0x3: {  	_ = 	snop  }
0x4: {  	_ = 	snop  }
0x5: {  	_ = 	snop  }
0x6: {  	_ = 	snop  }
0x7: {  	_ = 	snop  }
__scs_overlays_trampoline_lowered:
0x8: {  	[smem:$0x3F64] =	sst s0  }
0x9: {  	[smem:$0x3F65] =	sst s1  }
0xa: {  	[smem:$0x3F66] =	sst s2  }
0xb: {  	[smem:$0x3F67] =	sst s3  }
0xc: {  	[smem:$0x3F68] =	sst s4  }
0xd: {  	[smem:$0x3F69] =	sst s5  }
0xe: {  	[smem:$0x3F6A] =	sst s6  }
0xf: {  	[smem:$0x3F6B] =	sst s7  }
0x10: {  	[smem:$0x3F6C] =	sst s8  }
0x11: {  	[smem:$0x3F6D] =	sst s9;
	s0 =	simm.s32 @!p0 $0x0  }
0x12: {  	s1 =	sld [smem:$0x3F53];
	s0 =	simm.s32 @p0 $0x1  }
0x13: {  	[smem:$0x3F6E] =	sst s0;
	s0 =	simm.s32 @!p1 $0x0  }
0x14: {  	s2 =	sld [smem:$0x3F52];
	s0 =	simm.s32 @p1 $0x1  }
0x15: {  	[smem:$0x3F6F] =	sst s0;
	s0 =	simm.s32 @!p2 $0x0  }
0x16: {  	s3 =	sld [smem:$0x3FDB];
	s0 =	simm.s32 @p2 $0x1  }
0x17: {  	s4 =	simm.s32 $0x1BF5;
	[smem:$0x3F71] =	sst s0  }
0x18: {  	s0 =	sld [smem:$0x3F54];
	_ =	swait.ge [sflag:s4], $0x0  }
0x19: {  	s7 =	sld [smem:$0x3F55]  }
0x1a: {  	s8 =	sadd.s32 $0xFFFFE003, lr  }
0x1b: {  	s9 =	sadd.s32 $0xFFFFFEF7, lr;
	s5 =	simm.s32 $0xFFFFFFFF;
	p2 =	slt.u32 s8, $0xFFFFF086  }
0x1c: {  	p1 =	slt.u32 s9, $0xF7A;
	s5 =	simm.s32 @!p2 $0x0  }
0x1d: {  	s5 =	simm.s32 @p1 $0x1;
	p0 =	seq.s32 s7, s2  }
0x1e: {  	s7 =	smul.u32 @!p0 $0xF7A, s2;
	p2 =	seq.s32 @!p0 s5, $0x0  }
0x1f: {  	s9 =	smul.u32 $0xF7A, s1;
	s8 =	simm.s32 @!p0 $0x1BF5;
	p2 =	por !p2, p0  }
0x20: {  	[sflag:s8] =	ssyncset.s32 @!p0 $0xFFFFF086;
	s6 =	sadd.s32 @!p0 s3, s7;
	s7 =	simm.s32 @!p0 $0x108  }
0x21: {  	s3 =	sadd.s32 s3, s9;
	s6 =	sadd.s32 @!p0 $0x88, s6;
	s7 =	simm.s32 @p2 $0x1082  }
0x22: {  	[simem:s7], [sflag:s8] =	dma.local @!p0 [hbm:s6], $0xF7A  }
0x23: {  	s9 =	sor.u32 $0xD0000000, s2;
	s6 =	simm.s32 $0x108;
	_ =	swait.ge @!p0 [sflag:s8], $0x0  }
0x24: {  	s3 =	sadd.s32 $0x88, s3;
	s6 =	simm.s32 @!p1 $0x1082;
	[sflag:s4] =	ssyncset.s32 $0xFFFFF086  }
0x25: {  	[simem:s6], [sflag:s4] =	dma.local [hbm:s3], $0xF7A  }
0x26: {  	[smem:$0x3F55] =	sst s1;
	(tag) =	ssettag s2;
	_ =	strace s9  }
0x27: {  	s1 =	sld [smem:$0x3F65]  }
0x28: {  	s2 =	sld [smem:$0x3F66]  }
0x29: {  	s4 =	sld [smem:$0x3F68]  }
0x2a: {  	p0 =	seq.s32 s5, $0x0;
	s5 =	sld [smem:$0x3F69]  }
0x2b: {  	s6 =	sld [smem:$0x3F6A]  }
0x2c: {  	s7 =	sld [smem:$0x3F6B]  }
0x2d: {  	s3 =	simm.s32 $0x108;
	s8 =	sld [smem:$0x3F6C]  }
0x2e: {  	s3 =	simm.s32 @!p0 $0x1082;
	s9 =	sld [smem:$0x3F6D]  }
0x2f: {  	lr =	sadd.s32 s0, s3;
	s0 =	sld [smem:$0x3F64]  }
0x30: {  	s3 =	sld [smem:$0x3F67]  }
0x31: {  	[smem:$0x3F70] =	sst s10  }
0x32: {  	s10 =	sld [smem:$0x3F6E];
	_ =	sdelay $0x3  }
0x33: {  	p0 =	seq.s32 s10, $0x1;
	s10 =	sld [smem:$0x3F70];
	_ =	sdelay $0x3  }
0x34: {  	[smem:$0x3F70] =	sst s10  }
0x35: {  	s10 =	sld [smem:$0x3F6F];
	_ =	sdelay $0x3  }
0x36: {  	p1 =	seq.s32 s10, $0x1;
	s10 =	sld [smem:$0x3F70];
	_ =	sdelay $0x3  }
0x37: {  	[smem:$0x3F70] =	sst s10  }
0x38: {  	s10 =	sld [smem:$0x3F71]  }
0x39: {  	_ = 	snop;
	(pc) =	sbr.ind lr, $3  }
0x3a: {  	_ = 	snop  }
0x3b: {  	_ = 	snop  }
0x3c: {  	p2 =	seq.s32 s10, $0x1;
	s10 =	sld [smem:$0x3F70]  }
0x3d: {  	_ =	shalt  }
0x3e: {  	_ =	shalt  }
0x3f: {  	_ =	shalt  }
0x40: {  	_ =	shalt  }
0x41: {  	_ =	shalt  }
0x42: {  	_ =	shalt  }
0x43: {  	_ =	shalt  }
0x44: {  	_ =	shalt  }
0x45: {  	_ =	shalt  }
0x46: {  	_ =	shalt  }
0x47: {  	_ =	shalt  }
0x48: {  	_ =	shalt  }
0x49: {  	_ =	shalt  }
0x4a: {  	_ =	shalt  }
0x4b: {  	_ =	shalt  }
0x4c: {  	_ =	shalt  }
0x4d: {  	_ =	shalt  }
0x4e: {  	_ =	shalt  }
0x4f: {  	_ =	shalt  }
0x50: {  	_ =	shalt  }
0x51: {  	_ =	shalt  }
0x52: {  	_ =	shalt  }
0x53: {  	_ =	shalt  }
0x54: {  	_ =	shalt  }
0x55: {  	_ =	shalt  }
0x56: {  	_ =	shalt  }
0x57: {  	_ =	shalt  }
0x58: {  	_ =	shalt  }
0x59: {  	_ =	shalt  }
0x5a: {  	_ =	shalt  }
0x5b: {  	_ =	shalt  }
0x5c: {  	_ =	shalt  }
0x5d: {  	_ =	shalt  }
0x5e: {  	_ =	shalt  }
0x5f: {  	_ =	shalt  }
0x60: {  	_ =	shalt  }
0x61: {  	_ =	shalt  }
0x62: {  	_ =	shalt  }
0x63: {  	_ =	shalt  }
0x64: {  	_ =	shalt  }
0x65: {  	_ =	shalt  }
0x66: {  	_ =	shalt  }
0x67: {  	_ =	shalt  }
0x68: {  	_ =	shalt  }
0x69: {  	_ =	shalt  }
0x6a: {  	_ =	shalt  }
0x6b: {  	_ =	shalt  }
0x6c: {  	_ =	shalt  }
0x6d: {  	_ =	shalt  }
0x6e: {  	_ =	shalt  }
0x6f: {  	_ =	shalt  }
0x70: {  	_ =	shalt  }
0x71: {  	_ =	shalt  }
0x72: {  	_ =	shalt  }
0x73: {  	_ =	shalt  }
0x74: {  	_ =	shalt  }
0x75: {  	_ =	shalt  }
0x76: {  	_ =	shalt  }
0x77: {  	_ =	shalt  }
0x78: {  	_ =	shalt  }
0x79: {  	_ =	shalt  }
0x7a: {  	_ =	shalt  }
0x7b: {  	_ =	shalt  }
0x7c: {  	_ =	shalt  }
0x7d: {  	_ =	shalt  }
0x7e: {  	_ =	shalt  }
0x7f: {  	_ =	shalt  }
0x80: {  	_ =	shalt  }
0x81: {  	_ =	shalt  }
0x82: {  	_ =	shalt  }
0x83: {  	_ =	shalt  }
0x84: {  	_ =	shalt  }
0x85: {  	_ =	shalt  }
0x86: {  	_ =	shalt  }
0x87: {  	_ =	shalt  }
.Lfunc_end0:
.L_simem_size_0:
called_computation.1_lowered:
.L_overlay_start_0:
0x88: {  	s2 =	sld [smem:$0x3FD9]  }
0x89: {  	s3 =	sld [smem:$0x3FFE];
	_ =	sdelay $0x1  }
0x8a: {  	s1 =	srdreg.scid  }
0x8b: {  	s0 =	sand.u32 $0x1, s1  }
0x8c: {  	s16 =	sshll.u32 s0, $0xA;
	s2 =	sadd.s32 s3, s2  }
0x8d: {  	s2 =	sadd.s32 s2, s16  }
0x8e: {  	[smem:$0x3F7C] =	sst s2  }
0x8f: {  	_ = 	snop  }
0x90: {  	(tm) =	ssettm $0x1  }
0x91: {  	s17 =	sld [smem:$0x3FFB];
	_ =	sdelay $0x3  }
0x92: {  	_ =	strace s17  }
0x93: {  	s2 =	sld [smem:$0x3FFC];
	_ =	sdelay $0x3  }
0x94: {  	_ =	strace s2  }
0x95: {  	s2 =	sld [smem:$0x3FFD];
	_ =	sdelay $0x3  }
0x96: {  	_ =	strace s2  }
0x97: {  	_ =	strace $0x8FFFFFFF  }
0x98: {  	s18 =	sld [smem:$0x3FDB];
	_ =	sdelay $0x1  }
0x99: {  	s19 =	simm.s32 $_scs_section_size  }
0x9a: {  	s4 =	simm.s32 $_size__tile_overlayer_lowered;
	s5 =	simm.s32 $_tile_overlayer_lowered  }
0x9b: {  	s22 =	simm.s32 $0x1BFF;
	s21 =	sshll.u32 s5, $0x1;
	s2 =	sadd.s32 s19, s18  }
0x9c: {  	s6 =	simm.s32 $0x0;
	s20 =	sshll.u32 s4, $0x1;
	s4 =	sadd.s32 s21, s2  }
0x9d: {  	[timem:s6], [sflag:s22] =	dma.local [hbm:s4], s20  }
0x9e: {  	_ =	swait.ge [sflag:s22], s20  }
0x9f: {  	s3 =	ssub.s32 $0x0, s20;
	[sflag:s22] =	ssyncset.done $0x0  }
0xa0: {  	[sflag:s22] =	ssyncadd.s32 s3;
	_ =	sdelay $0x1  }
0xa1: {  	s23 =	simm.s32 $0x1B8B  }
0xa2: {  	_ =	swait.ge [sflag:s23], $0x1  }
0xa3: {  	[sflag:s23] =	ssyncset.done $0x0  }
0xa4: {  	s25 =	simm.s32 $0x1B8E;
	s24 =	sld [smem:$0x3FFE];
	[sflag:s23] =	ssyncadd.s32 $0xFFFFFFFF  }
0xa5: {  	s26 =	simm.s32 $execute0_lowered;
	[smem:$0x3FD2] =	sst s25  }
0xa6: {  	s4 =	sshll.u32 s26, $0x1;
	_ =	strace $0x80000049;
	[dreg:$0x1] =	wrdreg $0xFFFFFFFF  }
0xa7: {  	s28 =	simm.s32 $_size_execute0_lowered;
	s2 =	sadd.s32 s2, s4;
	[dreg:$0x0] =	wrdreg $0x0  }
0xa8: {  	s4 =	sshll.u32 s28, $0x1;
	[dreg:$0x2] =	wrdreg s2  }
0xa9: {  	[dreg:$0x3] =	wrdreg s4  }
0xaa: {  	[dreg:$0x4] =	wrdreg $0xC0  }
0xab: {  	_ =	task [dreg:s6], $0x5FFFF  }
0xac: {  	[dreg:$0x1] =	wrdreg $0xFFFFFFFF  }
0xad: {  	[dreg:$0x0] =	wrdreg $0x60  }
0xae: {  	[dreg:$0x2] =	wrdreg s24  }
0xaf: {  	[dreg:$0x3] =	wrdreg $0x9  }
0xb0: {  	_ =	task.clear_ibuf [dreg:s6], $0x4FFFF;
	_ =	strace $0x90000049  }
0xb1: {  	s29 =	simm.s32 $0x9;
	_ =	strace $0x8000004B  }
0xb2: {  	_ =	swait.ge [sflag:s29], $0x1  }
0xb3: {  	[sflag:s29] =	ssyncadd.s32 $0xFFFFFFFF  }
0xb4: {  	_ =	strace $0x9000004B  }
0xb5: {  	_ =	sfence  }
0xb6: {  	s30 =	sld [smem:$0x0];
	_ =	sdelay $0x2  }
0xb7: {  	s31 =	sshll.u32 s1, $0xD;
	s1 =	sshrl.u32 s1, $0x2  }
0xb8: {  	s3 =	sand.u32 $0x4000, s31;
	s1 =	sadd.s32 s1, s30  }
0xb9: {  	s0 =	sor.u32 s3, s0;
	s1 =	sshll.u32 s1, $0x11  }
0xba: {  	s0 =	sor.u32 s1, s0  }
0xbb: {  	s0 =	sadd.s32 $0x8F2B, s0  }
0xbc: {  	[sflag:s0] =	ssyncadd.remote.s32 $0x1  }
0xbd: {  	_ =	sfence.sel $0xFFFF  }
0xbe: {  	[dreg:$0x0] =	wrdreg $0xFFFFFFFF;
	(pc) =	sbr.abs _section_cstart, $3  }
0xbf: {  	[dreg:$0x1] =	wrdreg $0xFFFFFFFF  }
0xc0: {  	_ =	task.clear_ibuf [dreg:s6], $0x2FFFF;
	_ =	strace $0x9FFFFFFF  }
0xc1: {  	(tm) =	ssettm $0x7FFFFFFF  }
tec
execute0_lowered:
.L_overlay_start_1:
0x0: {  	(tag) =	ssettag $0x1  }
0x1: {  	s8 =	rddreg [dreg:$0x0]  }
0x2: {  	s0 =	rddreg [dreg:$0x1];
	s1 =	srdreg.scid;
	_ =	strace $0x8000004A  }
0x3: {  	s4 =	simm.s32 $0x1;
	s6 =	simm.s32 $0x2;
	s10 =	simm.s32 $0x3  }
0x4: {  	p3 =	por $0x0, $0x0;
	s11 =	simm.s32 $0x80;
	s3 =	sshll.u32 s1, $0x4  }
.Ltmp0:
0x5: {  	s1 =	stileid.u32;
	s5 =	sand.u32 $0x10, s3;
	(pc) =	sbr.rel .LBB2_1-.Ltmp0, $4  }
0x6: {  	s2 =	sadd.s32 $0x15200, s8;
	[sflag:s4] =	ssyncpa.u1 $0x0;
	s5 =	sor.u32 s1, s5  }
0x7: {  	s7 =	sadd.s32 $0x501200, s8;
	[sflag:s6] =	ssyncpa.u1 $0x0;
	s5 =	smul.u32 $0x1388, s5  }
0x8: {  	s3 =	sadd.s32 $0x4F7200, s8;
	s8 =	sadd.s32 $0x4FC200, s8;
	[sflag:s10] =	ssyncpa.u1 $0x0  }
0x9: {  	v0 =	vlaneseq.u32;
	s10 =	simm.s32 $0x0;
	s9 =	sadd.s32 $0x1388, s5;
	s12 =	smov.u32 s5  }
.LBB2_6:
0xa: {  	s15 =	sadd.s32 s17, s15  }
0xb: {  	v2 =	vld.msk [tilespmem:s15+$0x0 ss:$0x1], $0x1;
	_ =	sdelay $0x2  }
0xc: {  	(v2sf) =	vpush v1, $0x1  }
0xd: {  	(v2sf) =	vpush v1, $0x0  }
0xe: {  	(v2sf) =	vpush v2, $0x0;
	_ =	sdelay $0xc  }
0xf: {  	p0 =	seq.s32 s19, $0x9C;
	s18 =	simm.s32 $0x1;
	s15 =	spop (v2sf)  }
0x10: {  	s18 =	simm.s32 @!p0 $0x2;
	s15 =	simm.s32 @p1 $0xFFFFFFFF;
	s23 =	spop (v2sf)  }
0x11: {  	p0 =	sne.s32 s23, s15;
	s15 =	simm.s32 $0x1;
	s20 =	spop (v2sf)  }
0x12: {  	v1 =	vmov s18;
	s15 =	simm.s32 @!p0 $0x0;
	s24 =	sshrl.u32 s20, $0x3  }
0x13: {  	vm0 =	vgt.u32 v1, v0;
	s15 =	sadd.s32 s15, s16;
	s26 =	sshll.u32 s20, $0x7;
	s25 =	smul.u32 $0x3000, s24  }
0x14: {  	s15 =	smul.u32 $0x1800, s15;
	s28 =	sand.u32 $0x380, s26  }
0x15: {  	s16 =	sor.u32 s28, s25  }
0x16: {  	s15 =	sshra.s32 s15, $0x2;
	s16 =	sshrl.u32 s16, $0x3  }
0x17: {  	s13 =	sadd.s32 s17, s13;
	s14 =	sadd.s32 s15, s14;
	s29 =	sadd.s32 s7, s16  }
0x18: {  	[hbm:s29] =	stream.strided.scatter [tilespmem:s14], [sflag:$0x3], $0x600, s11, s11, $0x38;
	[tilespmem:$0x1E0A0] =	vst v63  }
0x19: {  	v1 =	vld.msk [tilespmem:s13+$0x0 ss:$0x1], vm0;
	_ =	sdelay $0x4  }
0x1a: {  	(v2sf) =	vpush v1, $0x1  }
0x1b: {  	(v2sf) =	vpush v1, $0x0;
	_ =	sdelay $0xb  }
0x1c: {  	s13 =	sld [smem:$0x7FB];
	_ =	sdelay $0x1  }
0x1d: {  	s30 =	spop (v2sf)  }
0x1e: {  	p3 =	seq.s32 s13, $0x1;
	s31 =	spop (v2sf)  }
.LBB2_7:
0x1f: {  	p0 =	slt.u32 s10, $0x2;
	s10 =	sadd.s32 $0x1, s10  }
0x20: {  	p2 =	sne.s32 s10, $0x7F  }
.Ltmp1:
0x21: {  	_ = 	snop;
	(pc) =	sbr.rel @!p2 .LBB2_8-.Ltmp1, $4  }
0x22: {  	s13 =	simm.s32 @!p0 $0x3  }
0x23: {  	s14 =	sadd.s32 $0x28, s12;
	_ =	swait.ge @!p0 [sflag:s13], $0xF000  }
0x24: {  	s12 =	smov.u32 s5;
	p1 =	slt.s32 s14, s9;
	[sflag:s13] =	ssyncset.done @!p0 $0x0  }
0x25: {  	p3 =	por !p3, !p3;
	s12 =	smov.u32 @p1 s14;
	[sflag:s13] =	ssyncadd.s32 @!p0 $0xFFFF1000  }
.LBB2_1:
0x26: {  	p0 =	sgt.u32 s10, $0x7C  }
0x27: {  	s13 =	sxor.u32 @!p0 $0xFFFFFFFF, s10  }
0x28: {  	s13 =	sand.u32 @!p0 $0x1, s13  }
0x29: {  	s14 =	sshrl.u32 @!p0 s12, $0x3;
	s13 =	smul.u32 @!p0 $0x28, s13  }
0x2a: {  	s16 =	sand.u32 @!p0 $0x7, s12;
	s15 =	sadd.s32 @!p0 s3, s14  }
0x2b: {  	[tilespmem:s13], [sflag:$0x2] =	stream.linear.gather @!p0 [hbm4b:s15+s16], $0x28, $0x38;
	[tilespmem:$0x1E0A0] =	vst v63  }
0x2c: {  	s31 =	sadd.s32 $0xFFFFFFFF, s10;
	s14 =	sadd.s32 @!p0 s8, s14;
	s13 =	sadd.s32 @!p0 $0x50, s13  }
0x2d: {  	[tilespmem:s13], [sflag:$0x2] =	stream.linear.gather @!p0 [hbm4b:s14+s16], $0x28, $0x38;
	[tilespmem:$0x1E0A0] =	vst v63  }
0x2e: {  	p0 =	sgt.u32 s31, $0x7C  }
.Ltmp2:
0x2f: {  	_ = 	snop;
	(pc) =	sbr.rel @p0 .LBB2_7-.Ltmp2, $1  }
0x30: {  	_ =	sdelay $0x3  }
0x31: {  	p2 =	por $0x0, $0x0;
	s13 =	simm.s32 $0x1  }
0x32: {  	s13 =	simm.s32 @!p2 $0x2  }
0x33: {  	v1 =	vmov s13  }
0x34: {  	s14 =	simm.s32 @!p3 $0x0;
	s13 =	simm.s32 $0x1;
	vm0 =	vgt.u32 v1, v0  }
0x35: {  	s14 =	simm.s32 @p3 $0x1;
	s13 =	simm.s32 @!p3 $0x0  }
0x36: {  	[smem:$0x7FB] =	sst s14;
	s13 =	smul.u32 $0xA0, s13  }
0x37: {  	_ =	swait.ge [sflag:s6], $0x50  }
0x38: {  	[sflag:s6] =	ssyncset.done $0x0;
	s13 =	sshrl.u32 s13, $0x2  }
0x39: {  	[sflag:s6] =	ssyncadd.s32 $0xFFFFFFB0;
	s25 =	sadd.s32 $0x0, s13  }
0x3a: {  	v1 =	vld.msk [tilespmem:s25+$0x0 ss:$0x1], vm0;
	_ =	sdelay $0x4  }
0x3b: {  	(v2sf) =	vpush v1, $0x1  }
0x3c: {  	(v2sf) =	vpush v1, $0x0;
	_ =	sdelay $0x1  }
0x3d: {  	p0 =	por $0x0, $0x0;
	s14 =	simm.s32 $0x1  }
0x3e: {  	s14 =	simm.s32 @!p0 $0x2  }
0x3f: {  	v2 =	vmov s14  }
0x40: {  	vm12 =	vgt.u32 v2, v0;
	_ =	sdelay $0x3  }
0x41: {  	p1 =	por $0x0, $0x0;
	s15 =	simm.s32 $0x1  }
0x42: {  	s15 =	simm.s32 @!p1 $0x2;
	s26 =	sadd.s32 $0x1, s13  }
0x43: {  	v3 =	vmov s15;
	v2 =	vld.msk [tilespmem:s26+$0x0 ss:$0x1], vm12  }
0x44: {  	p2 =	por p2, p2;
	vm13 =	vgt.u32 v3, v0  }
0x45: {  	p2 =	por p2, p2  }
0x46: {  	p2 =	por p2, p2;
	s14 =	spop (v2sf)  }
0x47: {  	s14 =	simm.s32 @p2 $0xFFFFFFFF;
	s16 =	spop (v2sf)  }
0x48: {  	(v2sf) =	vpush v2, $0x1;
	p2 =	seq.s32 s16, s14  }
0x49: {  	s28 =	sadd.s32 $0x2, s13;
	(v2sf) =	vpush v2, $0x0;
	vm0 =	vgt.s32 @!p2 v1, $0x0  }
0x4a: {  	v3 =	vld.msk [tilespmem:s28+$0x0 ss:$0x1], vm13;
	v1 =	vnsel @!p2 vm0, $0x0, v1  }
0x4b: {  	v1 =	vmin.u32 @!p2 v1, $0x270F  }
0x4c: {  	(v2sf) =	vpush @!p2 v1, $0x0  }
0x4d: {  	s29 =	sand.u32 $0x1, s10;
	s20 =	simm.s32 $0x1  }
0x4e: {  	s24 =	simm.s32 $0x1;
	p4 =	por p1, p1;
	p1 =	por $0x0, $0x0  }
0x4f: {  	s22 =	simm.s32 $0x18;
	s20 =	simm.s32 @!p1 $0x2;
	p4 =	por p4, p4;
	(v2sf) =	vpush v3, $0x1  }
0x50: {  	p5 =	por p1, p1;
	p1 =	por $0x0, $0x0;
	p0 =	por p0, p0;
	(v2sf) =	vpush v3, $0x0  }
0x51: {  	s24 =	simm.s32 @!p1 $0x2;
	p1 =	por p4, p4;
	p0 =	por p0, p0  }
0x52: {  	p5 =	por p5, p5;
	p4 =	por $0x0, $0x0;
	p3 =	por p0, p0  }
0x53: {  	s15 =	sadd.s32 $0x50, s13;
	s30 =	sadd.s32 $0x3, s13;
	s31 =	sadd.s32 $0x4, s13  }
0x54: {  	s28 =	simm.s32 $0x1;
	s14 =	smul.u32 $0x3C000, s29;
	s16 =	simm.s32 $0x0  }
0x55: {  	s17 =	smul.u32 @!p2 $0x1800, s16;
	s18 =	simm.s32 @!p2 $0x1;
	s19 =	simm.s32 @!p2 $0x80;
	v1 =	vmov s20  }
0x56: {  	p6 =	por p2, p2;
	s14 =	sshrl.u32 s14, $0x2;
	s18 =	smov.u32 @p2 s16;
	vm14 =	vgt.u32 v1, v0  }
0x57: {  	s16 =	spop (v2sf);
	s14 =	sor.u32 $0xA0, s14;
	s17 =	sshra.s32 @!p2 s17, $0x2  }
0x58: {  	s16 =	simm.s32 @p3 $0xFFFFFFFF;
	s21 =	spop (v2sf);
	p3 =	por p4, p4  }
0x59: {  	v4 =	vmov s24;
	p4 =	por p6, p6;
	p6 =	por $0x0, $0x0;
	s24 =	simm.s32 @!p3 $0x0  }
0x5a: {  	s20 =	simm.s32 $0x14;
	p0 =	seq.s32 s21, s16;
	s24 =	simm.s32 @p3 $0x1  }
0x5b: {  	[smem:$0x7FC] =	sst s24;
	s24 =	spop @!p2 (v2sf);
	p2 =	por p0, p0  }
0x5c: {  	s28 =	simm.s32 @!p6 $0x2;
	s16 =	smul.u32 @!p0 $0x1800, s18;
	vm1 =	vgt.s32 @!p0 v2, $0x0;
	v1 =	vld.msk [tilespmem:s30+$0x0 ss:$0x1], vm14;
	s21 =	simm.s32 @!p2 $0x0  }
0x5d: {  	vm15 =	vgt.u32 v4, v0;
	s23 =	sadd.s32 @!p0 $0x1, s18;
	v2 =	vnsel @!p0 vm1, $0x0, v2;
	s25 =	sshrl.u32 @!p4 s24, $0x3;
	s21 =	simm.s32 @p2 $0x1  }
0x5e: {  	v2 =	vmin.u32 @!p0 v2, $0x270F;
	s24 =	sshll.u32 @!p4 s24, $0x7;
	[smem:$0x7FD] =	sst s21;
	s21 =	spop (v2sf)  }
0x5f: {  	(v2sf) =	vpush @!p0 v2, $0x0;
	s25 =	smul.u32 @!p4 $0x3000, s25;
	s21 =	simm.s32 @p1 $0xFFFFFFFF;
	s26 =	spop (v2sf)  }
0x60: {  	s23 =	smov.u32 @p0 s18;
	s24 =	sand.u32 @!p4 $0x380, s24;
	p3 =	seq.s32 s26, s21  }
0x61: {  	s18 =	sshra.s32 @!p0 s16, $0x2;
	(v2sf) =	vpush v1, $0x1;
	s25 =	sor.u32 @!p4 s24, s25;
	vm1 =	vgt.s32 @!p3 v3, $0x0;
	s26 =	smul.u32 @!p3 $0x1800, s23  }
0x62: {  	s16 =	simm.s32 @!p0 $0x80;
	(v2sf) =	vpush v1, $0x0;
	s25 =	sshrl.u32 @!p4 s25, $0x3;
	s21 =	sadd.s32 @!p3 $0x1, s23;
	v4 =	vnsel @!p3 vm1, $0x0, v3  }
0x63: {  	v2 =	vld.msk [tilespmem:s31+$0x0 ss:$0x1], vm15;
	s21 =	smov.u32 @p3 s23;
	v3 =	vmov s28;
	s23 =	simm.s32 @!p3 $0x80;
	v4 =	vmin.u32 @!p3 v4, $0x270F;
	s24 =	sshra.s32 @!p3 s26, $0x2  }
.LBB2_3:
0x64: {  	s26 =	smov.u32 s21;
	p2 =	por p0, p0  }
0x65: {  	p0 =	por p3, p3;
	s21 =	sadd.s32 @!p4 s2, s25;
	s25 =	sadd.s32 @!p4 s17, s14  }
0x66: {  	s28 =	smov.u32 s22;
	s22 =	sadd.s32 $0x4, s22;
	s31 =	sld [smem:$0x7FC]  }
0x67: {  	s17 =	smov.u32 s18;
	s18 =	smov.u32 s24;
	s29 =	sld [smem:$0x7FD]  }
0x68: {  	[tilespmem:s25], [sflag:$0x1] =	stream.strided.gather @!p4 [hbm:s21], $0x600, s19, s19, $0x38;
	[tilespmem:$0x1E0A0] =	vst v63  }
0x69: {  	(v2sf) =	vpush @!p3 v4, $0x0;
	p3 =	por p5, p5;
	s30 =	sshra.s32 s20, $0x2;
	s19 =	smov.u32 s16  }
0x6a: {  	s16 =	smov.u32 s23;
	s20 =	smov.u32 s28;
	p1 =	seq.s32 s31, $0x1  }
0x6b: {  	p5 =	por p1, p1;
	p1 =	por p6, p6;
	p6 =	seq.s32 s29, $0x1  }
0x6c: {  	s28 =	simm.s32 $0x1;
	s24 =	simm.s32 @!p1 $0x0;
	p4 =	por p6, p6  }
0x6d: {  	vm0 =	vgt.u32 v3, v0;
	p6 =	por p0, p0;
	s24 =	simm.s32 @p1 $0x1;
	p1 =	sne.s32 s22, $0xA0  }
0x6e: {  	s21 =	simm.s32 @!p6 $0x0;
	s23 =	spop @!p2 (v2sf);
	[smem:$0x7FC] =	sst s24  }
0x6f: {  	s21 =	simm.s32 @p6 $0x1;
	s25 =	sshrl.u32 @!p4 s23, $0x3;
	s23 =	sshll.u32 @!p4 s23, $0x7  }
0x70: {  	p6 =	seq.s32 s20, $0x9C;
	[smem:$0x7FD] =	sst s21;
	s24 =	spop (v2sf)  }
.Ltmp3:
0x71: {  	s24 =	simm.s32 @p3 $0xFFFFFFFF;
	s31 =	spop (v2sf);
	(pc) =	sbr.rel @p1 .LBB2_3-.Ltmp3, $4  }
0x72: {  	s21 =	sadd.s32 s30, s13;
	p3 =	seq.s32 s31, s24;
	s24 =	smul.u32 @!p4 $0x3000, s25  }
0x73: {  	(v2sf) =	vpush v2, $0x1;
	v3 =	vmov v2;
	s23 =	sand.u32 @!p4 $0x380, s23;
	v2 =	vld.msk [tilespmem:s21+$0x0 ss:$0x1], vm0;
	vm0 =	vgt.s32 @!p3 v1, $0x0;
	s25 =	smul.u32 @!p3 $0x1800, s26;
	s21 =	sadd.s32 @!p3 $0x1, s26  }
0x74: {  	s28 =	simm.s32 @!p6 $0x2;
	v4 =	vnsel @!p3 vm0, $0x0, v1;
	s21 =	smov.u32 @p3 s26;
	s26 =	sor.u32 @!p4 s23, s24  }
0x75: {  	(v2sf) =	vpush v3, $0x0;
	v1 =	vmovc v3;
	v3 =	vmov s28;
	s23 =	simm.s32 @!p3 $0x80;
	v4 =	vmin.u32 @!p3 v4, $0x270F;
	s24 =	sshra.s32 @!p3 s25, $0x2;
	s25 =	sshrl.u32 @!p4 s26, $0x3  }
0x76: {  	_ =	sdelay $0x4  }
0x77: {  	vm0 =	vgt.u32 v3, v0;
	_ =	sdelay $0x1  }
0x78: {  	(v2sf) =	vpush @!p3 v4, $0x0  }
0x79: {  	(v2sf) =	vpush v2, $0x1  }
0x7a: {  	s20 =	sshra.s32 s20, $0x2;
	s22 =	spop @!p0 (v2sf);
	(v2sf) =	vpush v2, $0x0  }
0x7b: {  	s20 =	sadd.s32 s20, s13  }
0x7c: {  	s17 =	sadd.s32 @!p4 s17, s14;
	v3 =	vld.msk [tilespmem:s20+$0x0 ss:$0x1], vm0;
	s20 =	sadd.s32 @!p4 s2, s25  }
0x7d: {  	[tilespmem:s17], [sflag:$0x1] =	stream.strided.gather @!p4 [hbm:s20], $0x600, s19, s19, $0x38;
	[tilespmem:$0x1E0A0] =	vst v63  }
0x7e: {  	p0 =	por p5, p5;
	s26 =	spop (v2sf)  }
0x7f: {  	s26 =	simm.s32 @p0 $0xFFFFFFFF;
	s28 =	spop (v2sf)  }
0x80: {  	s17 =	sld [smem:$0x7FD];
	p0 =	seq.s32 s28, s26  }
0x81: {  	vm0 =	vgt.s32 @!p0 v1, $0x0  }
0x82: {  	s30 =	sld [smem:$0x7FC];
	v1 =	vnsel @!p0 vm0, $0x0, v1  }
0x83: {  	p1 =	seq.s32 s17, $0x1;
	v1 =	vmin.u32 @!p0 v1, $0x270F  }
0x84: {  	p2 =	por p1, p1;
	(v2sf) =	vpush @!p0 v1, $0x0  }
0x85: {  	p4 =	por p3, p3;
	p5 =	seq.s32 s30, $0x1;
	s17 =	sshrl.u32 @!p2 s22, $0x3;
	(v2sf) =	vpush v3, $0x1  }
0x86: {  	p1 =	por p5, p5;
	s19 =	sshll.u32 @!p2 s22, $0x7;
	s17 =	smul.u32 @!p2 $0x3000, s17;
	(v2sf) =	vpush v3, $0x0  }
0x87: {  	p1 =	por p1, p1;
	s19 =	sand.u32 @!p2 $0x380, s19;
	s20 =	spop @!p3 (v2sf)  }
0x88: {  	s18 =	sadd.s32 @!p2 s18, s14;
	s17 =	sor.u32 @!p2 s19, s17;
	s22 =	spop (v2sf)  }
0x89: {  	s17 =	sshrl.u32 @!p2 s17, $0x3;
	s22 =	simm.s32 @p1 $0xFFFFFFFF;
	s31 =	spop (v2sf)  }
0x8a: {  	p3 =	por p4, p4;
	s17 =	sadd.s32 @!p2 s2, s17;
	p1 =	seq.s32 s31, s22  }
0x8b: {  	[tilespmem:s18], [sflag:$0x1] =	stream.strided.gather @!p2 [hbm:s17], $0x600, s16, s16, $0x38;
	[tilespmem:$0x1E0A0] =	vst v63  }
0x8c: {  	s16 =	sshrl.u32 @!p3 s20, $0x3;
	vm0 =	vgt.s32 @!p1 v2, $0x0  }
0x8d: {  	s17 =	sshll.u32 @!p3 s20, $0x7;
	s16 =	smul.u32 @!p3 $0x3000, s16;
	v1 =	vnsel @!p1 vm0, $0x0, v2  }
0x8e: {  	s17 =	sand.u32 @!p3 $0x380, s17;
	v1 =	vmin.u32 @!p1 v1, $0x270F  }
0x8f: {  	s16 =	sor.u32 @!p3 s17, s16;
	(v2sf) =	vpush @!p1 v1, $0x0  }
0x90: {  	s16 =	sshrl.u32 @!p3 s16, $0x3  }
0x91: {  	p5 =	por p6, p6;
	s17 =	sadd.s32 @!p3 s24, s14;
	s16 =	sadd.s32 @!p3 s2, s16  }
0x92: {  	[tilespmem:s17], [sflag:$0x1] =	stream.strided.gather @!p3 [hbm:s16], $0x600, s23, s23, $0x38;
	[tilespmem:$0x1E0A0] =	vst v63  }
0x93: {  	p2 =	por p5, p5;
	s18 =	spop @!p0 (v2sf)  }
0x94: {  	p2 =	por p2, p2;
	s19 =	spop (v2sf)  }
0x95: {  	p6 =	por p0, p0;
	s19 =	simm.s32 @p2 $0xFFFFFFFF;
	s20 =	spop (v2sf)  }
0x96: {  	p3 =	por p6, p6;
	p2 =	seq.s32 s20, s19  }
0x97: {  	s16 =	sshrl.u32 @!p3 s18, $0x3;
	vm0 =	vgt.s32 @!p2 v3, $0x0  }
0x98: {  	s17 =	sshll.u32 @!p3 s18, $0x7;
	s16 =	smul.u32 @!p3 $0x3000, s16;
	v1 =	vnsel @!p2 vm0, $0x0, v3  }
0x99: {  	s18 =	smul.u32 @!p0 $0x1800, s21;
	s17 =	sand.u32 @!p3 $0x380, s17;
	v1 =	vmin.u32 @!p2 v1, $0x270F  }
0x9a: {  	s16 =	sor.u32 @!p3 s17, s16;
	(v2sf) =	vpush @!p2 v1, $0x0  }
0x9b: {  	p5 =	por p1, p1;
	s17 =	sshra.s32 @!p0 s18, $0x2;
	s16 =	sshrl.u32 @!p3 s16, $0x3  }
0x9c: {  	s18 =	simm.s32 @!p0 $0x80;
	s17 =	sadd.s32 @!p3 s17, s14;
	s16 =	sadd.s32 @!p3 s2, s16  }
0x9d: {  	[tilespmem:s17], [sflag:$0x1] =	stream.strided.gather @!p3 [hbm:s16], $0x600, s18, s18, $0x38;
	[tilespmem:$0x1E0A0] =	vst v63  }
0x9e: {  	p3 =	por p5, p5;
	s16 =	spop @!p1 (v2sf)  }
0x9f: {  	s17 =	sadd.s32 @!p0 $0x1, s21;
	s18 =	sshrl.u32 @!p3 s16, $0x3  }
0xa0: {  	s17 =	smov.u32 @p0 s21;
	s16 =	sshll.u32 @!p3 s16, $0x7;
	s18 =	smul.u32 @!p3 $0x3000, s18  }
0xa1: {  	s19 =	smul.u32 @!p1 $0x1800, s17;
	s16 =	sand.u32 @!p3 $0x380, s16  }
0xa2: {  	s16 =	sor.u32 @!p3 s16, s18  }
0xa3: {  	s18 =	sshra.s32 @!p1 s19, $0x2;
	s16 =	sshrl.u32 @!p3 s16, $0x3  }
0xa4: {  	s19 =	simm.s32 @!p1 $0x80;
	s18 =	sadd.s32 @!p3 s18, s14;
	s16 =	sadd.s32 @!p3 s2, s16  }
0xa5: {  	[tilespmem:s18], [sflag:$0x1] =	stream.strided.gather @!p3 [hbm:s16], $0x600, s19, s19, $0x38;
	[tilespmem:$0x1E0A0] =	vst v63  }
0xa6: {  	s18 =	sadd.s32 @!p1 $0x1, s17  }
0xa7: {  	s18 =	smov.u32 @p1 s17  }
0xa8: {  	p6 =	por p2, p2;
	s20 =	sadd.s32 @!p2 $0x1, s18  }
0xa9: {  	p0 =	por p6, p6;
	s20 =	smov.u32 @p2 s18;
	s16 =	spop @!p2 (v2sf)  }
0xaa: {  	s22 =	smul.u32 $0x1800, s20;
	s19 =	sshrl.u32 @!p0 s16, $0x3  }
0xab: {  	s16 =	sshll.u32 @!p0 s16, $0x7;
	s17 =	smul.u32 @!p0 $0x3000, s19  }
0xac: {  	s19 =	smul.u32 @!p2 $0x1800, s18;
	s16 =	sand.u32 @!p0 $0x380, s16  }
0xad: {  	s16 =	sor.u32 @!p0 s16, s17  }
0xae: {  	s23 =	sshrl.u32 s22, $0x2;
	s17 =	sshra.s32 @!p2 s19, $0x2;
	s16 =	sshrl.u32 @!p0 s16, $0x3  }
0xaf: {  	s18 =	simm.s32 @!p2 $0x80;
	s17 =	sadd.s32 @!p0 s17, s14;
	s16 =	sadd.s32 @!p0 s2, s16  }
0xb0: {  	[tilespmem:s17], [sflag:$0x1] =	stream.strided.gather @!p0 [hbm:s16], $0x600, s18, s18, $0x38;
	[tilespmem:$0x1E0A0] =	vst v63  }
0xb1: {  	_ =	swait.ge [sflag:s4], s23  }
0xb2: {  	s16 =	ssub.s32 $0x0, s23;
	[sflag:s4] =	ssyncset.done $0x0  }
0xb3: {  	s24 =	sadd.s32 $0x0, s15;
	[sflag:s4] =	ssyncadd.s32 s16  }
0xb4: {  	v1 =	vld.msk [tilespmem:s24+$0x0 ss:$0x1], $0x1;
	_ =	sdelay $0x4  }
0xb5: {  	(v2sf) =	vpush v1, $0x0;
	_ =	sdelay $0xd  }
0xb6: {  	p1 =	por $0x0, $0x0;
	s17 =	simm.s32 $0x1  }
0xb7: {  	s17 =	simm.s32 @!p1 $0x2;
	s25 =	spop (v2sf)  }
0xb8: {  	v1 =	vmov s17;
	s26 =	sshrl.u32 s25, $0x3  }
0xb9: {  	s16 =	simm.s32 $0x0;
	vm15 =	vgt.u32 v1, v0;
	s18 =	sshll.u32 s25, $0x7;
	s28 =	smul.u32 $0x3000, s26  }
0xba: {  	s29 =	smul.u32 $0x1800, s16;
	s18 =	sand.u32 $0x380, s18  }
0xbb: {  	s17 =	sor.u32 s18, s28  }
0xbc: {  	s30 =	sshra.s32 s29, $0x2;
	s17 =	sshrl.u32 s17, $0x3  }
0xbd: {  	s31 =	sadd.s32 $0x0, s13;
	s18 =	sadd.s32 s30, s14;
	s17 =	sadd.s32 s7, s17  }
0xbe: {  	[hbm:s17] =	stream.strided.scatter [tilespmem:s18], [sflag:$0x3], $0x600, s11, s11, $0x38;
	[tilespmem:$0x1E0A0] =	vst v63  }
0xbf: {  	s19 =	simm.s32 $0x4;
	s17 =	simm.s32 $0x1;
	s18 =	simm.s32 $0x8;
	v1 =	vld.msk [tilespmem:s31+$0x0 ss:$0x1], vm15  }
.LBB2_5:
0xc0: {  	p0 =	sne.s32 s18, $0x9C;
	s20 =	sadd.s32 s17, s15  }
0xc1: {  	v2 =	vld.msk [tilespmem:s20+$0x0 ss:$0x1], $0x1;
	_ =	sdelay $0x3  }
0xc2: {  	(v2sf) =	vpush v1, $0x1  }
0xc3: {  	(v2sf) =	vpush v1, $0x0  }
0xc4: {  	(v2sf) =	vpush v2, $0x0;
	_ =	sdelay $0xc  }
0xc5: {  	s20 =	spop (v2sf)  }
0xc6: {  	s21 =	simm.s32 $0x1;
	s20 =	simm.s32 @p1 $0xFFFFFFFF;
	p1 =	seq.s32 s19, $0x9C  }
0xc7: {  	s19 =	spop (v2sf);
	s21 =	simm.s32 @!p1 $0x2  }
0xc8: {  	s22 =	spop (v2sf);
	p2 =	sne.s32 s19, s20;
	v1 =	vmov s21;
	s21 =	simm.s32 $0x1  }
0xc9: {  	s19 =	smov.u32 s18;
	s20 =	sshrl.u32 s22, $0x3;
	s21 =	simm.s32 @!p2 $0x0  }
0xca: {  	s22 =	sshll.u32 s22, $0x7;
	s20 =	smul.u32 $0x3000, s20;
	vm0 =	vgt.u32 v1, v0;
	s16 =	sadd.s32 s21, s16  }
0xcb: {  	s21 =	sand.u32 $0x380, s22;
	s22 =	smul.u32 $0x1800, s16  }
.Ltmp4:
0xcc: {  	s20 =	sor.u32 s21, s20;
	(pc) =	sbr.rel @p0 .LBB2_5-.Ltmp4, $4  }
0xcd: {  	s20 =	sshrl.u32 s20, $0x3;
	s21 =	sshra.s32 s22, $0x2  }
0xce: {  	s20 =	sadd.s32 s7, s20;
	s22 =	sadd.s32 s17, s13;
	s21 =	sadd.s32 s21, s14  }
0xcf: {  	[hbm:s20] =	stream.strided.scatter [tilespmem:s21], [sflag:$0x3], $0x600, s11, s11, $0x38;
	[tilespmem:$0x1E0A0] =	vst v63  }
0xd0: {  	s18 =	sadd.s32 $0x4, s18;
	s17 =	sshra.s32 s19, $0x2;
	v1 =	vld.msk [tilespmem:s22+$0x0 ss:$0x1], vm0  }
.Ltmp5:
0xd1: {  	_ = 	snop;
	(pc) =	sbr.rel .LBB2_6-.Ltmp5, $1  }
0xd2: {  	_ =	sdelay $0x3  }
.LBB2_8:
0xd3: {  	_ =	sfence.sel $0x180000  }
0xd4: {  	s2 =	simm.s32 $0x2;
	[bflag:$0x0] =	sbarrier.arrive $0xFFFF  }
0xd5: {  	s30 =	simm.s32 $0x3;
	[sflag:s2] =	ssyncpa.u1 $0x1  }
0xd6: {  	s31 =	simm.s32 $0x1;
	[sflag:s30] =	ssyncpa.u1 $0x1  }
0xd7: {  	[sflag:s31] =	ssyncpa.u1 $0x1  }
0xd8: {  	p0 =	sne.s32 s1, $0x0;
	_ =	strace $0x9000004A  }
0xd9: {  	s0 =	sadd.s32 @!p0 $0x100000, s0;
	[bflag:$0x2] =	sbarrier.arrive $0xFFFF  }
0xda: {  	[sflag:s0] =	ssyncadd.tile.s32 @!p0 $0x1;
	_ =	shalt  }
.Lfunc_end2:
_tile_overlayer_lowered:
.L_overlay_start_2:
0xdb: {  	(tag) =	ssettag $0x2  }
0xdc: {  	s0 =	rddreg [dreg:$0x0];
	s2 =	stileid.u32  }
0xdd: {  	s1 =	rddreg [dreg:$0x1];
	p0 =	sne.s32 s2, $0x0  }
0xde: {  	s3 =	rddreg [dreg:$0x2];
	[bflag:$0x3] =	sbarrier.arrive $0xFFFF;
	s2 =	simm.s32 @!p0 $0x1C01  }
0xdf: {  	[timem:s3], [sflag:s2] =	dma.local @!p0 [hbm:s0], s1  }
0xe0: {  	s0 =	simm.s32 @!p0 $0x1  }
0xe1: {  	_ =	swait.ge @!p0 [sflag:s0], s1  }
0xe2: {  	s1 =	ssub.s32 @!p0 $0x0, s1;
	[sflag:s0] =	ssyncset.done @!p0 $0x0  }
0xe3: {  	[sflag:s0] =	ssyncadd.s32 @!p0 s1  }
0xe4: {  	[bflag:$0x3] =	sbarrier.arrive $0xFFFF  }
0xe5: {  	_ =	shalt  }

// kernel: scatter_offload_async_start
scs
__scs_entry_jumppad:
0x0: {  	(pc) =	sbr.rel $0x88, $3  }
0x1: {  	(tag) =	ssettag $0x0;
	lr =	simm.s32 $0x1  }
0x2: {  	[smem:$0x3F55] =	sst lr;
	_ =	strace $0xD0000000  }
0x3: {  	_ = 	snop  }
0x4: {  	_ = 	snop  }
0x5: {  	_ = 	snop  }
0x6: {  	_ = 	snop  }
0x7: {  	_ = 	snop  }
__scs_overlays_trampoline_lowered:
0x8: {  	[smem:$0x3F64] =	sst s0  }
0x9: {  	[smem:$0x3F65] =	sst s1  }
0xa: {  	[smem:$0x3F66] =	sst s2  }
0xb: {  	[smem:$0x3F67] =	sst s3  }
0xc: {  	[smem:$0x3F68] =	sst s4  }
0xd: {  	[smem:$0x3F69] =	sst s5  }
0xe: {  	[smem:$0x3F6A] =	sst s6  }
0xf: {  	[smem:$0x3F6B] =	sst s7  }
0x10: {  	[smem:$0x3F6C] =	sst s8  }
0x11: {  	[smem:$0x3F6D] =	sst s9;
	s0 =	simm.s32 @!p0 $0x0  }
0x12: {  	s1 =	sld [smem:$0x3F53];
	s0 =	simm.s32 @p0 $0x1  }
0x13: {  	[smem:$0x3F6E] =	sst s0;
	s0 =	simm.s32 @!p1 $0x0  }
0x14: {  	s2 =	sld [smem:$0x3F52];
	s0 =	simm.s32 @p1 $0x1  }
0x15: {  	[smem:$0x3F6F] =	sst s0;
	s0 =	simm.s32 @!p2 $0x0  }
0x16: {  	s3 =	sld [smem:$0x3FDB];
	s0 =	simm.s32 @p2 $0x1  }
0x17: {  	s4 =	simm.s32 $0x1BF5;
	[smem:$0x3F71] =	sst s0  }
0x18: {  	s0 =	sld [smem:$0x3F54];
	_ =	swait.ge [sflag:s4], $0x0  }
0x19: {  	s7 =	sld [smem:$0x3F55]  }
0x1a: {  	s8 =	sadd.s32 $0xFFFFE003, lr  }
0x1b: {  	s9 =	sadd.s32 $0xFFFFFEF7, lr;
	s5 =	simm.s32 $0xFFFFFFFF;
	p2 =	slt.u32 s8, $0xFFFFF086  }
0x1c: {  	p1 =	slt.u32 s9, $0xF7A;
	s5 =	simm.s32 @!p2 $0x0  }
0x1d: {  	s5 =	simm.s32 @p1 $0x1;
	p0 =	seq.s32 s7, s2  }
0x1e: {  	s7 =	smul.u32 @!p0 $0xF7A, s2;
	p2 =	seq.s32 @!p0 s5, $0x0  }
0x1f: {  	s9 =	smul.u32 $0xF7A, s1;
	s8 =	simm.s32 @!p0 $0x1BF5;
	p2 =	por !p2, p0  }
0x20: {  	[sflag:s8] =	ssyncset.s32 @!p0 $0xFFFFF086;
	s6 =	sadd.s32 @!p0 s3, s7;
	s7 =	simm.s32 @!p0 $0x108  }
0x21: {  	s3 =	sadd.s32 s3, s9;
	s6 =	sadd.s32 @!p0 $0x88, s6;
	s7 =	simm.s32 @p2 $0x1082  }
0x22: {  	[simem:s7], [sflag:s8] =	dma.local @!p0 [hbm:s6], $0xF7A  }
0x23: {  	s9 =	sor.u32 $0xD0000000, s2;
	s6 =	simm.s32 $0x108;
	_ =	swait.ge @!p0 [sflag:s8], $0x0  }
0x24: {  	s3 =	sadd.s32 $0x88, s3;
	s6 =	simm.s32 @!p1 $0x1082;
	[sflag:s4] =	ssyncset.s32 $0xFFFFF086  }
0x25: {  	[simem:s6], [sflag:s4] =	dma.local [hbm:s3], $0xF7A  }
0x26: {  	[smem:$0x3F55] =	sst s1;
	(tag) =	ssettag s2;
	_ =	strace s9  }
0x27: {  	s1 =	sld [smem:$0x3F65]  }
0x28: {  	s2 =	sld [smem:$0x3F66]  }
0x29: {  	s4 =	sld [smem:$0x3F68]  }
0x2a: {  	p0 =	seq.s32 s5, $0x0;
	s5 =	sld [smem:$0x3F69]  }
0x2b: {  	s6 =	sld [smem:$0x3F6A]  }
0x2c: {  	s7 =	sld [smem:$0x3F6B]  }
0x2d: {  	s3 =	simm.s32 $0x108;
	s8 =	sld [smem:$0x3F6C]  }
0x2e: {  	s3 =	simm.s32 @!p0 $0x1082;
	s9 =	sld [smem:$0x3F6D]  }
0x2f: {  	lr =	sadd.s32 s0, s3;
	s0 =	sld [smem:$0x3F64]  }
0x30: {  	s3 =	sld [smem:$0x3F67]  }
0x31: {  	[smem:$0x3F70] =	sst s10  }
0x32: {  	s10 =	sld [smem:$0x3F6E];
	_ =	sdelay $0x3  }
0x33: {  	p0 =	seq.s32 s10, $0x1;
	s10 =	sld [smem:$0x3F70];
	_ =	sdelay $0x3  }
0x34: {  	[smem:$0x3F70] =	sst s10  }
0x35: {  	s10 =	sld [smem:$0x3F6F];
	_ =	sdelay $0x3  }
0x36: {  	p1 =	seq.s32 s10, $0x1;
	s10 =	sld [smem:$0x3F70];
	_ =	sdelay $0x3  }
0x37: {  	[smem:$0x3F70] =	sst s10  }
0x38: {  	s10 =	sld [smem:$0x3F71]  }
0x39: {  	_ = 	snop;
	(pc) =	sbr.ind lr, $3  }
0x3a: {  	_ = 	snop  }
0x3b: {  	_ = 	snop  }
0x3c: {  	p2 =	seq.s32 s10, $0x1;
	s10 =	sld [smem:$0x3F70]  }
0x3d: {  	_ =	shalt  }
0x3e: {  	_ =	shalt  }
0x3f: {  	_ =	shalt  }
0x40: {  	_ =	shalt  }
0x41: {  	_ =	shalt  }
0x42: {  	_ =	shalt  }
0x43: {  	_ =	shalt  }
0x44: {  	_ =	shalt  }
0x45: {  	_ =	shalt  }
0x46: {  	_ =	shalt  }
0x47: {  	_ =	shalt  }
0x48: {  	_ =	shalt  }
0x49: {  	_ =	shalt  }
0x4a: {  	_ =	shalt  }
0x4b: {  	_ =	shalt  }
0x4c: {  	_ =	shalt  }
0x4d: {  	_ =	shalt  }
0x4e: {  	_ =	shalt  }
0x4f: {  	_ =	shalt  }
0x50: {  	_ =	shalt  }
0x51: {  	_ =	shalt  }
0x52: {  	_ =	shalt  }
0x53: {  	_ =	shalt  }
0x54: {  	_ =	shalt  }
0x55: {  	_ =	shalt  }
0x56: {  	_ =	shalt  }
0x57: {  	_ =	shalt  }
0x58: {  	_ =	shalt  }
0x59: {  	_ =	shalt  }
0x5a: {  	_ =	shalt  }
0x5b: {  	_ =	shalt  }
0x5c: {  	_ =	shalt  }
0x5d: {  	_ =	shalt  }
0x5e: {  	_ =	shalt  }
0x5f: {  	_ =	shalt  }
0x60: {  	_ =	shalt  }
0x61: {  	_ =	shalt  }
0x62: {  	_ =	shalt  }
0x63: {  	_ =	shalt  }
0x64: {  	_ =	shalt  }
0x65: {  	_ =	shalt  }
0x66: {  	_ =	shalt  }
0x67: {  	_ =	shalt  }
0x68: {  	_ =	shalt  }
0x69: {  	_ =	shalt  }
0x6a: {  	_ =	shalt  }
0x6b: {  	_ =	shalt  }
0x6c: {  	_ =	shalt  }
0x6d: {  	_ =	shalt  }
0x6e: {  	_ =	shalt  }
0x6f: {  	_ =	shalt  }
0x70: {  	_ =	shalt  }
0x71: {  	_ =	shalt  }
0x72: {  	_ =	shalt  }
0x73: {  	_ =	shalt  }
0x74: {  	_ =	shalt  }
0x75: {  	_ =	shalt  }
0x76: {  	_ =	shalt  }
0x77: {  	_ =	shalt  }
0x78: {  	_ =	shalt  }
0x79: {  	_ =	shalt  }
0x7a: {  	_ =	shalt  }
0x7b: {  	_ =	shalt  }
0x7c: {  	_ =	shalt  }
0x7d: {  	_ =	shalt  }
0x7e: {  	_ =	shalt  }
0x7f: {  	_ =	shalt  }
0x80: {  	_ =	shalt  }
0x81: {  	_ =	shalt  }
0x82: {  	_ =	shalt  }
0x83: {  	_ =	shalt  }
0x84: {  	_ =	shalt  }
0x85: {  	_ =	shalt  }
0x86: {  	_ =	shalt  }
0x87: {  	_ =	shalt  }
.Lfunc_end0:
.L_simem_size_0:
called_computation_lowered:
.L_overlay_start_0:
0x88: {  	s2 =	sld [smem:$0x3FD9]  }
0x89: {  	s3 =	sld [smem:$0x3FFE];
	_ =	sdelay $0x1  }
0x8a: {  	s1 =	srdreg.scid  }
0x8b: {  	s0 =	sand.u32 $0x1, s1  }
0x8c: {  	s13 =	sshll.u32 s0, $0xA;
	s2 =	sadd.s32 s3, s2  }
0x8d: {  	s2 =	sadd.s32 s2, s13  }
0x8e: {  	[smem:$0x3F7C] =	sst s2  }
0x8f: {  	_ = 	snop  }
0x90: {  	s2 =	sld [smem:$0x3FD0];
	_ =	sdelay $0x2  }
0x91: {  	s14 =	simm.s32 $0xA;
	s4 =	simm.s32 $0x10  }
0x92: {  	[smem:s4], [sflag:s14] =	dma.local [hbm:s2], $0x1  }
0x93: {  	_ =	swait.eq [sflag:s14], $0x1  }
0x94: {  	[sflag:s14] =	ssyncset.done $0x0  }
0x95: {  	[sflag:s14] =	ssyncadd.s32 $0xFFFFFFFF  }
0x96: {  	s15 =	sld [smem:$0x13];
	(tm) =	ssettm $0x1  }
0x97: {  	s16 =	sld [smem:$0x3FFB];
	_ =	sdelay $0x3  }
0x98: {  	_ =	strace s16  }
0x99: {  	s3 =	sld [smem:$0x3FFC];
	_ =	sdelay $0x3  }
0x9a: {  	_ =	strace s3  }
0x9b: {  	s3 =	sld [smem:$0x3FFD];
	_ =	sdelay $0x3  }
0x9c: {  	_ =	strace s3  }
0x9d: {  	_ =	strace $0x8FFFFFFF  }
0x9e: {  	s17 =	sld [smem:$0x3FDB];
	_ =	sdelay $0x1  }
0x9f: {  	s18 =	simm.s32 $_scs_section_size  }
0xa0: {  	s5 =	simm.s32 $_size__tile_overlayer_lowered;
	s6 =	simm.s32 $_tile_overlayer_lowered  }
0xa1: {  	s21 =	simm.s32 $0x1BFF;
	s20 =	sshll.u32 s6, $0x1;
	s3 =	sadd.s32 s18, s17  }
0xa2: {  	s7 =	simm.s32 $0x0;
	s19 =	sshll.u32 s5, $0x1;
	s5 =	sadd.s32 s20, s3  }
0xa3: {  	[timem:s7], [sflag:s21] =	dma.local [hbm:s5], s19  }
0xa4: {  	_ =	swait.ge [sflag:s21], s19  }
0xa5: {  	s4 =	ssub.s32 $0x0, s19;
	[sflag:s21] =	ssyncset.done $0x0  }
0xa6: {  	[sflag:s21] =	ssyncadd.s32 s4;
	_ =	sdelay $0x1  }
0xa7: {  	s22 =	simm.s32 $0x1B8B  }
0xa8: {  	_ =	swait.ge [sflag:s22], $0x1  }
0xa9: {  	[sflag:s22] =	ssyncset.done $0x0  }
0xaa: {  	s23 =	sld [smem:$0x3FFE];
	[sflag:s22] =	ssyncadd.s32 $0xFFFFFFFF  }
0xab: {  	s25 =	simm.s32 $0x1B8E;
	s24 =	sld [smem:$0x0]  }
0xac: {  	s26 =	simm.s32 $execute0_lowered;
	[smem:$0x3FD2] =	sst s25  }
0xad: {  	s6 =	sshll.u32 s26, $0x1;
	_ =	strace $0x80000046;
	[dreg:$0x1] =	wrdreg $0xFFFFFFFF  }
0xae: {  	s28 =	simm.s32 $_size_execute0_lowered;
	s3 =	sadd.s32 s3, s6;
	[dreg:$0x0] =	wrdreg $0x0  }
0xaf: {  	s6 =	sshll.u32 s28, $0x1;
	[dreg:$0x2] =	wrdreg s3  }
0xb0: {  	[dreg:$0x3] =	wrdreg s6  }
0xb1: {  	[dreg:$0x4] =	wrdreg $0xC0  }
0xb2: {  	_ =	task [dreg:s7], $0x5FFFF  }
0xb3: {  	[dreg:$0x1] =	wrdreg $0xFFFFFFFF  }
0xb4: {  	[dreg:$0x0] =	wrdreg $0x60  }
0xb5: {  	[dreg:$0x2] =	wrdreg s15  }
0xb6: {  	[dreg:$0x3] =	wrdreg s23  }
0xb7: {  	[dreg:$0x4] =	wrdreg s1  }
0xb8: {  	[dreg:$0x5] =	wrdreg s24  }
0xb9: {  	[dreg:$0x6] =	wrdreg $0x9  }
0xba: {  	_ =	task.clear_ibuf [dreg:s7], $0x7FFFF;
	_ =	strace $0x90000046  }
0xbb: {  	s29 =	simm.s32 $0x9;
	_ =	strace $0x80000048  }
0xbc: {  	_ =	swait.ge [sflag:s29], $0x1  }
0xbd: {  	[sflag:s29] =	ssyncadd.s32 $0xFFFFFFFF  }
0xbe: {  	_ =	strace $0x90000048  }
0xbf: {  	_ =	sfence  }
0xc0: {  	s30 =	sld [smem:$0x0];
	_ =	sdelay $0x2  }
0xc1: {  	s31 =	sshll.u32 s1, $0xD;
	s1 =	sshrl.u32 s1, $0x2  }
0xc2: {  	s3 =	sand.u32 $0x4000, s31;
	s1 =	sadd.s32 s1, s30  }
0xc3: {  	s0 =	sor.u32 s3, s0;
	s1 =	sshll.u32 s1, $0x11  }
0xc4: {  	s0 =	sor.u32 s1, s0  }
0xc5: {  	s0 =	sadd.s32 $0x8F2B, s0  }
0xc6: {  	[sflag:s0] =	ssyncadd.remote.s32 $0x1  }
0xc7: {  	_ =	sfence.sel $0xFFFF  }
0xc8: {  	[dreg:$0x0] =	wrdreg $0xFFFFFFFF;
	(pc) =	sbr.abs _section_cstart, $3  }
0xc9: {  	[dreg:$0x1] =	wrdreg $0xFFFFFFFF  }
0xca: {  	_ =	task.clear_ibuf [dreg:s7], $0x2FFFF;
	_ =	strace $0x9FFFFFFF  }
0xcb: {  	(tm) =	ssettm $0x7FFFFFFF  }
tec
execute0_lowered:
.L_overlay_start_1:
0x0: {  	(tag) =	ssettag $0x1  }
0x1: {  	s1 =	rddreg [dreg:$0x0]  }
0x2: {  	s2 =	rddreg [dreg:$0x1]  }
0x3: {  	s3 =	rddreg [dreg:$0x2];
	_ =	strace $0x80000047;
	s0 =	simm.s32 $0x1  }
0x4: {  	s5 =	simm.s32 $0x208;
	v0 =	vimm.s32 $0x0;
	[sflag:s0] =	ssyncpa.u1 $0x0  }
0x5: {  	[tilespmem:s5+$0x70] =	vst v0  }
0x6: {  	[tilespmem:s5+$0x60] =	vst v0  }
0x7: {  	[tilespmem:s5+$0x50] =	vst v0  }
0x8: {  	[tilespmem:s5+$0x40] =	vst v0  }
0x9: {  	[tilespmem:s5+$0x30] =	vst v0  }
0xa: {  	s0 =	sadd.s32 $0x10200, s2;
	s6 =	sadd.s32 $0x15200, s2;
	[tilespmem:s5+$0x20] =	vst v0  }
0xb: {  	s4 =	sadd.s32 $0xB200, s2;
	s10 =	sand.u32 $0x1, s3;
	s2 =	simm.s32 $0x40;
	[tilespmem:s5+$0x10] =	vst v0  }
.LBB2_1:
0xc: {  	s2 =	sadd.s32 $0x40, s2;
	[tilespmem:s5+$0x0] =	vst v0;
	s5 =	sadd.s32 $0x80, s5  }
0xd: {  	p0 =	slt.u32 s2, $0x3880;
	[tilespmem:s5+$0x70] =	vst v0  }
0xe: {  	[tilespmem:s5+$0x60] =	vst v0  }
.Ltmp0:
0xf: {  	[tilespmem:s5+$0x50] =	vst v0;
	(pc) =	sbr.rel @p0 .LBB2_1-.Ltmp0, $4  }
0x10: {  	[tilespmem:s5+$0x40] =	vst v0  }
0x11: {  	[tilespmem:s5+$0x30] =	vst v0  }
0x12: {  	[tilespmem:s5+$0x20] =	vst v0  }
0x13: {  	[tilespmem:s5+$0x10] =	vst v0  }
0x14: {  	s11 =	stileid.u32  }
0x15: {  	s2 =	smul.u32 $0x2C, s11  }
0x16: {  	s3 =	smin.u32 s11, $0xB  }
0x17: {  	s2 =	sadd.s32 s3, s2  }
0x18: {  	p0 =	slt.u32 s11, $0xB;
	s20 =	smul.u32 $0x70, s2;
	s2 =	simm.s32 $0x13B0  }
0x19: {  	s2 =	simm.s32 @!p0 $0x1340  }
0x1a: {  	s2 =	sadd.s32 s2, s20  }
0x1b: {  	s8 =	smin.u32 s2, $0x13880  }
0x1c: {  	s26 =	simm.s32 $0x2;
	s2 =	ssub.s32 s8, s20  }
0x1d: {  	s9 =	simm.s32 $0x9;
	s29 =	simm.s32 $0xA;
	p0 =	sgt.s32 s2, $0x0  }
0x1e: {  	s30 =	simm.s32 $0xB;
	s31 =	smul.u32 $0x2710, s10;
	s2 =	simm.s32 @!p0 $0x0  }
0x1f: {  	[dreg:$0x5] =	wrdreg s10;
	s12 =	simm.s32 $0x1;
	s25 =	smulhi.u32 $0x92492493, s2  }
0x20: {  	s24 =	simm.s32 $0x0;
	p1 =	por $0x0, $0x0;
	s18 =	simm.s32 $0x80  }
0x21: {  	s19 =	simm.s32 $0x400;
	s17 =	simm.s32 $0xC;
	s3 =	sshrl.u32 s25, $0x6  }
0x22: {  	s21 =	simm.s32 $0x0;
	s23 =	simm.s32 $0x0;
	s28 =	smul.u32 $0x70, s3  }
.Ltmp1:
0x23: {  	[tilespmem:s5+$0x0] =	vst v0;
	v0 =	vimm.s32 $0xFFFFFFFF;
	[sflag:s26] =	ssyncpa.u1 $0x0;
	s16 =	sshll.u32 s11, $0x9;
	(pc) =	sbr.rel .LBB2_3-.Ltmp1, $4  }
0x24: {  	[tilespmem:$0xE408] =	vst v0;
	[sflag:s9] =	ssyncpa.u1 $0x0;
	p0 =	sne.s32 s2, s28;
	s2 =	simm.s32 $0x1  }
0x25: {  	s14 =	sadd.s32 s31, s4;
	[sflag:s29] =	ssyncpa.u1 $0x0;
	s2 =	simm.s32 @!p0 $0x0  }
0x26: {  	s15 =	sadd.s32 s31, s0;
	[sflag:s30] =	ssyncpa.u1 $0x0;
	s13 =	sadd.s32 s2, s3  }
0x27: {  	v0 =	vlaneseq.u32;
	s22 =	smov.u32 s20;
	p0 =	por $0x1, $0x1;
	s11 =	sadd.s32 $0x1, s13  }
.LBB2_24:
0x28: {  	s2 =	sshrl.u32 s4, $0x2  }
.LBB2_26:
0x29: {  	_ =	swait.ge [sflag:s17], s2  }
0x2a: {  	s31 =	ssub.s32 $0x0, s2;
	v1 =	vmov s26;
	vm0 =	veq.s32 v0, $0x0;
	[sflag:s17] =	ssyncset.done $0x0  }
0x2b: {  	vm15 =	veq.s32 v0, $0x2;
	v1 =	vsel vm0, s0, v1;
	[sflag:s17] =	ssyncadd.s32 s31  }
0x2c: {  	v1 =	vsel vm15, s24, v1;
	[sflag:s17] =	ssyncpa.u1 $0x1  }
0x2d: {  	[tilespmem:$0xE408] =	vst v1  }
.LBB2_27:
0x2e: {  	s0 =	sadd.s32 $0x70, s22  }
0x2f: {  	s2 =	smov.u32 s20;
	p2 =	slt.s32 s0, s8  }
0x30: {  	s2 =	smov.u32 @p2 s0;
	p2 =	sne.s32 s23, s11  }
.Ltmp2:
0x31: {  	_ = 	snop;
	(pc) =	sbr.rel @!p2 .LBB2_28-.Ltmp2, $4  }
0x32: {  	_ = 	snop  }
0x33: {  	s24 =	smov.u32 s21  }
0x34: {  	s31 =	sadd.s32 $0x1, s23;
	s21 =	smov.u32 s22;
	p0 =	por !p0, !p0  }
0x35: {  	p1 =	por !p1, !p1;
	s23 =	smov.u32 s31;
	s22 =	smov.u32 s2  }
.LBB2_3:
0x36: {  	p2 =	sge.u32 s23, s13  }
0x37: {  	s0 =	smulhi.u32 @!p2 $0xAAAAAAAB, s23  }
0x38: {  	s2 =	smov.u32 s22;
	p3 =	sgt.s32 @!p2 s22, $0x13810  }
0x39: {  	s3 =	sshra.s32 @!p2 s22, $0x1F;
	p3 =	por !p3, p2;
	s0 =	sshrl.u32 @!p2 s0, $0x1  }
0x3a: {  	s3 =	sand.u32 @!p2 s3, s22;
	s2 =	simm.s32 @p3 $0x13810;
	s0 =	smul.u32 @!p2 $0x3, s0  }
0x3b: {  	s2 =	ssub.s32 @!p2 s2, s3  }
0x3c: {  	s2 =	sadd.s32 @!p2 $0xFFFEC7F0, s2;
	s0 =	ssub.s32 @!p2 s23, s0  }
0x3d: {  	s3 =	sshll.u32 @!p2 s2, $0x2;
	p3 =	sgt.s32 @!p2 s2, $0x6F;
	s0 =	smul.u32 @!p2 $0x1C0, s0  }
0x3e: {  	s4 =	sand.u32 @!p2 $0x7, s22;
	s2 =	ssub.s32 @!p2 $0x1C0, s3;
	p3 =	por !p3, p2  }
0x3f: {  	s3 =	sshrl.u32 @!p2 s22, $0x3;
	s2 =	sshrl.u32 @!p2 s2, $0x2;
	s0 =	sshrl.u32 @!p2 s0, $0x2  }
0x40: {  	s3 =	sadd.s32 @!p2 s3, s14;
	s2 =	simm.s32 @!p3 $0x0;
	s0 =	sadd.s32 @!p2 $0x10448, s0  }
0x41: {  	[tilespmem:s0], [sflag:$0xA] =	stream.linear.gather @!p2 [hbm4b:s3+s4], s2, $0x38;
	[tilespmem:$0x1E678] =	vst v63  }
0x42: {  	s2 =	sadd.s32 $0xFFFFFFFF, s23  }
0x43: {  	p2 =	sge.u32 s2, s13  }
0x44: {  	p3 =	sgt.s32 @!p2 s21, $0x13810  }
0x45: {  	s0 =	smov.u32 s21;
	s3 =	sshra.s32 @!p2 s21, $0x1F;
	p3 =	por !p3, p2  }
0x46: {  	s3 =	sand.u32 @!p2 s3, s21;
	s0 =	simm.s32 @p3 $0x13810  }
0x47: {  	s0 =	ssub.s32 @!p2 s0, s3  }
0x48: {  	s0 =	sadd.s32 @!p2 $0xFFFEC7F0, s0  }
0x49: {  	s3 =	sshll.u32 @!p2 s0, $0x2  }
0x4a: {  	p3 =	sgt.s32 @!p2 s0, $0x6F;
	s0 =	ssub.s32 @!p2 $0x1C0, s3  }
0x4b: {  	p3 =	por !p3, p2;
	s0 =	sshrl.u32 @!p2 s0, $0x2  }
0x4c: {  	s4 =	simm.s32 @!p2 $0xA;
	s3 =	sand.u32 @!p2 $0x1, s2;
	s0 =	simm.s32 @!p3 $0x0  }
0x4d: {  	s3 =	smul.u32 @!p2 $0x1C0, s3;
	_ =	swait.ge @!p2 [sflag:s4], s0  }
0x4e: {  	s5 =	ssub.s32 @!p2 $0x0, s0;
	[sflag:s4] =	ssyncset.done @!p2 $0x0  }
0x4f: {  	s3 =	sshrl.u32 @!p2 s3, $0x2;
	[sflag:s4] =	ssyncadd.s32 @!p2 s5;
	s4 =	sshrl.u32 @!p2 s21, $0x3  }
0x50: {  	s3 =	sadd.s32 @!p2 $0x10598, s3;
	s5 =	sand.u32 @!p2 $0x7, s21;
	s4 =	sadd.s32 @!p2 s4, s15  }
0x51: {  	[tilespmem:s3], [sflag:$0xB] =	stream.linear.gather @!p2 [hbm4b:s4+s5], s0, $0x38;
	[tilespmem:$0x1E678] =	vst v63  }
0x52: {  	s0 =	ssub.s32 @!p2 $0x13880, s21  }
0x53: {  	p3 =	slt.s32 @!p2 s0, $0x1  }
0x54: {  	p3 =	por p2, p3  }
.Ltmp3:
0x55: {  	_ = 	snop;
	(pc) =	sbr.rel @p3 .LBB2_9-.Ltmp3, $1  }
0x56: {  	_ =	sdelay $0x3  }
0x57: {  	s3 =	smulhi.u32 $0xAAAAAAAB, s2;
	_ =	sdelay $0x1  }
0x58: {  	s3 =	sshrl.u32 s3, $0x1  }
0x59: {  	s3 =	smul.u32 $0x3, s3;
	_ =	sdelay $0x1  }
0x5a: {  	s30 =	ssub.s32 s2, s3  }
0x5b: {  	s4 =	simm.s32 $0x1;
	s2 =	smul.u32 $0x1C0, s30  }
.Ltmp4:
0x5c: {  	s4 =	simm.s32 @!p0 $0x0;
	(pc) =	sbr.rel .LBB2_6-.Ltmp4, $4  }
0x5d: {  	s31 =	smul.u32 $0x1C000, s4  }
0x5e: {  	p3 =	slt.s32 @!p2 s0, $0x70;
	s2 =	sshrl.u32 s2, $0x2  }
0x5f: {  	p2 =	por !p3, p2;
	s3 =	sshrl.u32 s31, $0x2;
	s5 =	sadd.s32 $0x10448, s2  }
0x60: {  	s0 =	simm.s32 @p2 $0x70;
	s4 =	sor.u32 $0x10678, s3;
	s2 =	simm.s32 $0x0;
	v1 =	vmov s5  }
.LBB2_5:
0x61: {  	p2 =	sge.s32 s2, s0  }
.Ltmp5:
0x62: {  	_ = 	snop;
	(pc) =	sbr.rel @p2 .LBB2_9-.Ltmp5, $2  }
0x63: {  	_ =	sdelay $0x2  }
0x64: {  	s4 =	sadd.s32 $0x1000, s4  }
.LBB2_6:
0x65: {  	p2 =	sle.s32 s0, s2  }
.Ltmp6:
0x66: {  	_ = 	snop;
	(pc) =	sbr.rel @p2 .LBB2_5-.Ltmp6, $2  }
0x67: {  	_ =	sdelay $0x2  }
0x68: {  	s5 =	smov.u32 s2;
	s2 =	sadd.s32 $0x10, s2  }
0x69: {  	s3 =	ssub.s32 s0, s5  }
0x6a: {  	p2 =	slt.s32 s3, $0x10  }
0x6b: {  	s3 =	simm.s32 @!p2 $0x10  }
0x6c: {  	v2 =	vmov s3  }
0x6d: {  	vm0 =	vgt.s32 v2, v0;
	_ =	sdelay $0x5  }
0x6e: {  	v2 =	vld.idx.msk [tilespmem:v1+s5+$0x0 ss:$0x1], vm0;
	_ =	sdelay $0x2  }
0x6f: {  	p2 =	slt.s32 s2, s0;
	s3 =	smov.u32 s0  }
0x70: {  	s9 =	smov.u32 s4;
	s25 =	simm.s32 $0x0;
	s3 =	smov.u32 @p2 s2  }
.LBB2_8:
0x71: {  	(v2sf) =	vpush v2, s25;
	_ =	sdelay $0xe  }
0x72: {  	s25 =	sadd.s32 $0x1, s25;
	s10 =	spop (v2sf)  }
0x73: {  	s31 =	sadd.s32 s25, s5;
	s26 =	sshll.u32 s10, $0x8;
	s10 =	sshll.u32 s10, $0x7  }
0x74: {  	p2 =	slt.s32 s31, s3;
	s26 =	sand.u32 $0xFFFFF800, s26;
	s10 =	sand.u32 $0x380, s10  }
.Ltmp7:
0x75: {  	s10 =	sor.u32 s10, s26;
	(pc) =	sbr.rel @p2 .LBB2_8-.Ltmp7, $4  }
0x76: {  	s10 =	sshrl.u32 s10, $0x3  }
0x77: {  	s10 =	sadd.s32 s6, s10  }
0x78: {  	[tilespmem:s9], [sflag:$0x9] =	stream.strided.gather [hbm4b:s10+s18], $0x100, s19, s18, $0x38;
	[tilespmem:$0x1E678] =	vst v63  }
0x79: {  	s9 =	sadd.s32 $0x100, s9  }
.Ltmp8:
0x7a: {  	_ = 	snop;
	(pc) =	sbr.rel .LBB2_5-.Ltmp8, $1  }
0x7b: {  	_ =	sdelay $0x3  }
.LBB2_9:
0x7c: {  	p2 =	slt.u32 s23, $0x2  }
.Ltmp9:
0x7d: {  	_ = 	snop;
	(pc) =	sbr.rel @p2 .LBB2_27-.Ltmp9, $1  }
0x7e: {  	_ =	sdelay $0x3  }
0x7f: {  	p2 =	sgt.s32 s24, $0x13810  }
0x80: {  	s0 =	smov.u32 s24;
	s2 =	sshra.s32 s24, $0x1F;
	s3 =	ssub.s32 $0x13880, s24  }
0x81: {  	s0 =	simm.s32 @!p2 $0x13810;
	s2 =	sand.u32 s2, s24;
	p2 =	slt.s32 s3, $0x70  }
0x82: {  	s0 =	ssub.s32 s0, s2;
	s3 =	simm.s32 @!p2 $0x70  }
0x83: {  	s0 =	sadd.s32 $0xFFFEC7F0, s0;
	s9 =	sshll.u32 s3, $0x8  }
0x84: {  	s26 =	simm.s32 $0x9;
	s10 =	sshll.u32 s0, $0x2;
	s2 =	sand.u32 $0x3FFFFF00, s9  }
0x85: {  	p2 =	sgt.s32 s0, $0x6F;
	s25 =	ssub.s32 $0x1C0, s10;
	_ =	swait.ge [sflag:s26], s2  }
0x86: {  	s2 =	ssub.s32 $0x0, s2;
	[sflag:s26] =	ssyncset.done $0x0;
	s0 =	sshrl.u32 s25, $0x2  }
0x87: {  	s29 =	simm.s32 $0xB;
	[sflag:s26] =	ssyncadd.s32 s2;
	s0 =	simm.s32 @p2 $0x0  }
0x88: {  	_ =	swait.ge [sflag:s29], s0  }
0x89: {  	s0 =	ssub.s32 $0x0, s0;
	[sflag:s29] =	ssyncset.done $0x0  }
0x8a: {  	[sflag:s29] =	ssyncadd.s32 s0  }
0x8b: {  	v1 =	vld [tilespmem:$0xE408];
	_ =	sdelay $0x4  }
0x8c: {  	(v2sf) =	vpush v1, $0x0  }
0x8d: {  	(v2sf) =	vpush v1, $0x1  }
0x8e: {  	(v2sf) =	vpush v1, $0x2;
	_ =	sdelay $0x3  }
0x8f: {  	s0 =	sadd.s32 $0x70, s24  }
0x90: {  	s2 =	ssub.s32 $0x27100, s24;
	p2 =	slt.s32 s8, s0  }
0x91: {  	s0 =	smov.u32 @p2 s8;
	p2 =	sgt.s32 s2, $0x0  }
0x92: {  	s0 =	ssub.s32 s0, s24;
	s2 =	simm.s32 @!p2 $0x0  }
0x93: {  	p2 =	slt.s32 s2, s0  }
0x94: {  	s0 =	smov.u32 @p2 s2  }
0x95: {  	s4 =	simm.s32 $0x1;
	p2 =	slt.s32 s0, $0x1  }
.Ltmp10:
0x96: {  	s4 =	simm.s32 @!p1 $0x0;
	(pc) =	sbr.rel @p2 .LBB2_14-.Ltmp10, $4  }
0x97: {  	s30 =	smul.u32 $0x1C0, s4  }
0x98: {  	s5 =	spop (v2sf)  }
0x99: {  	s31 =	sshrl.u32 s30, $0x2;
	s28 =	spop (v2sf)  }
0x9a: {  	s25 =	sadd.s32 $0x10598, s31;
	s24 =	spop (v2sf)  }
0x9b: {  	s2 =	smin.u32 s0, $0x10  }
0x9c: {  	v1 =	vmov s2  }
0x9d: {  	vm1 =	vgt.u32 v1, v0  }
0x9e: {  	p3 =	sgt.s32 s0, $0x10  }
.Ltmp11:
0x9f: {  	_ = 	snop;
	(pc) =	sbr.rel @!p3 .LBB2_13-.Ltmp11, $2  }
0xa0: {  	_ =	sdelay $0x2  }
0xa1: {  	s26 =	simm.s32 $0x10;
	s29 =	sadd.s32 $0xFFFFFFF0, s0;
	s2 =	smov.u32 s25;
	vm0 =	vmmov vm1;
	v1 =	vld.msk [tilespmem:s25+$0x0 ss:$0x1], vm1  }
.LBB2_12:
0xa2: {  	s3 =	smin.u32 s29, $0x10;
	s26 =	sadd.s32 $0x10, s26  }
0xa3: {  	v2 =	vmov s3;
	p3 =	slt.s32 s26, s0  }
0xa4: {  	vm1 =	vgt.u32 v2, v0;
	_ =	sdelay $0x1  }
0xa5: {  	v2 =	vshll.u32 v1, $0x5;
	v1 =	vshll.u32 v1, $0x4  }
.Ltmp12:
0xa6: {  	v2 =	vand.u32 $0xFFFFFF00, v2;
	v1 =	vand.u32 $0x70, v1;
	(pc) =	sbr.rel @p3 .LBB2_12-.Ltmp12, $4  }
0xa7: {  	v1 =	vor.u32 v1, v2  }
0xa8: {  	[tilespmem:s2+$0x0] =	vst.msk vm0, v1;
	s2 =	sadd.s32 $0x10, s2;
	vm0 =	vmmov vm1  }
0xa9: {  	v1 =	vld.msk [tilespmem:s2+$0x0 ss:$0x1], vm1  }
0xaa: {  	s29 =	sadd.s32 $0xFFFFFFF0, s29  }
.LBB2_13:
0xab: {  	_ =	sdelay $0x3  }
0xac: {  	v2 =	vshll.u32 v1, $0x5;
	v1 =	vshll.u32 v1, $0x4  }
0xad: {  	v2 =	vand.u32 $0xFFFFFF00, v2;
	v1 =	vand.u32 $0x70, v1  }
0xae: {  	v1 =	vor.u32 v1, v2  }
0xaf: {  	[tilespmem:s2+$0x0] =	vst.msk vm0, v1  }
.LBB2_14:
0xb0: {  	s2 =	sand.u32 $0x1, s23  }
0xb1: {  	s2 =	smul.u32 $0x70, s2  }
0xb2: {  	p3 =	sne.s32 s28, $0xFFFFFFFF  }
0xb3: {  	v1 =	vld.msk @!p3 [tilespmem:s2+$0x10598], $0x1;
	_ =	sdelay $0x4  }
0xb4: {  	(v2sf) =	vpush @!p3 v1, $0x0;
	_ =	sdelay $0xc  }
.Ltmp13:
0xb5: {  	_ = 	snop;
	(pc) =	sbr.rel @p2 .LBB2_25-.Ltmp13, $4  }
0xb6: {  	_ = 	snop  }
0xb7: {  	s31 =	spop @!p3 (v2sf)  }
0xb8: {  	s24 =	simm.s32 @!p3 $0x0;
	s26 =	smov.u32 s31  }
0xb9: {  	[sflag:s17] =	ssyncpa.u1 $0x0;
	s31 =	smov.u32 @p3 s5;
	s26 =	smov.u32 @p3 s28  }
0xba: {  	v1 =	vld.msk [tilespmem:s25+$0x0], $0x1;
	_ =	sdelay $0x4  }
0xbb: {  	(v2sf) =	vpush v1, $0x0;
	_ =	sdelay $0xe  }
0xbc: {  	s7 =	smov.u32 s11;
	s5 =	spop (v2sf)  }
0xbd: {  	s17 =	smov.u32 s15;
	s2 =	smul.u32 $0x1C000, s4;
	p2 =	seq.s32 s31, s5  }
0xbe: {  	s3 =	smov.u32 s31;
	s29 =	ssub.s32 $0x0, s0;
	p3 =	sgt.s32 @!p2 s31, $0x0  }
0xbf: {  	s30 =	simm.s32 $0x0;
	s2 =	sshrl.u32 s2, $0x2;
	p3 =	por !p3, p2  }
0xc0: {  	s0 =	sadd.s32 $0x1, s29;
	s28 =	sor.u32 $0x106F8, s2;
	s3 =	simm.s32 @p3 $0x0  }
0xc1: {  	s2 =	simm.s32 @!p2 $0x1;
	p3 =	seq.s32 s0, $0x0;
	s3 =	smin.u32 @!p2 s3, $0x4E170  }
.Ltmp14:
0xc2: {  	s4 =	simm.s32 @!p2 $0x7308;
	s9 =	sand.u32 @!p2 $0x7FFF8, s3;
	(pc) =	sbr.rel @p3 .LBB2_17-.Ltmp14, $4  }
0xc3: {  	s10 =	sadd.s32 @!p2 $0x80, s3;
	s11 =	sadd.s32 @!p2 s1, s9;
	s9 =	sand.u32 @!p2 $0x7, s3  }
0xc4: {  	[tilespmem:s4], [sflag:$0x2] =	stream.linear.gather @!p2 [hbm4b:s11+s9], $0x80, $0x38;
	[tilespmem:$0x1E678] =	vst v63  }
0xc5: {  	s15 =	smov.u32 s14;
	s2 =	smov.u32 @p2 s30;
	s4 =	sand.u32 @!p2 $0xFFFF8, s10  }
0xc6: {  	s3 =	simm.s32 @!p2 $0x7388;
	s10 =	sadd.s32 @!p2 s1, s4;
	s4 =	sadd.s32 $0x1, s25  }
.LBB2_16:
0xc7: {  	s11 =	smov.u32 s2  }
0xc8: {  	[tilespmem:s3], [sflag:$0x2] =	stream.linear.gather @!p2 [hbm4b:s10+s9], $0x80, $0x38;
	[tilespmem:$0x1E678] =	vst v63  }
0xc9: {  	s0 =	sadd.s32 $0x1, s0;
	s9 =	smov.u32 s5;
	v1 =	vld.msk [tilespmem:s4+$0x0], $0x1  }
0xca: {  	p3 =	seq.s32 s0, $0x0;
	_ =	sdelay $0x3  }
0xcb: {  	(v2sf) =	vpush v1, $0x0;
	_ =	sdelay $0xe  }
0xcc: {  	s5 =	spop (v2sf)  }
0xcd: {  	p2 =	seq.s32 s9, s5  }
0xce: {  	p4 =	sgt.s32 @!p2 s9, $0x0;
	s3 =	sshll.u32 @!p2 s2, $0xA;
	s2 =	sadd.s32 @!p2 $0x1, s2  }
0xcf: {  	p4 =	por !p4, p2;
	s3 =	sshra.s32 @!p2 s3, $0x2;
	s2 =	smov.u32 @p2 s11  }
0xd0: {  	s9 =	simm.s32 @p4 $0x0;
	s10 =	sadd.s32 @!p2 $0x7308, s3;
	s3 =	sadd.s32 @!p2 $0x7388, s3  }
.Ltmp15:
0xd1: {  	s9 =	smin.u32 @!p2 s9, $0x4E170;
	(pc) =	sbr.rel @!p3 .LBB2_16-.Ltmp15, $4  }
0xd2: {  	s11 =	sand.u32 @!p2 $0x7FFF8, s9;
	s14 =	sadd.s32 @!p2 $0x80, s9  }
0xd3: {  	s9 =	sand.u32 @!p2 $0x7, s9;
	s11 =	sadd.s32 @!p2 s1, s11;
	s14 =	sand.u32 @!p2 $0xFFFF8, s14  }
0xd4: {  	[tilespmem:s10], [sflag:$0x2] =	stream.linear.gather @!p2 [hbm4b:s11+s9], $0x80, $0x38;
	[tilespmem:$0x1E678] =	vst v63  }
0xd5: {  	s4 =	sadd.s32 $0x1, s4;
	s10 =	sadd.s32 @!p2 s1, s14  }
.LBB2_17:
0xd6: {  	[tilespmem:s3], [sflag:$0x2] =	stream.linear.gather @!p2 [hbm4b:s10+s9], $0x80, $0x38;
	[tilespmem:$0x1E678] =	vst v63  }
0xd7: {  	s0 =	sshll.u32 s2, $0x8  }
.Ltmp16:
0xd8: {  	s14 =	simm.s32 $0x2;
	s0 =	sand.u32 $0x3FFFFF00, s0;
	(pc) =	sbr.rel .LBB2_18-.Ltmp16, $4  }
0xd9: {  	_ =	swait.ge [sflag:s14], s0  }
0xda: {  	s0 =	ssub.s32 $0x0, s0;
	[sflag:s14] =	ssyncset.done $0x0  }
0xdb: {  	s4 =	simm.s32 $0x0;
	s11 =	smov.u32 s7;
	[sflag:s14] =	ssyncadd.s32 s0  }
0xdc: {  	s14 =	smov.u32 s15;
	s15 =	smov.u32 s17;
	s17 =	simm.s32 $0xC  }
.LBB2_19:
0xdd: {  	v1 =	vld [tilespmem:s28+$0xFFFFFF80];
	_ =	sdelay $0x4  }
0xde: {  	[tilespmem:s5+$0x208] =	vst.add.f32.msk $0xffff, v1  }
0xdf: {  	v1 =	vld [tilespmem:s28+$0xFFFFFF90];
	_ =	sdelay $0x4  }
0xe0: {  	[tilespmem:s5+$0x218] =	vst.add.f32.msk $0xffff, v1  }
0xe1: {  	v1 =	vld [tilespmem:s28+$0xFFFFFFA0];
	_ =	sdelay $0x4  }
0xe2: {  	[tilespmem:s5+$0x228] =	vst.add.f32.msk $0xffff, v1  }
0xe3: {  	v1 =	vld [tilespmem:s28+$0xFFFFFFB0];
	_ =	sdelay $0x4  }
0xe4: {  	[tilespmem:s5+$0x238] =	vst.add.f32.msk $0xffff, v1  }
0xe5: {  	v1 =	vld [tilespmem:s28+$0xFFFFFFC0];
	_ =	sdelay $0x4  }
0xe6: {  	[tilespmem:s5+$0x248] =	vst.add.f32.msk $0xffff, v1  }
0xe7: {  	v1 =	vld [tilespmem:s28+$0xFFFFFFD0];
	_ =	sdelay $0x4  }
0xe8: {  	[tilespmem:s5+$0x258] =	vst.add.f32.msk $0xffff, v1  }
0xe9: {  	v1 =	vld [tilespmem:s28+$0xFFFFFFE0];
	_ =	sdelay $0x4  }
0xea: {  	[tilespmem:s5+$0x268] =	vst.add.f32.msk $0xffff, v1  }
0xeb: {  	v1 =	vld [tilespmem:s28+$0xFFFFFFF0];
	_ =	sdelay $0x4  }
0xec: {  	[tilespmem:s5+$0x278] =	vst.add.f32.msk $0xffff, v1  }
0xed: {  	v1 =	vld [tilespmem:s28+$0x0];
	_ =	sdelay $0x4  }
0xee: {  	[tilespmem:s5+$0x288] =	vst.add.f32.msk $0xffff, v1  }
0xef: {  	v1 =	vld [tilespmem:s28+$0x10];
	_ =	sdelay $0x4  }
0xf0: {  	[tilespmem:s5+$0x298] =	vst.add.f32.msk $0xffff, v1  }
0xf1: {  	v1 =	vld [tilespmem:s28+$0x20];
	_ =	sdelay $0x4  }
0xf2: {  	[tilespmem:s5+$0x2A8] =	vst.add.f32.msk $0xffff, v1  }
0xf3: {  	v1 =	vld [tilespmem:s28+$0x30];
	_ =	sdelay $0x4  }
0xf4: {  	[tilespmem:s5+$0x2B8] =	vst.add.f32.msk $0xffff, v1  }
0xf5: {  	v1 =	vld [tilespmem:s28+$0x40];
	_ =	sdelay $0x4  }
0xf6: {  	[tilespmem:s5+$0x2C8] =	vst.add.f32.msk $0xffff, v1  }
0xf7: {  	v1 =	vld [tilespmem:s28+$0x50];
	_ =	sdelay $0x4  }
0xf8: {  	[tilespmem:s5+$0x2D8] =	vst.add.f32.msk $0xffff, v1  }
0xf9: {  	v1 =	vld [tilespmem:s28+$0x60];
	_ =	sdelay $0x4  }
0xfa: {  	[tilespmem:s5+$0x2E8] =	vst.add.f32.msk $0xffff, v1  }
0xfb: {  	v1 =	vld [tilespmem:s28+$0x70];
	_ =	sdelay $0x4  }
0xfc: {  	[tilespmem:s5+$0x2F8] =	vst.add.f32.msk $0xffff, v1  }
.LBB2_23:
0xfd: {  	s29 =	sadd.s32 $0x1, s29  }
0xfe: {  	p2 =	seq.s32 s29, $0x0  }
.Ltmp17:
0xff: {  	_ = 	snop;
	(pc) =	sbr.rel @p2 .LBB2_24-.Ltmp17, $2  }
0x100: {  	_ =	sdelay $0x2  }
0x101: {  	s25 =	sadd.s32 $0x1, s25;
	s28 =	sadd.s32 $0x100, s28;
	s31 =	smov.u32 s0  }
.LBB2_18:
0x102: {  	v1 =	vld.msk [tilespmem:s25+$0x0], $0x1;
	_ =	sdelay $0x4  }
0x103: {  	(v2sf) =	vpush v1, $0x0;
	_ =	sdelay $0xe  }
0x104: {  	s0 =	spop (v2sf)  }
0x105: {  	p2 =	sne.s32 s31, s0  }
.Ltmp18:
0x106: {  	_ = 	snop;
	(pc) =	sbr.rel @!p2 .LBB2_19-.Ltmp18, $3  }
0x107: {  	_ =	sdelay $0x1  }
0x108: {  	s2 =	sshll.u32 s24, $0xA  }
0x109: {  	s5 =	sshra.s32 s2, $0x2  }
0x10a: {  	p2 =	seq.s32 s31, s26  }
.Ltmp19:
0x10b: {  	_ = 	snop;
	(pc) =	sbr.rel @!p2 .LBB2_21-.Ltmp19, $1  }
0x10c: {  	_ =	sdelay $0x3  }
.Ltmp20:
0x10d: {  	s2 =	sadd.s32 $0x208, s5;
	(pc) =	sbr.rel .LBB2_22-.Ltmp20, $4  }
0x10e: {  	[spmem:s16] =	stream.linear.scatter [tilespmem:s2], [sflag:$0x1], $0x100, $0x38;
	[tilespmem:$0x1E678] =	vst v63  }
0x10f: {  	_ =	swait.ge [sflag:s12], $0x100  }
0x110: {  	[sflag:s12] =	ssyncset.done $0x0  }
0x111: {  	[sflag:s12] =	ssyncadd.s32 $0xFFFFFF00  }
.LBB2_21:
0x112: {  	s2 =	sshll.u32 s30, $0xA  }
0x113: {  	s2 =	sshra.s32 s2, $0x2  }
0x114: {  	v1 =	vld [tilespmem:s2+$0x7308];
	_ =	sdelay $0x4  }
0x115: {  	[tilespmem:s5+$0x208] =	vst.add.f32.msk $0xffff, v1  }
0x116: {  	v1 =	vld [tilespmem:s2+$0x7318];
	_ =	sdelay $0x4  }
0x117: {  	[tilespmem:s5+$0x218] =	vst.add.f32.msk $0xffff, v1  }
0x118: {  	v1 =	vld [tilespmem:s2+$0x7328];
	_ =	sdelay $0x4  }
0x119: {  	[tilespmem:s5+$0x228] =	vst.add.f32.msk $0xffff, v1  }
0x11a: {  	v1 =	vld [tilespmem:s2+$0x7338];
	_ =	sdelay $0x4  }
0x11b: {  	[tilespmem:s5+$0x238] =	vst.add.f32.msk $0xffff, v1  }
0x11c: {  	v1 =	vld [tilespmem:s2+$0x7348];
	_ =	sdelay $0x4  }
0x11d: {  	[tilespmem:s5+$0x248] =	vst.add.f32.msk $0xffff, v1  }
0x11e: {  	v1 =	vld [tilespmem:s2+$0x7358];
	_ =	sdelay $0x4  }
0x11f: {  	[tilespmem:s5+$0x258] =	vst.add.f32.msk $0xffff, v1  }
0x120: {  	v1 =	vld [tilespmem:s2+$0x7368];
	_ =	sdelay $0x4  }
0x121: {  	[tilespmem:s5+$0x268] =	vst.add.f32.msk $0xffff, v1  }
0x122: {  	v1 =	vld [tilespmem:s2+$0x7378];
	_ =	sdelay $0x4  }
0x123: {  	[tilespmem:s5+$0x278] =	vst.add.f32.msk $0xffff, v1  }
0x124: {  	v1 =	vld [tilespmem:s2+$0x7388];
	_ =	sdelay $0x4  }
0x125: {  	[tilespmem:s5+$0x288] =	vst.add.f32.msk $0xffff, v1  }
0x126: {  	v1 =	vld [tilespmem:s2+$0x7398];
	_ =	sdelay $0x4  }
0x127: {  	[tilespmem:s5+$0x298] =	vst.add.f32.msk $0xffff, v1  }
0x128: {  	v1 =	vld [tilespmem:s2+$0x73A8];
	_ =	sdelay $0x4  }
0x129: {  	[tilespmem:s5+$0x2A8] =	vst.add.f32.msk $0xffff, v1  }
0x12a: {  	v1 =	vld [tilespmem:s2+$0x73B8];
	_ =	sdelay $0x4  }
0x12b: {  	[tilespmem:s5+$0x2B8] =	vst.add.f32.msk $0xffff, v1  }
0x12c: {  	v1 =	vld [tilespmem:s2+$0x73C8];
	_ =	sdelay $0x4  }
0x12d: {  	[tilespmem:s5+$0x2C8] =	vst.add.f32.msk $0xffff, v1  }
0x12e: {  	v1 =	vld [tilespmem:s2+$0x73D8];
	_ =	sdelay $0x4  }
0x12f: {  	[tilespmem:s5+$0x2D8] =	vst.add.f32.msk $0xffff, v1  }
0x130: {  	v1 =	vld [tilespmem:s2+$0x73E8];
	_ =	sdelay $0x4  }
0x131: {  	[tilespmem:s5+$0x2E8] =	vst.add.f32.msk $0xffff, v1  }
0x132: {  	v1 =	vld [tilespmem:s2+$0x73F8];
	_ =	sdelay $0x2  }
0x133: {  	p2 =	sgt.u32 s31, $0x4E170  }
0x134: {  	s2 =	sand.u32 @!p2 $0x7FFF8, s31  }
0x135: {  	s3 =	sadd.s32 $0x208, s5;
	s9 =	sand.u32 @!p2 $0x7, s31;
	s2 =	sadd.s32 @!p2 s1, s2;
	[tilespmem:s5+$0x2F8] =	vst.add.f32.msk $0xffff, v1  }
0x136: {  	[hbm4b:s2+s9] =	stream.linear.scatter @!p2 [tilespmem:s3], [sflag:$0xC], $0x80, $0x38;
	[tilespmem:$0x1E678] =	vst v63  }
0x137: {  	s2 =	sadd.s32 @!p2 $0x80, s31  }
0x138: {  	s2 =	sand.u32 @!p2 $0xFFFF8, s2  }
0x139: {  	s3 =	sadd.s32 $0x288, s5;
	s2 =	sadd.s32 @!p2 s1, s2  }
0x13a: {  	[hbm4b:s2+s9] =	stream.linear.scatter @!p2 [tilespmem:s3], [sflag:$0xC], $0x80, $0x38;
	[tilespmem:$0x1E678] =	vst v63  }
0x13b: {  	s2 =	simm.s32 $0x0  }
0x13c: {  	s2 =	simm.s32 @!p2 $0x400  }
0x13d: {  	s4 =	sadd.s32 s2, s4  }
.LBB2_22:
0x13e: {  	s2 =	sadd.s32 $0x1, s24  }
0x13f: {  	s3 =	sshrl.u32 s2, $0x4  }
0x140: {  	s3 =	smulhi.u32 $0x24924925, s3  }
0x141: {  	v1 =	vld [tilespmem:s28+$0xFFFFFF80]  }
0x142: {  	s3 =	smul.u32 $0x70, s3;
	_ =	sdelay $0x1  }
0x143: {  	s24 =	ssub.s32 s2, s3  }
0x144: {  	s2 =	sshll.u32 s24, $0x8  }
0x145: {  	[tilespmem:s2+$0x208] =	vst v1  }
0x146: {  	v1 =	vld [tilespmem:s28+$0xFFFFFF90];
	_ =	sdelay $0x4  }
0x147: {  	[tilespmem:s2+$0x218] =	vst v1  }
0x148: {  	v1 =	vld [tilespmem:s28+$0xFFFFFFA0];
	_ =	sdelay $0x4  }
0x149: {  	[tilespmem:s2+$0x228] =	vst v1  }
0x14a: {  	v1 =	vld [tilespmem:s28+$0xFFFFFFB0];
	_ =	sdelay $0x4  }
0x14b: {  	[tilespmem:s2+$0x238] =	vst v1  }
0x14c: {  	v1 =	vld [tilespmem:s28+$0xFFFFFFC0];
	_ =	sdelay $0x4  }
0x14d: {  	[tilespmem:s2+$0x248] =	vst v1  }
0x14e: {  	v1 =	vld [tilespmem:s28+$0xFFFFFFD0];
	_ =	sdelay $0x4  }
0x14f: {  	[tilespmem:s2+$0x258] =	vst v1  }
0x150: {  	v1 =	vld [tilespmem:s28+$0xFFFFFFE0];
	_ =	sdelay $0x4  }
0x151: {  	[tilespmem:s2+$0x268] =	vst v1  }
0x152: {  	v1 =	vld [tilespmem:s28+$0xFFFFFFF0];
	_ =	sdelay $0x4  }
0x153: {  	[tilespmem:s2+$0x278] =	vst v1  }
0x154: {  	v1 =	vld [tilespmem:s28+$0x0];
	_ =	sdelay $0x4  }
0x155: {  	[tilespmem:s2+$0x288] =	vst v1  }
0x156: {  	v1 =	vld [tilespmem:s28+$0x10];
	_ =	sdelay $0x4  }
0x157: {  	[tilespmem:s2+$0x298] =	vst v1  }
0x158: {  	v1 =	vld [tilespmem:s28+$0x20];
	_ =	sdelay $0x4  }
0x159: {  	[tilespmem:s2+$0x2A8] =	vst v1  }
0x15a: {  	v1 =	vld [tilespmem:s28+$0x30];
	_ =	sdelay $0x4  }
0x15b: {  	[tilespmem:s2+$0x2B8] =	vst v1  }
0x15c: {  	v1 =	vld [tilespmem:s28+$0x40];
	_ =	sdelay $0x4  }
0x15d: {  	[tilespmem:s2+$0x2C8] =	vst v1  }
0x15e: {  	v1 =	vld [tilespmem:s28+$0x50];
	_ =	sdelay $0x4  }
0x15f: {  	[tilespmem:s2+$0x2D8] =	vst v1  }
0x160: {  	v1 =	vld [tilespmem:s28+$0x60];
	_ =	sdelay $0x4  }
0x161: {  	[tilespmem:s2+$0x2E8] =	vst v1  }
0x162: {  	v1 =	vld [tilespmem:s28+$0x70]  }
.Ltmp21:
0x163: {  	_ = 	snop;
	(pc) =	sbr.rel .LBB2_23-.Ltmp21, $2  }
0x164: {  	_ =	sdelay $0x2  }
0x165: {  	s30 =	sadd.s32 $0x1, s30;
	[tilespmem:s2+$0x2F8] =	vst v1  }
.LBB2_25:
.Ltmp22:
0x166: {  	(pc) =	sbr.rel .LBB2_26-.Ltmp22, $4  }
0x167: {  	_ = 	snop  }
0x168: {  	s0 =	simm.s32 $0x2  }
0x169: {  	_ =	swait.ge [sflag:s0], $0x0  }
0x16a: {  	s2 =	simm.s32 $0x0;
	[sflag:s0] =	ssyncset.done $0x0;
	s0 =	smov.u32 s31  }
.LBB2_28:
0x16b: {  	_ =	sfence.sel $0x180000  }
0x16c: {  	s0 =	simm.s32 $0x9;
	[bflag:$0x0] =	sbarrier.arrive $0xFFFF  }
0x16d: {  	s24 =	simm.s32 $0xA;
	[sflag:s0] =	ssyncpa.u1 $0x1  }
0x16e: {  	s25 =	simm.s32 $0xB;
	[sflag:s24] =	ssyncpa.u1 $0x1  }
0x16f: {  	s26 =	simm.s32 $0x2;
	[sflag:s25] =	ssyncpa.u1 $0x1  }
0x170: {  	[sflag:s26] =	ssyncpa.u1 $0x1  }
0x171: {  	v0 =	vld [tilespmem:$0xE408];
	_ =	sdelay $0x4  }
0x172: {  	(v2sf) =	vpush v0, $0x0  }
0x173: {  	(v2sf) =	vpush v0, $0x1;
	_ =	sdelay $0x1  }
0x174: {  	(v2sf) =	vpush v0, $0x2;
	_ =	sdelay $0xb  }
0x175: {  	s0 =	spop (v2sf)  }
0x176: {  	s2 =	spop (v2sf)  }
0x177: {  	s3 =	smov.u32 s0;
	p0 =	sne.s32 s0, s2  }
0x178: {  	s4 =	spop (v2sf);
	s3 =	simm.s32 @!p0 $0xFFFFFFFF  }
0x179: {  	v2 =	vimm.s32 $0x1;
	v3 =	vlaneseq.u32;
	p0 =	seq.s32 s4, $0xFFFFFFFF;
	v1 =	vmov s3  }
0x17a: {  	s15 =	stileid.u32;
	v0 =	vperm.xlane v0, v2;
	p1 =	sne.s32 @!p0 s0, s2;
	v1 =	vperm.xlane v1, v3  }
0x17b: {  	vm0 =	vcmask $0x3F04;
	s6 =	simm.s32 $0xE408;
	s0 =	simm.s32 @!p0 $0x1;
	p1 =	por !p1, p0  }
0x17c: {  	s3 =	sshll.u32 s15, $0x1;
	s2 =	sshll.u32 @!p0 s4, $0xA;
	s0 =	simm.s32 @p1 $0x0;
	v0 =	vsel vm0, v1, v0  }
0x17d: {  	s5 =	sor.u32 $0x2000, s3;
	s2 =	sshra.s32 @!p0 s2, $0x2;
	s0 =	sor.u32 @!p0 s0, s3;
	[tilespmem:$0xE408] =	vst v0  }
0x17e: {  	[spmem:s5] =	stream.linear.scatter [tilespmem:s6], [sflag:$0x1], $0x2, $0x38;
	[tilespmem:$0x1E678] =	vst v63  }
0x17f: {  	s2 =	sadd.s32 @!p0 $0x208, s2;
	s0 =	sshll.u32 @!p0 s0, $0x8  }
0x180: {  	[spmem:s0] =	stream.linear.scatter @!p0 [tilespmem:s2], [sflag:$0x1], $0x100, $0x38;
	[tilespmem:$0x1E678] =	vst v63  }
0x181: {  	s0 =	simm.s32 @!p0 $0x102  }
0x182: {  	s28 =	simm.s32 $0x1;
	s0 =	simm.s32 @p0 $0x2  }
0x183: {  	_ =	swait.ge [sflag:s28], s0  }
0x184: {  	s0 =	ssub.s32 $0x0, s0;
	[sflag:s28] =	ssyncset.done $0x0  }
0x185: {  	p0 =	sne.s32 s15, $0x0;
	[sflag:s28] =	ssyncadd.s32 s0  }
.Ltmp23:
0x186: {  	_ =	sfence.stream.spmem;
	(pc) =	sbr.rel @p0 .LBB2_45-.Ltmp23, $4  }
0x187: {  	s29 =	simm.s32 $0x3;
	[bflag:$0x0] =	sbarrier.arrive $0xFFFF  }
0x188: {  	s30 =	simm.s32 $0x4;
	[sflag:s29] =	ssyncpa.u1 $0x1  }
0x189: {  	s31 =	simm.s32 $0x3C;
	[sflag:s30] =	ssyncpa.u1 $0x1  }
0x18a: {  	s14 =	rddreg [dreg:$0x5];
	[sflag:s31] =	ssyncpa.u1 $0x1  }
0x18b: {  	_ =	sfence.stream.spmem;
	s0 =	simm.s32 $0x5  }
0x18c: {  	s2 =	simm.s32 $0x2000;
	s3 =	simm.s32 $0xE418;
	[sflag:s0] =	ssyncpa.u1 $0x0  }
0x18d: {  	[tilespmem:s3], [sflag:$0x5] =	stream.linear.gather [spmem:s2], $0x20, $0x38;
	[tilespmem:$0x1E678] =	vst v63  }
0x18e: {  	s26 =	simm.s32 $0x0;
	s28 =	simm.s32 $0xE438  }
0x18f: {  	[tilespmem:s28], [sflag:$0x5] =	stream.linear.gather [spmem:s26], $0x2000, $0x38;
	[tilespmem:$0x1E678] =	vst v63  }
0x190: {  	_ =	swait.ge [sflag:s0], $0x2020  }
0x191: {  	[sflag:s0] =	ssyncset.done $0x0  }
0x192: {  	s29 =	simm.s32 $0x0;
	[sflag:s0] =	ssyncadd.s32 $0xFFFFDFE0  }
0x193: {  	v0 =	vld.msk [tilespmem:s29+$0xE418], $0x1;
	_ =	sdelay $0x1  }
0x194: {  	s30 =	simm.s32 $0x1  }
0x195: {  	v1 =	vld.msk [tilespmem:s30+$0xE418], $0x1;
	_ =	sdelay $0x1  }
0x196: {  	(v2sf) =	vpush v0, $0x0;
	_ =	sdelay $0x2  }
0x197: {  	(v2sf) =	vpush v1, $0x0;
	_ =	sdelay $0x2  }
0x198: {  	s31 =	simm.s32 $0x2  }
0x199: {  	v0 =	vld.msk [tilespmem:s31+$0xE418], $0x1;
	_ =	sdelay $0x2  }
0x19a: {  	s2 =	simm.s32 $0xFFFFFFFF;
	s3 =	simm.s32 $0xFFFFFFFF;
	s0 =	simm.s32 $0xC  }
.LBB2_30:
0x19b: {  	s4 =	smov.u32 s3;
	s5 =	smov.u32 s2  }
0x19c: {  	s2 =	sshra.s32 s0, $0x2;
	p1 =	sne.s32 s0, $0x7C;
	s0 =	sadd.s32 $0x4, s0;
	(v2sf) =	vpush v0, $0x0  }
0x19d: {  	v0 =	vld.msk [tilespmem:s2+$0xE418], $0x1  }
.Ltmp24:
0x19e: {  	(pc) =	sbr.rel @p1 .LBB2_30-.Ltmp24, $4  }
0x19f: {  	s3 =	spop (v2sf)  }
0x1a0: {  	p2 =	sne.s32 s5, $0xFFFFFFFF;
	s2 =	smov.u32 s3  }
0x1a1: {  	p3 =	seq.s32 s3, $0xFFFFFFFF;
	s2 =	smov.u32 @p2 s5  }
0x1a2: {  	s3 =	smov.u32 @p3 s4;
	s2 =	smov.u32 @p3 s5  }
0x1a3: {  	(v2sf) =	vpush v0, $0x0;
	_ =	sdelay $0x8  }
0x1a4: {  	s0 =	spop (v2sf)  }
0x1a5: {  	p1 =	sne.s32 s2, $0xFFFFFFFF;
	s9 =	simm.s32 $0x6;
	s4 =	smov.u32 s0  }
0x1a6: {  	s6 =	simm.s32 $0x0;
	p2 =	seq.s32 s0, $0xFFFFFFFF;
	s4 =	smov.u32 @p1 s2  }
0x1a7: {  	s10 =	simm.s32 $0xE308;
	s4 =	smov.u32 @p2 s2;
	s2 =	spop (v2sf)  }
0x1a8: {  	s0 =	smov.u32 @p2 s3;
	p1 =	sne.s32 s4, $0xFFFFFFFF;
	s5 =	smov.u32 s2  }
.Ltmp25:
0x1a9: {  	p2 =	seq.s32 s2, $0xFFFFFFFF;
	s5 =	smov.u32 @p1 s4;
	(pc) =	sbr.rel .LBB2_32-.Ltmp25, $4  }
0x1aa: {  	s11 =	simm.s32 $0xE388;
	s5 =	smov.u32 @p2 s4;
	s7 =	spop (v2sf)  }
0x1ab: {  	s12 =	simm.s32 $0x0;
	p1 =	sne.s32 s5, $0xFFFFFFFF;
	s8 =	smov.u32 s7  }
0x1ac: {  	s2 =	smov.u32 @p2 s0;
	p2 =	seq.s32 s7, $0xFFFFFFFF;
	s8 =	smov.u32 @p1 s5  }
0x1ad: {  	[sflag:s9] =	ssyncpa.u1 $0x0;
	s7 =	smov.u32 @p2 s2;
	s8 =	smov.u32 @p2 s5  }
.LBB2_38:
0x1ae: {  	p1 =	sgt.u32 s0, $0x4E170  }
0x1af: {  	p2 =	seq.s32 @!p1 s0, s8  }
0x1b0: {  	p1 =	por p1, p2  }
0x1b1: {  	p2 =	sne.s32 @!p1 s0, s7  }
0x1b2: {  	p1 =	por p1, !p2  }
0x1b3: {  	s0 =	sshll.u32 @p1 s12, $0xA  }
0x1b4: {  	s2 =	sand.u32 @!p1 $0x7FFF8, s0;
	s3 =	sand.u32 @!p1 $0x7, s0;
	s0 =	sadd.s32 @!p1 $0x80, s0  }
0x1b5: {  	s2 =	sadd.s32 @!p1 s1, s2;
	s0 =	sand.u32 @!p1 $0xFFFF8, s0  }
0x1b6: {  	[tilespmem:s10], [sflag:$0x6] =	stream.linear.gather @!p1 [hbm4b:s2+s3], $0x80, $0x38;
	[tilespmem:$0x1E678] =	vst v63  }
0x1b7: {  	s0 =	sadd.s32 @!p1 s1, s0  }
0x1b8: {  	[tilespmem:s11], [sflag:$0x6] =	stream.linear.gather @!p1 [hbm4b:s0+s3], $0x80, $0x38;
	[tilespmem:$0x1E678] =	vst v63  }
0x1b9: {  	_ =	swait.ge @!p1 [sflag:s9], $0x100  }
0x1ba: {  	[sflag:s9] =	ssyncset.done @!p1 $0x0  }
0x1bb: {  	[sflag:s9] =	ssyncadd.s32 @!p1 $0xFFFFFF00  }
0x1bc: {  	v1 =	vld @!p1 [tilespmem:$0xE308];
	_ =	sdelay $0x2  }
0x1bd: {  	s0 =	sshll.u32 @!p1 s12, $0xA  }
0x1be: {  	s2 =	sshrl.u32 @!p1 s0, $0x2  }
0x1bf: {  	[tilespmem:s2+$0xE438] =	vst.add.f32.msk @!p1 $0xffff, v1  }
0x1c0: {  	v1 =	vld @!p1 [tilespmem:$0xE318];
	_ =	sdelay $0x4  }
0x1c1: {  	[tilespmem:s2+$0xE448] =	vst.add.f32.msk @!p1 $0xffff, v1  }
0x1c2: {  	v1 =	vld @!p1 [tilespmem:$0xE328];
	_ =	sdelay $0x4  }
0x1c3: {  	[tilespmem:s2+$0xE458] =	vst.add.f32.msk @!p1 $0xffff, v1  }
0x1c4: {  	v1 =	vld @!p1 [tilespmem:$0xE338];
	_ =	sdelay $0x4  }
0x1c5: {  	[tilespmem:s2+$0xE468] =	vst.add.f32.msk @!p1 $0xffff, v1  }
0x1c6: {  	v1 =	vld @!p1 [tilespmem:$0xE348];
	_ =	sdelay $0x4  }
0x1c7: {  	[tilespmem:s2+$0xE478] =	vst.add.f32.msk @!p1 $0xffff, v1  }
0x1c8: {  	v1 =	vld @!p1 [tilespmem:$0xE358];
	_ =	sdelay $0x4  }
0x1c9: {  	[tilespmem:s2+$0xE488] =	vst.add.f32.msk @!p1 $0xffff, v1  }
0x1ca: {  	v1 =	vld @!p1 [tilespmem:$0xE368];
	_ =	sdelay $0x4  }
0x1cb: {  	[tilespmem:s2+$0xE498] =	vst.add.f32.msk @!p1 $0xffff, v1  }
0x1cc: {  	v1 =	vld @!p1 [tilespmem:$0xE378];
	_ =	sdelay $0x4  }
0x1cd: {  	[tilespmem:s2+$0xE4A8] =	vst.add.f32.msk @!p1 $0xffff, v1  }
0x1ce: {  	v1 =	vld @!p1 [tilespmem:$0xE388];
	_ =	sdelay $0x4  }
0x1cf: {  	[tilespmem:s2+$0xE4B8] =	vst.add.f32.msk @!p1 $0xffff, v1  }
0x1d0: {  	v1 =	vld @!p1 [tilespmem:$0xE398];
	_ =	sdelay $0x4  }
0x1d1: {  	[tilespmem:s2+$0xE4C8] =	vst.add.f32.msk @!p1 $0xffff, v1  }
0x1d2: {  	v1 =	vld @!p1 [tilespmem:$0xE3A8];
	_ =	sdelay $0x4  }
0x1d3: {  	[tilespmem:s2+$0xE4D8] =	vst.add.f32.msk @!p1 $0xffff, v1  }
0x1d4: {  	v1 =	vld @!p1 [tilespmem:$0xE3B8];
	_ =	sdelay $0x4  }
0x1d5: {  	[tilespmem:s2+$0xE4E8] =	vst.add.f32.msk @!p1 $0xffff, v1  }
0x1d6: {  	v1 =	vld @!p1 [tilespmem:$0xE3C8];
	_ =	sdelay $0x4  }
0x1d7: {  	[tilespmem:s2+$0xE4F8] =	vst.add.f32.msk @!p1 $0xffff, v1  }
0x1d8: {  	v1 =	vld @!p1 [tilespmem:$0xE3D8];
	_ =	sdelay $0x4  }
0x1d9: {  	[tilespmem:s2+$0xE508] =	vst.add.f32.msk @!p1 $0xffff, v1  }
0x1da: {  	v1 =	vld @!p1 [tilespmem:$0xE3E8];
	_ =	sdelay $0x4  }
0x1db: {  	[tilespmem:s2+$0xE518] =	vst.add.f32.msk @!p1 $0xffff, v1  }
0x1dc: {  	v1 =	vld @!p1 [tilespmem:$0xE3F8];
	_ =	sdelay $0x4  }
0x1dd: {  	[tilespmem:s2+$0xE528] =	vst.add.f32.msk @!p1 $0xffff, v1  }
0x1de: {  	s0 =	sshrl.u32 s0, $0x2;
	[tilespmem:s6+$0xE418] =	vst.msk $0x1, v0  }
0x1df: {  	v0 =	vld [tilespmem:s0+$0xE438];
	_ =	sdelay $0x2  }
0x1e0: {  	s31 =	sshll.u32 s6, $0xA  }
0x1e1: {  	s2 =	sshra.s32 s31, $0x2  }
0x1e2: {  	[tilespmem:s2+$0xE438] =	vst v0  }
0x1e3: {  	v0 =	vld [tilespmem:s0+$0xE448];
	_ =	sdelay $0x4  }
0x1e4: {  	[tilespmem:s2+$0xE448] =	vst v0  }
0x1e5: {  	v0 =	vld [tilespmem:s0+$0xE458];
	_ =	sdelay $0x4  }
0x1e6: {  	[tilespmem:s2+$0xE458] =	vst v0  }
0x1e7: {  	v0 =	vld [tilespmem:s0+$0xE468];
	_ =	sdelay $0x4  }
0x1e8: {  	[tilespmem:s2+$0xE468] =	vst v0  }
0x1e9: {  	v0 =	vld [tilespmem:s0+$0xE478];
	_ =	sdelay $0x4  }
0x1ea: {  	[tilespmem:s2+$0xE478] =	vst v0  }
0x1eb: {  	v0 =	vld [tilespmem:s0+$0xE488];
	_ =	sdelay $0x4  }
0x1ec: {  	[tilespmem:s2+$0xE488] =	vst v0  }
0x1ed: {  	v0 =	vld [tilespmem:s0+$0xE498];
	_ =	sdelay $0x4  }
0x1ee: {  	[tilespmem:s2+$0xE498] =	vst v0  }
0x1ef: {  	v0 =	vld [tilespmem:s0+$0xE4A8];
	_ =	sdelay $0x4  }
0x1f0: {  	[tilespmem:s2+$0xE4A8] =	vst v0  }
0x1f1: {  	v0 =	vld [tilespmem:s0+$0xE4B8];
	_ =	sdelay $0x4  }
0x1f2: {  	[tilespmem:s2+$0xE4B8] =	vst v0  }
0x1f3: {  	v0 =	vld [tilespmem:s0+$0xE4C8];
	_ =	sdelay $0x4  }
0x1f4: {  	[tilespmem:s2+$0xE4C8] =	vst v0  }
0x1f5: {  	v0 =	vld [tilespmem:s0+$0xE4D8];
	_ =	sdelay $0x4  }
0x1f6: {  	[tilespmem:s2+$0xE4D8] =	vst v0  }
0x1f7: {  	v0 =	vld [tilespmem:s0+$0xE4E8];
	_ =	sdelay $0x4  }
0x1f8: {  	[tilespmem:s2+$0xE4E8] =	vst v0  }
0x1f9: {  	v0 =	vld [tilespmem:s0+$0xE4F8];
	_ =	sdelay $0x4  }
0x1fa: {  	[tilespmem:s2+$0xE4F8] =	vst v0  }
0x1fb: {  	v0 =	vld [tilespmem:s0+$0xE508];
	_ =	sdelay $0x4  }
0x1fc: {  	[tilespmem:s2+$0xE508] =	vst v0  }
0x1fd: {  	v0 =	vld [tilespmem:s0+$0xE518];
	_ =	sdelay $0x4  }
0x1fe: {  	[tilespmem:s2+$0xE518] =	vst v0  }
0x1ff: {  	v0 =	vld [tilespmem:s0+$0xE528];
	_ =	sdelay $0x4  }
0x200: {  	s6 =	sadd.s32 $0x1, s6;
	[tilespmem:s2+$0xE528] =	vst v0  }
.LBB2_39:
0x201: {  	s12 =	sadd.s32 $0x1, s12  }
0x202: {  	p1 =	sne.s32 s12, $0x20  }
.Ltmp26:
0x203: {  	_ = 	snop;
	(pc) =	sbr.rel @!p1 .LBB2_40-.Ltmp26, $1  }
0x204: {  	_ =	sdelay $0x3  }
.LBB2_32:
0x205: {  	v0 =	vld.msk [tilespmem:s12+$0xE418], $0x1;
	_ =	sdelay $0x4  }
0x206: {  	(v2sf) =	vpush v0, $0x0;
	_ =	sdelay $0xe  }
0x207: {  	s0 =	spop (v2sf)  }
0x208: {  	p1 =	seq.s32 s0, $0xFFFFFFFF  }
.Ltmp27:
0x209: {  	_ = 	snop;
	(pc) =	sbr.rel @p1 .LBB2_39-.Ltmp27, $1  }
0x20a: {  	_ =	sdelay $0x3  }
0x20b: {  	p1 =	slt.s32 s6, $0x1  }
.Ltmp28:
0x20c: {  	_ = 	snop;
	(pc) =	sbr.rel @p1 .LBB2_38-.Ltmp28, $1  }
0x20d: {  	_ =	sdelay $0x3  }
0x20e: {  	s4 =	simm.s32 $0xE418;
	p1 =	por $0x0, $0x0  }
0x20f: {  	v1 =	vld.msk @!p1 [tilespmem:s4+$0x0], $0x1;
	_ =	sdelay $0x4  }
0x210: {  	(v2sf) =	vpush @!p1 v1, $0x0;
	_ =	sdelay $0xd  }
0x211: {  	p3 =	sne.s32 s6, $0x1  }
.Ltmp29:
0x212: {  	s2 =	spop @!p1 (v2sf);
	(pc) =	sbr.rel @!p3 .LBB2_36-.Ltmp29, $4  }
0x213: {  	p2 =	seq.s32 @!p1 s0, s2  }
0x214: {  	s5 =	simm.s32 $0x0;
	p2 =	por !p2, p1  }
0x215: {  	s2 =	simm.s32 $0xFFFFFFFF;
	s5 =	simm.s32 @p2 $0xFFFFFFFF  }
0x216: {  	s13 =	simm.s32 $0x1;
	s5 =	smov.u32 @p1 s2  }
.LBB2_35:
0x217: {  	s2 =	smov.u32 s5;
	p1 =	sne.s32 s5, $0xFFFFFFFF  }
0x218: {  	s4 =	sadd.s32 $0x1, s4;
	s5 =	smov.u32 s13;
	s13 =	sadd.s32 $0x1, s13  }
0x219: {  	p2 =	sne.s32 s6, s13;
	v1 =	vld.msk @!p1 [tilespmem:s4+$0x0], $0x1;
	_ =	sdelay $0x4  }
0x21a: {  	(v2sf) =	vpush @!p1 v1, $0x0;
	_ =	sdelay $0xe  }
.Ltmp30:
0x21b: {  	s3 =	spop @!p1 (v2sf);
	(pc) =	sbr.rel @p2 .LBB2_35-.Ltmp30, $4  }
0x21c: {  	p3 =	seq.s32 @!p1 s0, s3  }
0x21d: {  	p3 =	por !p3, p1  }
0x21e: {  	s5 =	simm.s32 @p3 $0xFFFFFFFF  }
0x21f: {  	s5 =	smov.u32 @p1 s2  }
.LBB2_36:
0x220: {  	p1 =	seq.s32 s5, $0xFFFFFFFF  }
.Ltmp31:
0x221: {  	_ = 	snop;
	(pc) =	sbr.rel @p1 .LBB2_38-.Ltmp31, $1  }
0x222: {  	_ =	sdelay $0x3  }
0x223: {  	s0 =	sshll.u32 s12, $0x8  }
0x224: {  	s0 =	sand.u32 $0x3FFFFF00, s0  }
0x225: {  	v0 =	vld [tilespmem:s0+$0xE438];
	_ =	sdelay $0x2  }
0x226: {  	s2 =	sshll.u32 s5, $0xA  }
0x227: {  	s2 =	sshra.s32 s2, $0x2  }
0x228: {  	[tilespmem:s2+$0xE438] =	vst.add.f32.msk $0xffff, v0  }
0x229: {  	v0 =	vld [tilespmem:s0+$0xE448];
	_ =	sdelay $0x4  }
0x22a: {  	[tilespmem:s2+$0xE448] =	vst.add.f32.msk $0xffff, v0  }
0x22b: {  	v0 =	vld [tilespmem:s0+$0xE458];
	_ =	sdelay $0x4  }
0x22c: {  	[tilespmem:s2+$0xE458] =	vst.add.f32.msk $0xffff, v0  }
0x22d: {  	v0 =	vld [tilespmem:s0+$0xE468];
	_ =	sdelay $0x4  }
0x22e: {  	[tilespmem:s2+$0xE468] =	vst.add.f32.msk $0xffff, v0  }
0x22f: {  	v0 =	vld [tilespmem:s0+$0xE478];
	_ =	sdelay $0x4  }
0x230: {  	[tilespmem:s2+$0xE478] =	vst.add.f32.msk $0xffff, v0  }
0x231: {  	v0 =	vld [tilespmem:s0+$0xE488];
	_ =	sdelay $0x4  }
0x232: {  	[tilespmem:s2+$0xE488] =	vst.add.f32.msk $0xffff, v0  }
0x233: {  	v0 =	vld [tilespmem:s0+$0xE498];
	_ =	sdelay $0x4  }
0x234: {  	[tilespmem:s2+$0xE498] =	vst.add.f32.msk $0xffff, v0  }
0x235: {  	v0 =	vld [tilespmem:s0+$0xE4A8];
	_ =	sdelay $0x4  }
0x236: {  	[tilespmem:s2+$0xE4A8] =	vst.add.f32.msk $0xffff, v0  }
0x237: {  	v0 =	vld [tilespmem:s0+$0xE4B8];
	_ =	sdelay $0x4  }
0x238: {  	[tilespmem:s2+$0xE4B8] =	vst.add.f32.msk $0xffff, v0  }
0x239: {  	v0 =	vld [tilespmem:s0+$0xE4C8];
	_ =	sdelay $0x4  }
0x23a: {  	[tilespmem:s2+$0xE4C8] =	vst.add.f32.msk $0xffff, v0  }
0x23b: {  	v0 =	vld [tilespmem:s0+$0xE4D8];
	_ =	sdelay $0x4  }
0x23c: {  	[tilespmem:s2+$0xE4D8] =	vst.add.f32.msk $0xffff, v0  }
0x23d: {  	v0 =	vld [tilespmem:s0+$0xE4E8];
	_ =	sdelay $0x4  }
0x23e: {  	[tilespmem:s2+$0xE4E8] =	vst.add.f32.msk $0xffff, v0  }
0x23f: {  	v0 =	vld [tilespmem:s0+$0xE4F8];
	_ =	sdelay $0x4  }
0x240: {  	[tilespmem:s2+$0xE4F8] =	vst.add.f32.msk $0xffff, v0  }
0x241: {  	v0 =	vld [tilespmem:s0+$0xE508];
	_ =	sdelay $0x4  }
0x242: {  	[tilespmem:s2+$0xE508] =	vst.add.f32.msk $0xffff, v0  }
0x243: {  	v0 =	vld [tilespmem:s0+$0xE518];
	_ =	sdelay $0x4  }
0x244: {  	[tilespmem:s2+$0xE518] =	vst.add.f32.msk $0xffff, v0  }
0x245: {  	v0 =	vld [tilespmem:s0+$0xE528]  }
.Ltmp32:
0x246: {  	_ = 	snop;
	(pc) =	sbr.rel .LBB2_39-.Ltmp32, $2  }
0x247: {  	_ =	sdelay $0x2  }
0x248: {  	[tilespmem:s2+$0xE528] =	vst.add.f32.msk $0xffff, v0  }
.LBB2_40:
0x249: {  	s0 =	simm.s32 $0x6;
	p1 =	seq.s32 s6, $0x0  }
0x24a: {  	[sflag:s0] =	ssyncpa.u1 $0x1;
	v0 =	vimm.s32 @p1 $0xFFFFFFFF  }
0x24b: {  	s0 =	sadd.s32 $0xFFFFFFFF, s6;
	[tilespmem:$0x10438] =	vst @p1 v0  }
0x24c: {  	v0 =	vld.msk @!p1 [tilespmem:s0+$0xE418], $0x1;
	_ =	sdelay $0x1  }
0x24d: {  	v1 =	vld.msk @!p1 [tilespmem:$0xE418], $0x1;
	_ =	sdelay $0x2  }
0x24e: {  	p2 =	seq.s32 @!p1 s0, $0x0;
	v0 =	vbroadcast @!p1 v0, $0x0  }
0x24f: {  	vm0 =	vmmov @!p1 $0x1;
	p2 =	por !p2, p1  }
0x250: {  	v1 =	vnsel @!p1 vm0, $0xFFFFFFFF, v1;
	vm0 =	vcmask @!p1 $0x308;
	v0 =	vpsel !p2, $0xFFFFFFFF, v0  }
0x251: {  	p2 =	sne.s32 @!p1 s8, s7;
	v0 =	vsel @!p1 vm0, v1, v0  }
0x252: {  	s2 =	simm.s32 @!p1 $0xE438;
	s3 =	simm.s32 @!p1 $0x0;
	p3 =	por !p2, p1;
	[tilespmem:$0x10438] =	vst @!p1 v0  }
0x253: {  	[spmem:s3] =	stream.linear.scatter @!p1 [tilespmem:s2], [sflag:$0x1], $0x100, $0x38;
	[tilespmem:$0x1E678] =	vst v63  }
0x254: {  	s2 =	sshll.u32 @!p3 s0, $0xA  }
0x255: {  	s2 =	sshra.s32 @!p3 s2, $0x2  }
0x256: {  	s3 =	simm.s32 @!p3 $0x100;
	s2 =	sadd.s32 @!p3 $0xE438, s2  }
0x257: {  	[spmem:s3] =	stream.linear.scatter @!p3 [tilespmem:s2], [sflag:$0x1], $0x100, $0x38;
	[tilespmem:$0x1E678] =	vst v63  }
0x258: {  	s2 =	simm.s32 @!p3 $0x1  }
0x259: {  	_ =	swait.ge @!p3 [sflag:s2], $0x200  }
0x25a: {  	p1 =	por p2, p1;
	[sflag:s2] =	ssyncset.done @!p3 $0x0  }
0x25b: {  	[sflag:s2] =	ssyncadd.s32 @!p3 $0xFFFFFE00;
	s2 =	simm.s32 @!p1 $0x1  }
0x25c: {  	_ =	swait.ge @!p1 [sflag:s2], $0x100  }
0x25d: {  	s29 =	simm.s32 $0x10438;
	[sflag:s2] =	ssyncset.done @!p1 $0x0  }
0x25e: {  	s30 =	simm.s32 $0x2000;
	s31 =	simm.s32 $0x1;
	[sflag:s2] =	ssyncadd.s32 @!p1 $0xFFFFFF00  }
0x25f: {  	[spmem:s30] =	stream.linear.scatter [tilespmem:s29], [sflag:$0x1], $0x10, $0x38;
	[tilespmem:$0x1E678] =	vst v63  }
0x260: {  	_ =	swait.ge [sflag:s31], $0x10  }
0x261: {  	[sflag:s31] =	ssyncset.done $0x0  }
0x262: {  	p1 =	seq.s32 s14, $0x0;
	s9 =	rddreg [dreg:$0x2];
	[sflag:s31] =	ssyncadd.s32 $0xFFFFFFF0  }
0x263: {  	s3 =	sshll.u32 @p1 s9, $0xE;
	s8 =	rddreg [dreg:$0x3]  }
0x264: {  	s2 =	sadd.s32 @p1 $0x15C3C, s3;
	s3 =	sshll.u32 @p1 s8, $0x11  }
0x265: {  	_ =	sfence.stream.spmem;
	s2 =	sor.u32 @p1 s3, s2  }
0x266: {  	[sflag:s2] =	ssyncadd.remote.s32 @p1 $0x1;
	s2 =	simm.s32 @p1 $0x4  }
0x267: {  	s4 =	simm.s32 @!p1 $0x3C;
	s3 =	sand.u32 $0xFFFFFFFE, s9;
	_ =	swait.ge @p1 [sflag:s2], $0x42  }
0x268: {  	s5 =	simm.s32 @!p1 $0x0;
	s3 =	sadd.s32 @!p1 $0x4, s3;
	[sflag:s2] =	ssyncset.done @p1 $0x0  }
0x269: {  	s7 =	simm.s32 @!p1 $0x200;
	[sflag:s2] =	ssyncadd.s32 @p1 $0xFFFFFFBE;
	s2 =	sshll.u32 @!p1 s3, $0x1A  }
0x26a: {  	s3 =	sshll.u32 @!p1 s3, $0xD;
	s2 =	sor.u32 @!p1 s2, s8;
	_ =	swait.eq @!p1 [sflag:s4], $0x1  }
0x26b: {  	s3 =	sor.u32 @!p1 $0x1C04, s3;
	s4 =	simm.s32 @!p1 $0x1C03;
	s2 =	sor.u32 @!p1 $0x80004000, s2  }
0x26c: {  	[spmem:s7], [sflag:s3] =	dma.general @!p1 [spmem:s5], [sflag:s4], length:$0x40, [dreg:$0x0], stride_count:$0x0, ici_dest:s2, dma_misc:DstOpCode:WRITE  }
0x26d: {  	p2 =	slt.s32 s0, $0x2;
	s5 =	simm.s32 @!p1 $0x400;
	s7 =	simm.s32 @!p1 $0x402  }
0x26e: {  	[spmem:s7], [sflag:s3] =	dma.general @!p1 [spmem:s5], [sflag:s4], length:$0x2, [dreg:$0x0], stride_count:$0x0, ici_dest:s2, dma_misc:DstOpCode:WRITE  }
.Ltmp33:
0x26f: {  	s2 =	simm.s32 @!p1 $0x3;
	(pc) =	sbr.rel @p2 .LBB2_44-.Ltmp33, $4  }
0x270: {  	s3 =	sshll.u32 @!p1 s9, $0xE;
	_ =	swait.ge @!p1 [sflag:s2], $0x42  }
0x271: {  	s4 =	sshll.u32 @!p1 s8, $0x11;
	s3 =	sadd.s32 @!p1 $0x11C3C, s3;
	[sflag:s2] =	ssyncset.done @!p1 $0x0  }
0x272: {  	[sflag:s2] =	ssyncadd.s32 @!p1 $0xFFFFFFBE;
	s2 =	sor.u32 @!p1 s4, s3  }
0x273: {  	s0 =	simm.s32 $0x0;
	[sflag:s2] =	ssyncadd.remote.s32 @!p1 $0xFFFFFFFF  }
0x274: {  	s0 =	simm.s32 $0xE419  }
0x275: {  	v0 =	vld.msk [tilespmem:s0+$0x0], $0x1;
	_ =	sdelay $0x4  }
0x276: {  	(v2sf) =	vpush v0, $0x0;
	_ =	sdelay $0xd  }
0x277: {  	s31 =	sadd.s32 $0xFFFFFFFE, s6  }
0x278: {  	s6 =	simm.s32 $0x0;
	s0 =	sadd.s32 $0xFFFFFFFF, s31;
	s2 =	spop (v2sf)  }
0x279: {  	s3 =	simm.s32 $0xE538;
	p1 =	sne.s32 s0, $0x0;
	p2 =	sgt.u32 s2, $0x4E170  }
.Ltmp34:
0x27a: {  	s4 =	simm.s32 $0xE638;
	s5 =	sand.u32 @!p2 $0x7FFF8, s2;
	(pc) =	sbr.rel @!p1 .LBB2_43-.Ltmp34, $4  }
0x27b: {  	s7 =	sadd.s32 @!p2 $0x80, s2;
	s2 =	sand.u32 @!p2 $0x7, s2;
	s6 =	simm.s32 @!p2 $0x400  }
0x27c: {  	s5 =	sadd.s32 @!p2 s1, s5;
	s7 =	sand.u32 @!p2 $0xFFFF8, s7;
	s6 =	sadd.s32 $0x0, s6  }
0x27d: {  	[hbm4b:s5+s2] =	stream.linear.scatter @!p2 [tilespmem:s3], [sflag:$0x5], $0x80, $0x38;
	[tilespmem:$0x1E678] =	vst v63  }
0x27e: {  	s5 =	simm.s32 $0xE41A;
	s3 =	simm.s32 @!p2 $0xE5B8;
	s7 =	sadd.s32 @!p2 s1, s7  }
.LBB2_42:
0x27f: {  	[hbm4b:s7+s2] =	stream.linear.scatter @!p2 [tilespmem:s3], [sflag:$0x5], $0x80, $0x38;
	[tilespmem:$0x1E678] =	vst v63  }
0x280: {  	s0 =	sadd.s32 $0xFFFFFFFF, s0;
	s3 =	smov.u32 s4;
	v0 =	vld.msk [tilespmem:s5+$0x0], $0x1  }
0x281: {  	p1 =	sne.s32 s0, $0x0;
	_ =	sdelay $0x3  }
0x282: {  	(v2sf) =	vpush v0, $0x0;
	_ =	sdelay $0xe  }
0x283: {  	s4 =	sadd.s32 $0x100, s4;
	s8 =	simm.s32 $0x0;
	s2 =	spop (v2sf)  }
.Ltmp35:
0x284: {  	s5 =	sadd.s32 $0x1, s5;
	p2 =	sgt.u32 s2, $0x4E170;
	(pc) =	sbr.rel @p1 .LBB2_42-.Ltmp35, $4  }
0x285: {  	s8 =	simm.s32 @!p2 $0x400;
	s7 =	sand.u32 @!p2 $0x7FFF8, s2;
	s9 =	sadd.s32 @!p2 $0x80, s2  }
0x286: {  	s2 =	sand.u32 @!p2 $0x7, s2;
	s7 =	sadd.s32 @!p2 s1, s7;
	s9 =	sand.u32 @!p2 $0xFFFF8, s9  }
0x287: {  	[hbm4b:s7+s2] =	stream.linear.scatter @!p2 [tilespmem:s3], [sflag:$0x5], $0x80, $0x38;
	[tilespmem:$0x1E678] =	vst v63  }
0x288: {  	s6 =	sadd.s32 s6, s8;
	s3 =	sadd.s32 @!p2 $0x80, s3;
	s7 =	sadd.s32 @!p2 s1, s9  }
.LBB2_43:
0x289: {  	[hbm4b:s7+s2] =	stream.linear.scatter @!p2 [tilespmem:s3], [sflag:$0x5], $0x80, $0x38;
	[tilespmem:$0x1E678] =	vst v63  }
0x28a: {  	s0 =	sshrl.u32 s6, $0x2  }
.LBB2_44:
0x28b: {  	s2 =	simm.s32 $0x5  }
0x28c: {  	_ =	swait.ge [sflag:s2], s0  }
0x28d: {  	s31 =	ssub.s32 $0x0, s0;
	[sflag:s2] =	ssyncset.done $0x0  }
0x28e: {  	[sflag:s2] =	ssyncadd.s32 s31  }
0x28f: {  	[sflag:s2] =	ssyncpa.u1 $0x1  }
.LBB2_45:
0x290: {  	s0 =	sor.u32 s14, s15  }
0x291: {  	p1 =	sne.s32 s0, $0x0  }
.Ltmp36:
0x292: {  	_ = 	snop;
	(pc) =	sbr.rel @p1 .LBB2_60-.Ltmp36, $3  }
0x293: {  	_ =	sdelay $0x1  }
0x294: {  	[bflag:$0x0] =	sbarrier.arrive $0xFFFF  }
0x295: {  	_ =	sfence  }
0x296: {  	s0 =	simm.s32 $0x7  }
0x297: {  	s2 =	simm.s32 $0x2000;
	s3 =	simm.s32 $0xE418;
	[sflag:s0] =	ssyncpa.u1 $0x0  }
0x298: {  	[tilespmem:s3], [sflag:$0x7] =	stream.linear.gather [spmem:s2], $0x20, $0x38;
	[tilespmem:$0x1E678] =	vst v63  }
0x299: {  	s30 =	simm.s32 $0xE438;
	s2 =	simm.s32 $0x0  }
0x29a: {  	[tilespmem:s30], [sflag:$0x7] =	stream.linear.gather [spmem:s2], $0x2000, $0x38;
	[tilespmem:$0x1E678] =	vst v63  }
.Ltmp37:
0x29b: {  	_ = 	snop;
	(pc) =	sbr.rel .LBB2_47-.Ltmp37, $4  }
0x29c: {  	_ =	swait.ge [sflag:s0], $0x2020  }
0x29d: {  	[sflag:s0] =	ssyncset.done $0x0  }
0x29e: {  	s31 =	simm.s32 $0x8;
	[sflag:s0] =	ssyncadd.s32 $0xFFFFDFE0  }
0x29f: {  	s3 =	simm.s32 $0x0;
	[sflag:s31] =	ssyncpa.u1 $0x0  }
.LBB2_53:
0x2a0: {  	p1 =	slt.u32 s0, $0x4E171  }
0x2a1: {  	s4 =	sand.u32 @p1 $0x7FFF8, s0;
	s5 =	sand.u32 @p1 $0x7, s0;
	s0 =	sadd.s32 @p1 $0x80, s0  }
0x2a2: {  	s6 =	simm.s32 @p1 $0xE308;
	s4 =	sadd.s32 @p1 s1, s4;
	s0 =	sand.u32 @p1 $0xFFFF8, s0  }
0x2a3: {  	[tilespmem:s6], [sflag:$0x8] =	stream.linear.gather @p1 [hbm4b:s4+s5], $0x80, $0x38;
	[tilespmem:$0x1E678] =	vst v63  }
0x2a4: {  	s0 =	sadd.s32 @p1 s1, s0;
	s4 =	simm.s32 @p1 $0xE388  }
0x2a5: {  	[tilespmem:s4], [sflag:$0x8] =	stream.linear.gather @p1 [hbm4b:s0+s5], $0x80, $0x38;
	[tilespmem:$0x1E678] =	vst v63  }
0x2a6: {  	s0 =	simm.s32 @p1 $0x8  }
0x2a7: {  	_ =	swait.ge @p1 [sflag:s0], $0x100  }
0x2a8: {  	[sflag:s0] =	ssyncset.done @p1 $0x0  }
0x2a9: {  	[sflag:s0] =	ssyncadd.s32 @p1 $0xFFFFFF00  }
0x2aa: {  	v1 =	vld @p1 [tilespmem:$0xE308];
	_ =	sdelay $0x2  }
0x2ab: {  	s0 =	sshll.u32 @p1 s3, $0xA  }
0x2ac: {  	s4 =	sshrl.u32 @p1 s0, $0x2  }
0x2ad: {  	[tilespmem:s4+$0xE438] =	vst.add.f32.msk @p1 $0xffff, v1  }
0x2ae: {  	v1 =	vld @p1 [tilespmem:$0xE318];
	_ =	sdelay $0x4  }
0x2af: {  	[tilespmem:s4+$0xE448] =	vst.add.f32.msk @p1 $0xffff, v1  }
0x2b0: {  	v1 =	vld @p1 [tilespmem:$0xE328];
	_ =	sdelay $0x4  }
0x2b1: {  	[tilespmem:s4+$0xE458] =	vst.add.f32.msk @p1 $0xffff, v1  }
0x2b2: {  	v1 =	vld @p1 [tilespmem:$0xE338];
	_ =	sdelay $0x4  }
0x2b3: {  	[tilespmem:s4+$0xE468] =	vst.add.f32.msk @p1 $0xffff, v1  }
0x2b4: {  	v1 =	vld @p1 [tilespmem:$0xE348];
	_ =	sdelay $0x4  }
0x2b5: {  	[tilespmem:s4+$0xE478] =	vst.add.f32.msk @p1 $0xffff, v1  }
0x2b6: {  	v1 =	vld @p1 [tilespmem:$0xE358];
	_ =	sdelay $0x4  }
0x2b7: {  	[tilespmem:s4+$0xE488] =	vst.add.f32.msk @p1 $0xffff, v1  }
0x2b8: {  	v1 =	vld @p1 [tilespmem:$0xE368];
	_ =	sdelay $0x4  }
0x2b9: {  	[tilespmem:s4+$0xE498] =	vst.add.f32.msk @p1 $0xffff, v1  }
0x2ba: {  	v1 =	vld @p1 [tilespmem:$0xE378];
	_ =	sdelay $0x4  }
0x2bb: {  	[tilespmem:s4+$0xE4A8] =	vst.add.f32.msk @p1 $0xffff, v1  }
0x2bc: {  	v1 =	vld @p1 [tilespmem:$0xE388];
	_ =	sdelay $0x4  }
0x2bd: {  	[tilespmem:s4+$0xE4B8] =	vst.add.f32.msk @p1 $0xffff, v1  }
0x2be: {  	v1 =	vld @p1 [tilespmem:$0xE398];
	_ =	sdelay $0x4  }
0x2bf: {  	[tilespmem:s4+$0xE4C8] =	vst.add.f32.msk @p1 $0xffff, v1  }
0x2c0: {  	v1 =	vld @p1 [tilespmem:$0xE3A8];
	_ =	sdelay $0x4  }
0x2c1: {  	[tilespmem:s4+$0xE4D8] =	vst.add.f32.msk @p1 $0xffff, v1  }
0x2c2: {  	v1 =	vld @p1 [tilespmem:$0xE3B8];
	_ =	sdelay $0x4  }
0x2c3: {  	[tilespmem:s4+$0xE4E8] =	vst.add.f32.msk @p1 $0xffff, v1  }
0x2c4: {  	v1 =	vld @p1 [tilespmem:$0xE3C8];
	_ =	sdelay $0x4  }
0x2c5: {  	[tilespmem:s4+$0xE4F8] =	vst.add.f32.msk @p1 $0xffff, v1  }
0x2c6: {  	v1 =	vld @p1 [tilespmem:$0xE3D8];
	_ =	sdelay $0x4  }
0x2c7: {  	[tilespmem:s4+$0xE508] =	vst.add.f32.msk @p1 $0xffff, v1  }
0x2c8: {  	v1 =	vld @p1 [tilespmem:$0xE3E8];
	_ =	sdelay $0x4  }
0x2c9: {  	[tilespmem:s4+$0xE518] =	vst.add.f32.msk @p1 $0xffff, v1  }
0x2ca: {  	v1 =	vld @p1 [tilespmem:$0xE3F8];
	_ =	sdelay $0x3  }
0x2cb: {  	s5 =	sshll.u32 @!p1 s3, $0xA  }
0x2cc: {  	s5 =	smov.u32 @p1 s0;
	[tilespmem:s4+$0xE528] =	vst.add.f32.msk @p1 $0xffff, v1  }
0x2cd: {  	s0 =	sshrl.u32 s5, $0x2;
	[tilespmem:s2+$0xE418] =	vst.msk $0x1, v0  }
0x2ce: {  	v0 =	vld [tilespmem:s0+$0xE438];
	_ =	sdelay $0x2  }
0x2cf: {  	s31 =	sshll.u32 s2, $0xA  }
0x2d0: {  	s4 =	sshra.s32 s31, $0x2  }
0x2d1: {  	[tilespmem:s4+$0xE438] =	vst v0  }
0x2d2: {  	v0 =	vld [tilespmem:s0+$0xE448];
	_ =	sdelay $0x4  }
0x2d3: {  	[tilespmem:s4+$0xE448] =	vst v0  }
0x2d4: {  	v0 =	vld [tilespmem:s0+$0xE458];
	_ =	sdelay $0x4  }
0x2d5: {  	[tilespmem:s4+$0xE458] =	vst v0  }
0x2d6: {  	v0 =	vld [tilespmem:s0+$0xE468];
	_ =	sdelay $0x4  }
0x2d7: {  	[tilespmem:s4+$0xE468] =	vst v0  }
0x2d8: {  	v0 =	vld [tilespmem:s0+$0xE478];
	_ =	sdelay $0x4  }
0x2d9: {  	[tilespmem:s4+$0xE478] =	vst v0  }
0x2da: {  	v0 =	vld [tilespmem:s0+$0xE488];
	_ =	sdelay $0x4  }
0x2db: {  	[tilespmem:s4+$0xE488] =	vst v0  }
0x2dc: {  	v0 =	vld [tilespmem:s0+$0xE498];
	_ =	sdelay $0x4  }
0x2dd: {  	[tilespmem:s4+$0xE498] =	vst v0  }
0x2de: {  	v0 =	vld [tilespmem:s0+$0xE4A8];
	_ =	sdelay $0x4  }
0x2df: {  	[tilespmem:s4+$0xE4A8] =	vst v0  }
0x2e0: {  	v0 =	vld [tilespmem:s0+$0xE4B8];
	_ =	sdelay $0x4  }
0x2e1: {  	[tilespmem:s4+$0xE4B8] =	vst v0  }
0x2e2: {  	v0 =	vld [tilespmem:s0+$0xE4C8];
	_ =	sdelay $0x4  }
0x2e3: {  	[tilespmem:s4+$0xE4C8] =	vst v0  }
0x2e4: {  	v0 =	vld [tilespmem:s0+$0xE4D8];
	_ =	sdelay $0x4  }
0x2e5: {  	[tilespmem:s4+$0xE4D8] =	vst v0  }
0x2e6: {  	v0 =	vld [tilespmem:s0+$0xE4E8];
	_ =	sdelay $0x4  }
0x2e7: {  	[tilespmem:s4+$0xE4E8] =	vst v0  }
0x2e8: {  	v0 =	vld [tilespmem:s0+$0xE4F8];
	_ =	sdelay $0x4  }
0x2e9: {  	[tilespmem:s4+$0xE4F8] =	vst v0  }
0x2ea: {  	v0 =	vld [tilespmem:s0+$0xE508];
	_ =	sdelay $0x4  }
0x2eb: {  	[tilespmem:s4+$0xE508] =	vst v0  }
0x2ec: {  	v0 =	vld [tilespmem:s0+$0xE518];
	_ =	sdelay $0x4  }
0x2ed: {  	[tilespmem:s4+$0xE518] =	vst v0  }
0x2ee: {  	v0 =	vld [tilespmem:s0+$0xE528];
	_ =	sdelay $0x4  }
0x2ef: {  	s2 =	sadd.s32 $0x1, s2;
	[tilespmem:s4+$0xE528] =	vst v0  }
.LBB2_54:
0x2f0: {  	s3 =	sadd.s32 $0x1, s3  }
0x2f1: {  	p1 =	sne.s32 s3, $0x20  }
.Ltmp38:
0x2f2: {  	_ = 	snop;
	(pc) =	sbr.rel @!p1 .LBB2_55-.Ltmp38, $1  }
0x2f3: {  	_ =	sdelay $0x3  }
.LBB2_47:
0x2f4: {  	v0 =	vld.msk [tilespmem:s3+$0xE418], $0x1;
	_ =	sdelay $0x4  }
0x2f5: {  	(v2sf) =	vpush v0, $0x0;
	_ =	sdelay $0xe  }
0x2f6: {  	s0 =	spop (v2sf)  }
0x2f7: {  	p1 =	seq.s32 s0, $0xFFFFFFFF  }
.Ltmp39:
0x2f8: {  	_ = 	snop;
	(pc) =	sbr.rel @p1 .LBB2_54-.Ltmp39, $1  }
0x2f9: {  	_ =	sdelay $0x3  }
0x2fa: {  	p1 =	slt.s32 s2, $0x1  }
.Ltmp40:
0x2fb: {  	_ = 	snop;
	(pc) =	sbr.rel @p1 .LBB2_53-.Ltmp40, $1  }
0x2fc: {  	_ =	sdelay $0x3  }
0x2fd: {  	s4 =	simm.s32 $0xE418;
	p1 =	por $0x0, $0x0  }
0x2fe: {  	v1 =	vld.msk @!p1 [tilespmem:s4+$0x0], $0x1;
	_ =	sdelay $0x4  }
0x2ff: {  	(v2sf) =	vpush @!p1 v1, $0x0;
	_ =	sdelay $0xd  }
0x300: {  	p3 =	sne.s32 s2, $0x1  }
.Ltmp41:
0x301: {  	s5 =	spop @!p1 (v2sf);
	(pc) =	sbr.rel @!p3 .LBB2_51-.Ltmp41, $4  }
0x302: {  	p2 =	seq.s32 @!p1 s0, s5  }
0x303: {  	s5 =	simm.s32 $0x0;
	p2 =	por !p2, p1  }
0x304: {  	s7 =	simm.s32 $0xFFFFFFFF;
	s5 =	simm.s32 @p2 $0xFFFFFFFF  }
0x305: {  	s6 =	simm.s32 $0x1;
	s5 =	smov.u32 @p1 s7  }
.LBB2_50:
0x306: {  	s7 =	smov.u32 s5;
	p1 =	sne.s32 s5, $0xFFFFFFFF  }
0x307: {  	s4 =	sadd.s32 $0x1, s4;
	s5 =	smov.u32 s6;
	s6 =	sadd.s32 $0x1, s6  }
0x308: {  	p2 =	sne.s32 s2, s6;
	v1 =	vld.msk @!p1 [tilespmem:s4+$0x0], $0x1;
	_ =	sdelay $0x4  }
0x309: {  	(v2sf) =	vpush @!p1 v1, $0x0;
	_ =	sdelay $0xe  }
.Ltmp42:
0x30a: {  	s8 =	spop @!p1 (v2sf);
	(pc) =	sbr.rel @p2 .LBB2_50-.Ltmp42, $4  }
0x30b: {  	p3 =	seq.s32 @!p1 s0, s8  }
0x30c: {  	p3 =	por !p3, p1  }
0x30d: {  	s5 =	simm.s32 @p3 $0xFFFFFFFF  }
0x30e: {  	s5 =	smov.u32 @p1 s7  }
.LBB2_51:
0x30f: {  	p1 =	seq.s32 s5, $0xFFFFFFFF  }
.Ltmp43:
0x310: {  	_ = 	snop;
	(pc) =	sbr.rel @p1 .LBB2_53-.Ltmp43, $1  }
0x311: {  	_ =	sdelay $0x3  }
0x312: {  	s0 =	sshll.u32 s3, $0x8  }
0x313: {  	s0 =	sand.u32 $0x3FFFFF00, s0  }
0x314: {  	v0 =	vld [tilespmem:s0+$0xE438];
	_ =	sdelay $0x2  }
0x315: {  	s4 =	sshll.u32 s5, $0xA  }
0x316: {  	s4 =	sshra.s32 s4, $0x2  }
0x317: {  	[tilespmem:s4+$0xE438] =	vst.add.f32.msk $0xffff, v0  }
0x318: {  	v0 =	vld [tilespmem:s0+$0xE448];
	_ =	sdelay $0x4  }
0x319: {  	[tilespmem:s4+$0xE448] =	vst.add.f32.msk $0xffff, v0  }
0x31a: {  	v0 =	vld [tilespmem:s0+$0xE458];
	_ =	sdelay $0x4  }
0x31b: {  	[tilespmem:s4+$0xE458] =	vst.add.f32.msk $0xffff, v0  }
0x31c: {  	v0 =	vld [tilespmem:s0+$0xE468];
	_ =	sdelay $0x4  }
0x31d: {  	[tilespmem:s4+$0xE468] =	vst.add.f32.msk $0xffff, v0  }
0x31e: {  	v0 =	vld [tilespmem:s0+$0xE478];
	_ =	sdelay $0x4  }
0x31f: {  	[tilespmem:s4+$0xE478] =	vst.add.f32.msk $0xffff, v0  }
0x320: {  	v0 =	vld [tilespmem:s0+$0xE488];
	_ =	sdelay $0x4  }
0x321: {  	[tilespmem:s4+$0xE488] =	vst.add.f32.msk $0xffff, v0  }
0x322: {  	v0 =	vld [tilespmem:s0+$0xE498];
	_ =	sdelay $0x4  }
0x323: {  	[tilespmem:s4+$0xE498] =	vst.add.f32.msk $0xffff, v0  }
0x324: {  	v0 =	vld [tilespmem:s0+$0xE4A8];
	_ =	sdelay $0x4  }
0x325: {  	[tilespmem:s4+$0xE4A8] =	vst.add.f32.msk $0xffff, v0  }
0x326: {  	v0 =	vld [tilespmem:s0+$0xE4B8];
	_ =	sdelay $0x4  }
0x327: {  	[tilespmem:s4+$0xE4B8] =	vst.add.f32.msk $0xffff, v0  }
0x328: {  	v0 =	vld [tilespmem:s0+$0xE4C8];
	_ =	sdelay $0x4  }
0x329: {  	[tilespmem:s4+$0xE4C8] =	vst.add.f32.msk $0xffff, v0  }
0x32a: {  	v0 =	vld [tilespmem:s0+$0xE4D8];
	_ =	sdelay $0x4  }
0x32b: {  	[tilespmem:s4+$0xE4D8] =	vst.add.f32.msk $0xffff, v0  }
0x32c: {  	v0 =	vld [tilespmem:s0+$0xE4E8];
	_ =	sdelay $0x4  }
0x32d: {  	[tilespmem:s4+$0xE4E8] =	vst.add.f32.msk $0xffff, v0  }
0x32e: {  	v0 =	vld [tilespmem:s0+$0xE4F8];
	_ =	sdelay $0x4  }
0x32f: {  	[tilespmem:s4+$0xE4F8] =	vst.add.f32.msk $0xffff, v0  }
0x330: {  	v0 =	vld [tilespmem:s0+$0xE508];
	_ =	sdelay $0x4  }
0x331: {  	[tilespmem:s4+$0xE508] =	vst.add.f32.msk $0xffff, v0  }
0x332: {  	v0 =	vld [tilespmem:s0+$0xE518];
	_ =	sdelay $0x4  }
0x333: {  	[tilespmem:s4+$0xE518] =	vst.add.f32.msk $0xffff, v0  }
0x334: {  	v0 =	vld [tilespmem:s0+$0xE528]  }
.Ltmp44:
0x335: {  	_ = 	snop;
	(pc) =	sbr.rel .LBB2_54-.Ltmp44, $2  }
0x336: {  	_ =	sdelay $0x2  }
0x337: {  	[tilespmem:s4+$0xE528] =	vst.add.f32.msk $0xffff, v0  }
.LBB2_55:
0x338: {  	p1 =	slt.s32 s2, $0x1  }
.Ltmp45:
0x339: {  	_ = 	snop;
	(pc) =	sbr.rel @p1 .LBB2_59-.Ltmp45, $3  }
0x33a: {  	_ =	sdelay $0x1  }
0x33b: {  	s0 =	simm.s32 $0x8  }
0x33c: {  	s4 =	simm.s32 $0x0;
	[sflag:s0] =	ssyncpa.u1 $0x1  }
0x33d: {  	s0 =	simm.s32 $0xE418  }
0x33e: {  	v0 =	vld.msk [tilespmem:s0+$0x0], $0x1;
	_ =	sdelay $0x4  }
0x33f: {  	(v2sf) =	vpush v0, $0x0;
	_ =	sdelay $0xe  }
0x340: {  	s0 =	sadd.s32 $0xFFFFFFFF, s2;
	s3 =	spop (v2sf)  }
0x341: {  	s6 =	simm.s32 $0xE438;
	p1 =	sne.s32 s0, $0x0;
	p2 =	sgt.u32 s3, $0x4E170  }
.Ltmp46:
0x342: {  	s2 =	simm.s32 $0xE538;
	s5 =	sand.u32 @!p2 $0x7FFF8, s3;
	(pc) =	sbr.rel @!p1 .LBB2_58-.Ltmp46, $4  }
0x343: {  	s7 =	sadd.s32 @!p2 $0x80, s3;
	s4 =	simm.s32 @!p2 $0x400;
	s8 =	sadd.s32 @!p2 s1, s5  }
0x344: {  	s5 =	sand.u32 @!p2 $0x7, s3;
	s3 =	simm.s32 $0xE419;
	s7 =	sand.u32 @!p2 $0xFFFF8, s7  }
0x345: {  	[hbm4b:s8+s5] =	stream.linear.scatter @!p2 [tilespmem:s6], [sflag:$0x7], $0x80, $0x38;
	[tilespmem:$0x1E678] =	vst v63  }
0x346: {  	s4 =	sadd.s32 $0x0, s4;
	s6 =	simm.s32 @!p2 $0xE4B8;
	s7 =	sadd.s32 @!p2 s1, s7  }
.LBB2_57:
0x347: {  	[hbm4b:s7+s5] =	stream.linear.scatter @!p2 [tilespmem:s6], [sflag:$0x7], $0x80, $0x38;
	[tilespmem:$0x1E678] =	vst v63  }
0x348: {  	s0 =	sadd.s32 $0xFFFFFFFF, s0;
	s6 =	smov.u32 s2;
	v0 =	vld.msk [tilespmem:s3+$0x0], $0x1  }
0x349: {  	p1 =	sne.s32 s0, $0x0;
	_ =	sdelay $0x3  }
0x34a: {  	(v2sf) =	vpush v0, $0x0;
	_ =	sdelay $0xe  }
0x34b: {  	s2 =	sadd.s32 $0x100, s2;
	s8 =	simm.s32 $0x0;
	s5 =	spop (v2sf)  }
.Ltmp47:
0x34c: {  	s3 =	sadd.s32 $0x1, s3;
	p2 =	sgt.u32 s5, $0x4E170;
	(pc) =	sbr.rel @p1 .LBB2_57-.Ltmp47, $4  }
0x34d: {  	s8 =	simm.s32 @!p2 $0x400;
	s7 =	sand.u32 @!p2 $0x7FFF8, s5;
	s9 =	sadd.s32 @!p2 $0x80, s5  }
0x34e: {  	s5 =	sand.u32 @!p2 $0x7, s5;
	s7 =	sadd.s32 @!p2 s1, s7;
	s9 =	sand.u32 @!p2 $0xFFFF8, s9  }
0x34f: {  	[hbm4b:s7+s5] =	stream.linear.scatter @!p2 [tilespmem:s6], [sflag:$0x7], $0x80, $0x38;
	[tilespmem:$0x1E678] =	vst v63  }
0x350: {  	s4 =	sadd.s32 s4, s8;
	s6 =	sadd.s32 @!p2 $0x80, s6;
	s7 =	sadd.s32 @!p2 s1, s9  }
.LBB2_58:
0x351: {  	[hbm4b:s7+s5] =	stream.linear.scatter @!p2 [tilespmem:s6], [sflag:$0x7], $0x80, $0x38;
	[tilespmem:$0x1E678] =	vst v63  }
0x352: {  	s4 =	sshrl.u32 s4, $0x2  }
.LBB2_59:
0x353: {  	s0 =	simm.s32 $0x7  }
0x354: {  	_ =	swait.ge [sflag:s0], s4  }
0x355: {  	s1 =	ssub.s32 $0x0, s4;
	[sflag:s0] =	ssyncset.done $0x0  }
0x356: {  	[sflag:s0] =	ssyncadd.s32 s1  }
0x357: {  	[sflag:s0] =	ssyncpa.u1 $0x1  }
.LBB2_60:
0x358: {  	_ =	sfence;
	s0 =	simm.s32 $0x1  }
0x359: {  	[sflag:s0] =	ssyncpa.u1 $0x1  }
0x35a: {  	_ =	strace $0x90000047  }
0x35b: {  	[bflag:$0x2] =	sbarrier.arrive $0xFFFF  }
0x35c: {  	s0 =	rddreg [dreg:$0x4]  }
0x35d: {  	s0 =	sadd.s32 @!p0 $0x100000, s0  }
0x35e: {  	[sflag:s0] =	ssyncadd.tile.s32 @!p0 $0x1;
	_ =	shalt  }
.Lfunc_end2:
_tile_overlayer_lowered:
.L_overlay_start_2:
0x35f: {  	(tag) =	ssettag $0x2  }
0x360: {  	s0 =	rddreg [dreg:$0x0];
	s2 =	stileid.u32  }
0x361: {  	s1 =	rddreg [dreg:$0x1];
	p0 =	sne.s32 s2, $0x0  }
0x362: {  	s3 =	rddreg [dreg:$0x2];
	[bflag:$0x3] =	sbarrier.arrive $0xFFFF;
	s2 =	simm.s32 @!p0 $0x1C01  }
0x363: {  	[timem:s3], [sflag:s2] =	dma.local @!p0 [hbm:s0], s1  }
0x364: {  	s0 =	simm.s32 @!p0 $0x1  }
0x365: {  	_ =	swait.ge @!p0 [sflag:s0], s1  }
0x366: {  	s1 =	ssub.s32 @!p0 $0x0, s1;
	[sflag:s0] =	ssyncset.done @!p0 $0x0  }
0x367: {  	[sflag:s0] =	ssyncadd.s32 @!p0 s1  }
0x368: {  	[bflag:$0x3] =	sbarrier.arrive $0xFFFF  }
0x369: {  	_ =	shalt  }

</sc_bundles>
